<compile_context>
chip_gen: v7x
topology: tpu7x:2x2x1
jax: 0.10.2.dev20260603
libtpu: 0.0.44.dev20260713+nightly
codegen_flags: <defaults>
</compile_context>

<pallas_src>
import jax
import jax.numpy as jnp
from jax import lax
from jax.experimental import pallas as pl
from jax.experimental.pallas import tpu as pltpu
from jax.experimental.pallas import tpu_sc as plsc

N = 10000
E = 320000
DIN = 128
DE = 16
DOUT = 128

NC = 2
NS = 16
NW = NC * NS
CHUNK = 64
CPT = 158
E_PAD = CHUNK * CPT * NW
NCHT = E_PAD // CHUNK
CPT0 = 212
CPT1 = 2 * CPT - CPT0
N_PAD = 10112
RPT = N_PAD // NS



def _x1_body(x_ref, w_ref, o_ref):
    o_ref[...] = jnp.dot(x_ref[...], w_ref[...],
                         preferred_element_type=jnp.float32)


def _e2_body(e_ref, w_ref, b_ref, o_ref):
    r = jnp.dot(e_ref[...].astype(jnp.bfloat16), w_ref[...],
                preferred_element_type=jnp.float32) + b_ref[...]
    o_ref[...] = pltpu.bitcast(r.astype(jnp.bfloat16), jnp.int32)


def _apply_body(x_ref, h0_ref, h1_ref, wa1_ref, wa2_ref, b_ref, o_ref):
    acc = jnp.dot(x_ref[...], wa1_ref[...], preferred_element_type=jnp.float32)
    h = h0_ref[0] + h1_ref[0]
    acc = acc + jnp.dot(h, wa2_ref[...], preferred_element_type=jnp.float32)
    o_ref[...] = jnp.maximum(acc + b_ref[...], 0.0)


def _tc_x1(x, w1):
    nb = 10
    blk = N // nb
    return pl.pallas_call(
        _x1_body,
        grid=(nb,),
        in_specs=[
            pl.BlockSpec((blk, DIN), lambda i: (i, 0)),
            pl.BlockSpec((DIN, DOUT), lambda i: (0, 0)),
        ],
        out_specs=pl.BlockSpec((blk, DOUT), lambda i: (i, 0)),
        out_shape=jax.ShapeDtypeStruct((N, DOUT), jnp.float32),
    )(x, w1)


def _tc_e2(e, w2, b):
    blk = 16000
    nb = E // blk
    return pl.pallas_call(
        _e2_body,
        grid=(nb,),
        in_specs=[
            pl.BlockSpec((blk, DE), lambda i: (i, 0)),
            pl.BlockSpec((DE, DOUT), lambda i: (0, 0)),
            pl.BlockSpec((1, DOUT), lambda i: (0, 0)),
        ],
        out_specs=pl.BlockSpec((blk // 2, DOUT), lambda i: (i, 0)),
        out_shape=jax.ShapeDtypeStruct((E_PAD // 2, DOUT), jnp.int32),
    )(e, w2, b)


def _tc_apply(x, parts, wa1, wa2, b):
    nb = 10
    blk = N // nb
    return pl.pallas_call(
        _apply_body,
        grid=(nb,),
        in_specs=[
            pl.BlockSpec((blk, DIN), lambda i: (i, 0)),
            pl.BlockSpec((1, blk, DOUT), lambda i: (0, i, 0)),
            pl.BlockSpec((1, blk, DOUT), lambda i: (1, i, 0)),
            pl.BlockSpec((DIN, DOUT), lambda i: (0, 0)),
            pl.BlockSpec((DOUT, DOUT), lambda i: (0, 0)),
            pl.BlockSpec((1, DOUT), lambda i: (0, 0)),
        ],
        out_specs=pl.BlockSpec((blk, DOUT), lambda i: (i, 0)),
        out_shape=jax.ShapeDtypeStruct((N, DOUT), jnp.float32),
    )(x, parts, parts, wa1, wa2, b)



def _sc_body(x1_hbm, e2_hbm, idx_hbm, zeros_hbm, parts_hbm,
             idx0, idx1, rows0, rows1, e20, e21, sb0, sb1, dstx0, dstx1,
             acc_sh,
             lsem0, lsem1, gsem0, gsem1, esem0, esem1, ssem0, ssem1):
    c = lax.axis_index("c")
    s = lax.axis_index("s")
    idxb = (idx0, idx1)
    rows = (rows0, rows1)
    e2b = (e20, e21)
    sb = (sb0, sb1)
    dstx = (dstx0, dstx1)
    lsem = (lsem0, lsem1)
    gsem = (gsem0, gsem1)
    esem = (esem0, esem1)
    ssem = (ssem0, ssem1)

    cpt = CPT0 - (CPT0 - CPT1) * c
    cbase = c * (NS * CPT0) + s * cpt

    pltpu.sync_copy(zeros_hbm.at[pl.ds(s * RPT, RPT)],
                    acc_sh.at[pl.ds(s * RPT, RPT)])
    plsc.subcore_barrier()

    def issue_idx(p, i):
        pltpu.make_async_copy(idx_hbm.at[cbase + i], idxb[p], lsem[p]).start()

    def wait_idx(p):
        pltpu.make_async_copy(idx_hbm.at[0], idxb[p], lsem[p]).wait()

    def issue_gather(p):
        pltpu.make_async_copy(x1_hbm.at[idxb[p].at[pl.ds(0, CHUNK)]], rows[p],
                              gsem[p]).start()

    def wait_gather(p):
        pltpu.make_async_copy(x1_hbm.at[idxb[p].at[pl.ds(0, CHUNK)]], rows[p],
                              gsem[p]).wait()

    def issue_e2(p, i):
        off = (cbase + i) * (CHUNK // 2)
        pltpu.make_async_copy(e2_hbm.at[pl.ds(off, CHUNK // 2)], e2b[p],
                              esem[p]).start()

    def wait_e2(p):
        pltpu.make_async_copy(e2_hbm.at[pl.ds(0, CHUNK // 2)], e2b[p],
                              esem[p]).wait()

    def issue_scatter(p):
        pltpu.async_copy(sb[p], acc_sh.at[dstx[p]], ssem[p], add=True)

    def wait_scatter(p):
        pltpu.make_async_copy(sb[p], acc_sh.at[dstx[p]], ssem[p]).wait()

    def step(p, i):
        p1 = 1 - p
        wait_gather(p)

        @pl.when(i + 1 < cpt)
        def _():
            wait_idx(p1)
            issue_gather(p1)
            issue_e2(p1, i + 1)

        wait_e2(p)

        @pl.when(i >= 2)
        def _():
            wait_scatter(p)

        def cbody(r2):
            ra = 2 * r2
            rb = 2 * r2 + 1
            for j in range(8):
                sl = pl.ds(j * 16, 16)
                w = e2b[p][r2, sl]
                lo = lax.bitcast_convert_type(w << 16, jnp.float32)
                hi = lax.bitcast_convert_type(w & jnp.int32(-65536),
                                              jnp.float32)
                sb[p][ra, sl] = jnp.maximum(rows[p][ra, sl] + lo, 0.0)
                sb[p][rb, sl] = jnp.maximum(rows[p][rb, sl] + hi, 0.0)
        plsc.parallel_loop(0, CHUNK // 2, 1, unroll=2)(cbody)

        for j in range(4):
            dstx[p][pl.ds(j * 16, 16)] = idxb[p][pl.ds(CHUNK + j * 16, 16)]
        issue_scatter(p)

        @pl.when(i + 2 < cpt)
        def _():
            issue_idx(p, i + 2)

    issue_idx(0, 0)
    issue_idx(1, 1)
    wait_idx(0)
    issue_gather(0)
    issue_e2(0, 0)

    def pair_body(k, _):
        step(0, 2 * k)
        step(1, 2 * k + 1)
        return 0

    lax.fori_loop(0, cpt // 2, pair_body, 0)
    wait_scatter(0)
    wait_scatter(1)
    plsc.subcore_barrier()

    pltpu.sync_copy(acc_sh.at[pl.ds(s * RPT, RPT)],
                    parts_hbm.at[c, pl.ds(s * RPT, RPT)])


def _sc_scatter(x1, e2p, idx_pairs, zeros):
    mesh = plsc.VectorSubcoreMesh(core_axis_name="c", subcore_axis_name="s")
    f = pl.kernel(
        _sc_body,
        out_type=jax.ShapeDtypeStruct((NC, N_PAD, DOUT), jnp.float32),
        mesh=mesh,
        scratch_types=[
            pltpu.VMEM((2 * CHUNK,), jnp.int32),
            pltpu.VMEM((2 * CHUNK,), jnp.int32),
            pltpu.VMEM((CHUNK, DOUT), jnp.float32),
            pltpu.VMEM((CHUNK, DOUT), jnp.float32),
            pltpu.VMEM((CHUNK // 2, DOUT), jnp.int32),
            pltpu.VMEM((CHUNK // 2, DOUT), jnp.int32),
            pltpu.VMEM((CHUNK, DOUT), jnp.float32),
            pltpu.VMEM((CHUNK, DOUT), jnp.float32),
            pltpu.VMEM((CHUNK,), jnp.int32),
            pltpu.VMEM((CHUNK,), jnp.int32),
            pltpu.VMEM_SHARED((N_PAD, DOUT), jnp.float32),
            pltpu.SemaphoreType.DMA,
            pltpu.SemaphoreType.DMA,
            pltpu.SemaphoreType.DMA,
            pltpu.SemaphoreType.DMA,
            pltpu.SemaphoreType.DMA,
            pltpu.SemaphoreType.DMA,
            pltpu.SemaphoreType.DMA,
            pltpu.SemaphoreType.DMA,
        ],
    )
    return f(x1, e2p, idx_pairs, zeros)



def kernel(edge_index, nfeats, efeats, W_msg, b_msg, W_apply, b_apply):
    x = nfeats.reshape(N, DIN)
    e = efeats.reshape(E, DE)
    src = edge_index[0]
    dst = edge_index[1]

    W1 = W_msg[:DIN]
    W2 = W_msg[DIN:]
    Wa1 = W_apply[:DIN]
    Wa2 = W_apply[DIN:]

    x1 = _tc_x1(x, W1)

    srcp = jnp.pad(src, (0, E_PAD - E))
    dstp = jnp.pad(dst, (0, E_PAD - E), constant_values=N)
    idx_pairs = jnp.concatenate([srcp.reshape(NCHT, CHUNK),
                                 dstp.reshape(NCHT, CHUNK)], axis=1)
    zeros = jnp.zeros((N_PAD, DOUT), jnp.float32)

    e2p = _tc_e2(e, W2.astype(jnp.bfloat16),
                 b_msg.reshape(1, DOUT))
    parts = _sc_scatter(x1, e2p, idx_pairs, zeros)

    out = _tc_apply(x, parts, Wa1, Wa2, b_apply.reshape(1, DOUT))
    return out.reshape(N, 1, DOUT)

# --- scband reference (transcript-rebuilt; emitter-appended) ---
"""Pipeline reference for scband-gnn-layer-24524263260519 (READ-ONLY COPY).

The authoritative reference and input builder live on the scoring server;
editing this copy changes nothing except your own understanding.
"""

import jax, jax.numpy as jnp
import numpy as np

N = 10000
E = 320000
DIN = 128
DE = 16
DOUT = 128


def setup_inputs(seed: int = 0) -> dict:
    key = jax.random.key(seed)
    k1, k2, k3, k4, k5, k6, k7 = jax.random.split(key, 7)
    edge_index = jax.random.randint(k1, (2, E), 0, N, dtype=jnp.int32)
    nfeats = jax.random.normal(k2, (N, 1, DIN), dtype=jnp.float32)
    efeats = jax.random.normal(k3, (E, 1, DE), dtype=jnp.float32)
    # Learned params (nn.Linear: W_msg [DIN+DE -> DOUT], W_apply [DIN+DOUT -> DOUT])
    W_msg = jax.random.normal(k4, (DIN + DE, DOUT), dtype=jnp.float32) * (1.0 / np.sqrt(DIN + DE))
    b_msg = jax.random.normal(k5, (DOUT,), dtype=jnp.float32) * 0.01
    W_apply = jax.random.normal(k6, (DIN + DOUT, DOUT), dtype=jnp.float32) * (1.0 / np.sqrt(DIN + DOUT))
    b_apply = jax.random.normal(k7, (DOUT,), dtype=jnp.float32) * 0.01
    return {"edge_index": edge_index, "nfeats": nfeats, "efeats": efeats,
            "W_msg": W_msg, "b_msg": b_msg, "W_apply": W_apply, "b_apply": b_apply}


def reference(edge_index, nfeats, efeats, W_msg, b_msg, W_apply, b_apply):
    src = edge_index[0]
    dst = edge_index[1]
    # message: m = relu(W_msg(cat([h_src, e_h], -1)))
    h_src = jnp.take(nfeats, src, axis=0)              # [E, 1, DIN]  (gather)
    msg_in = jnp.concatenate([h_src, efeats], axis=-1)  # [E, 1, DIN+DE]
    m = jax.nn.relu(jnp.einsum('eld,do->elo', msg_in, W_msg) + b_msg)  # [E, 1, DOUT]
    # reduce: sum of messages per destination node (scatter-add)
    h_neigh = jax.ops.segment_sum(m, dst, num_segments=N)  # [N, 1, DOUT]
    # apply: h = relu(W_apply(cat([h, h_neigh], -1)))
    apply_in = jnp.concatenate([nfeats, h_neigh], axis=-1)  # [N, 1, DIN+DOUT]
    out = jax.nn.relu(jnp.einsum('nld,do->nlo', apply_in, W_apply) + b_apply)
    return out

if __name__ == "__main__":
    import jax
    _d = setup_inputs()
    print(jax.jit(kernel)(*tuple(_d.values())))

</pallas_src>

<mosaic_0001>
#map = affine_map<(d0, d1) -> (0, 0)>
#map1 = affine_map<(d0, d1) -> (0, 0, 0)>
module attributes {stable_mosaic.version = 14 : i64} {
  func.func @_sc_body(%arg0: i32, %arg1: i32, %arg2: memref<10000x128xf32, #tpu.memory_space<hbm>>, %arg3: memref<161792x128xi32, #tpu.memory_space<hbm>>, %arg4: memref<5056x128xi32, #tpu.memory_space<hbm>>, %arg5: memref<10112x128xf32, #tpu.memory_space<hbm>>, %arg6: memref<2x10112x128xf32, #tpu.memory_space<hbm>>, %arg7: memref<128xi32, #tpu.memory_space<vmem>>, %arg8: memref<128xi32, #tpu.memory_space<vmem>>, %arg9: memref<64x128xf32, #tpu.memory_space<vmem>>, %arg10: memref<64x128xf32, #tpu.memory_space<vmem>>, %arg11: memref<32x128xi32, #tpu.memory_space<vmem>>, %arg12: memref<32x128xi32, #tpu.memory_space<vmem>>, %arg13: memref<64x128xf32, #tpu.memory_space<vmem>>, %arg14: memref<64x128xf32, #tpu.memory_space<vmem>>, %arg15: memref<64xi32, #tpu.memory_space<vmem>>, %arg16: memref<64xi32, #tpu.memory_space<vmem>>, %arg17: memref<10112x128xf32, #tpu.memory_space<vmem_shared>>, %arg18: memref<!tpu.dma_semaphore, #tpu.memory_space<semaphore_mem>>, %arg19: memref<!tpu.dma_semaphore, #tpu.memory_space<semaphore_mem>>, %arg20: memref<!tpu.dma_semaphore, #tpu.memory_space<semaphore_mem>>, %arg21: memref<!tpu.dma_semaphore, #tpu.memory_space<semaphore_mem>>, %arg22: memref<!tpu.dma_semaphore, #tpu.memory_space<semaphore_mem>>, %arg23: memref<!tpu.dma_semaphore, #tpu.memory_space<semaphore_mem>>, %arg24: memref<!tpu.dma_semaphore, #tpu.memory_space<semaphore_mem>>, %arg25: memref<!tpu.dma_semaphore, #tpu.memory_space<semaphore_mem>>) attributes {dimension_semantics = [#tpu.dimension_semantics<core_parallel>, #tpu.dimension_semantics<subcore_parallel>], iteration_bounds = array<i64: 2, 16>, scalar_prefetch = 0 : i64, scratch_operands = 19 : i64, tpu.core_type = #tpu.core_type<sc_vector_subcore>, window_params = [{transform_indices = #map}, {transform_indices = #map}, {transform_indices = #map}, {transform_indices = #map}, {transform_indices = #map1}]} {
    %mul3A = arith.constant 108 : i32
    %mul3A_0 = arith.muli %mul3A, %arg0 : i32
    %sub3A = arith.constant 212 : i32
    %sub3A_1 = arith.subi %sub3A, %mul3A_0 : i32
    %mul3A_2 = arith.constant 3392 : i32
    %mul3A_3 = arith.muli %arg0, %mul3A_2 : i32
    %mul3A_4 = arith.muli %arg1, %sub3A_1 : i32
    %add3A = arith.addi %mul3A_3, %mul3A_4 : i32
    %mul3A_5 = arith.constant 632 : i32
    %mul3A_6 = arith.muli %arg1, %mul3A_5 : i32
    %mul3A_7 = arith.constant 632 : i32
    %mul3A_8 = arith.muli %arg1, %mul3A_7 : i32
    "tpu.region"() ({
      %run_scoped3A = tpu.sem_alloc : memref<!tpu.dma_semaphore, #tpu.memory_space<semaphore_mem>>
      %dma_start3A_82 = arith.constant 0 : i32
      %dma_start3A_83 = tpu.memref_slice %arg17[%mul3A_8, %dma_start3A_82] : memref<10112x128xf32, #tpu.memory_space<vmem_shared>> -> memref<632x128xf32, #tpu.memory_space<vmem_shared>>
      %dma_start3A_84 = arith.constant 0 : i32
      %dma_start3A_85 = tpu.memref_slice %arg5[%mul3A_6, %dma_start3A_84] : memref<10112x128xf32, #tpu.memory_space<hbm>> -> memref<632x128xf32, #tpu.memory_space<hbm>>
      tpu.enqueue_dma source(%dma_start3A_85 : memref<632x128xf32, #tpu.memory_space<hbm>>) target(%dma_start3A_83 : memref<632x128xf32, #tpu.memory_space<vmem_shared>>) target_semaphore(%run_scoped3A : memref<!tpu.dma_semaphore, #tpu.memory_space<semaphore_mem>>)
      %dma_wait3A_86 = arith.constant 0 : i32
      %dma_wait3A_87 = tpu.memref_slice %arg17[%mul3A_8, %dma_wait3A_86] : memref<10112x128xf32, #tpu.memory_space<vmem_shared>> -> memref<632x128xf32, #tpu.memory_space<vmem_shared>>
      %dma_wait3A_88 = arith.constant 0 : i32
      %dma_wait3A_89 = tpu.memref_slice %arg5[%mul3A_6, %dma_wait3A_88] : memref<10112x128xf32, #tpu.memory_space<hbm>> -> memref<632x128xf32, #tpu.memory_space<hbm>>
      tpu.wait_dma2 semaphore(%run_scoped3A : memref<!tpu.dma_semaphore, #tpu.memory_space<semaphore_mem>>) src(%dma_wait3A_89 : memref<632x128xf32, #tpu.memory_space<hbm>>) dst(%dma_wait3A_87 : memref<632x128xf32, #tpu.memory_space<vmem_shared>>)
      tpu.yield
    }) : () -> ()
    %barrier3A = arith.constant 0 : index
    tpu.barrier barrier_id(%barrier3A)
    %add3A_9 = arith.constant 0 : i32
    %add3A_10 = arith.addi %add3A, %add3A_9 : i32
    %dma_start3A = arith.constant 0 : i32
    %dma_start3A_11 = tpu.memref_slice %arg4[%add3A_10, %dma_start3A] : memref<5056x128xi32, #tpu.memory_space<hbm>> -> memref<1x128xi32, #tpu.memory_space<hbm>>
    %dma_start3A_12 = tpu.memref_squeeze %dma_start3A_11 : memref<1x128xi32, #tpu.memory_space<hbm>> -> memref<128xi32, #tpu.memory_space<hbm>>
    %dma_start3A_13 = arith.constant 0 : i32
    %dma_start3A_14 = tpu.memref_slice %arg4[%add3A_10, %dma_start3A_13] : memref<5056x128xi32, #tpu.memory_space<hbm>> -> memref<1x128xi32, #tpu.memory_space<hbm>>
    %dma_start3A_15 = tpu.memref_squeeze %dma_start3A_14 : memref<1x128xi32, #tpu.memory_space<hbm>> -> memref<128xi32, #tpu.memory_space<hbm>>
    tpu.enqueue_dma source(%dma_start3A_15 : memref<128xi32, #tpu.memory_space<hbm>>) target(%arg7 : memref<128xi32, #tpu.memory_space<vmem>>) target_semaphore(%arg18 : memref<!tpu.dma_semaphore, #tpu.memory_space<semaphore_mem>>)
    %add3A_16 = arith.constant 1 : i32
    %add3A_17 = arith.addi %add3A, %add3A_16 : i32
    %dma_start3A_18 = arith.constant 0 : i32
    %dma_start3A_19 = tpu.memref_slice %arg4[%add3A_17, %dma_start3A_18] : memref<5056x128xi32, #tpu.memory_space<hbm>> -> memref<1x128xi32, #tpu.memory_space<hbm>>
    %dma_start3A_20 = tpu.memref_squeeze %dma_start3A_19 : memref<1x128xi32, #tpu.memory_space<hbm>> -> memref<128xi32, #tpu.memory_space<hbm>>
    %dma_start3A_21 = arith.constant 0 : i32
    %dma_start3A_22 = tpu.memref_slice %arg4[%add3A_17, %dma_start3A_21] : memref<5056x128xi32, #tpu.memory_space<hbm>> -> memref<1x128xi32, #tpu.memory_space<hbm>>
    %dma_start3A_23 = tpu.memref_squeeze %dma_start3A_22 : memref<1x128xi32, #tpu.memory_space<hbm>> -> memref<128xi32, #tpu.memory_space<hbm>>
    tpu.enqueue_dma source(%dma_start3A_23 : memref<128xi32, #tpu.memory_space<hbm>>) target(%arg8 : memref<128xi32, #tpu.memory_space<vmem>>) target_semaphore(%arg19 : memref<!tpu.dma_semaphore, #tpu.memory_space<semaphore_mem>>)
    %dma_wait3A = arith.constant 0 : i32
    %dma_wait3A_24 = arith.constant 0 : i32
    %dma_wait3A_25 = tpu.memref_slice %arg4[%dma_wait3A, %dma_wait3A_24] : memref<5056x128xi32, #tpu.memory_space<hbm>> -> memref<1x128xi32, #tpu.memory_space<hbm>>
    %dma_wait3A_26 = tpu.memref_squeeze %dma_wait3A_25 : memref<1x128xi32, #tpu.memory_space<hbm>> -> memref<128xi32, #tpu.memory_space<hbm>>
    %dma_wait3A_27 = arith.constant 0 : i32
    %dma_wait3A_28 = tpu.memref_slice %arg4[%dma_wait3A, %dma_wait3A_27] : memref<5056x128xi32, #tpu.memory_space<hbm>> -> memref<1x128xi32, #tpu.memory_space<hbm>>
    %dma_wait3A_29 = tpu.memref_squeeze %dma_wait3A_28 : memref<1x128xi32, #tpu.memory_space<hbm>> -> memref<128xi32, #tpu.memory_space<hbm>>
    tpu.wait_dma2 semaphore(%arg18 : memref<!tpu.dma_semaphore, #tpu.memory_space<semaphore_mem>>) src(%dma_wait3A_29 : memref<128xi32, #tpu.memory_space<hbm>>) dst(%arg7 : memref<128xi32, #tpu.memory_space<vmem>>)
    %dma_start3A_30 = arith.constant 0 : i32
    %dma_start3A_31 = tpu.memref_slice %arg7[%dma_start3A_30] : memref<128xi32, #tpu.memory_space<vmem>> -> memref<64xi32, #tpu.memory_space<vmem>>
    %dma_start3A_32 = arith.constant 0 : i32
    %dma_start3A_33 = arith.constant 0 : i32
    %dma_start3A_34 = tpu.memref_slice %arg2[%dma_start3A_32, %dma_start3A_33] : memref<10000x128xf32, #tpu.memory_space<hbm>> -> memref<10000x128xf32, #tpu.memory_space<hbm>>
    tpu.enqueue_indirect_dma source(%dma_start3A_34 : memref<10000x128xf32, #tpu.memory_space<hbm>>) target(%arg9 : memref<64x128xf32, #tpu.memory_space<vmem>>) offsets(%dma_start3A_31 : memref<64xi32, #tpu.memory_space<vmem>>) semaphore(%arg20 : memref<!tpu.dma_semaphore, #tpu.memory_space<semaphore_mem>>)
    %add3A_35 = arith.constant 0 : i32
    %add3A_36 = arith.addi %add3A, %add3A_35 : i32
    %mul3A_37 = arith.constant 32 : i32
    %mul3A_38 = arith.muli %add3A_36, %mul3A_37 : i32
    %dma_start3A_39 = arith.constant 0 : i32
    %dma_start3A_40 = tpu.memref_slice %arg3[%mul3A_38, %dma_start3A_39] : memref<161792x128xi32, #tpu.memory_space<hbm>> -> memref<32x128xi32, #tpu.memory_space<hbm>>
    %dma_start3A_41 = arith.constant 0 : i32
    %dma_start3A_42 = tpu.memref_slice %arg3[%mul3A_38, %dma_start3A_41] : memref<161792x128xi32, #tpu.memory_space<hbm>> -> memref<32x128xi32, #tpu.memory_space<hbm>>
    tpu.enqueue_dma source(%dma_start3A_42 : memref<32x128xi32, #tpu.memory_space<hbm>>) target(%arg11 : memref<32x128xi32, #tpu.memory_space<vmem>>) target_semaphore(%arg22 : memref<!tpu.dma_semaphore, #tpu.memory_space<semaphore_mem>>)
    %jit3A = arith.constant 2 : i32
    %div3A = arith.divsi %sub3A_1, %jit3A : i32
    %sign3A = arith.constant 0 : i32
    %sign3A_43 = arith.cmpi sgt, %sub3A_1, %sign3A : i32
    %sign3A_44 = arith.extui %sign3A_43 : i1 to i32
    %sign3A_45 = arith.constant 0 : i32
    %sign3A_46 = arith.cmpi slt, %sub3A_1, %sign3A_45 : i32
    %sign3A_47 = arith.extui %sign3A_46 : i1 to i32
    %sign3A_48 = arith.subi %sign3A_44, %sign3A_47 : i32
    %sign3A_49 = arith.constant 0 : i32
    %sign3A_50 = arith.cmpi sgt, %jit3A, %sign3A_49 : i32
    %sign3A_51 = arith.extui %sign3A_50 : i1 to i32
    %sign3A_52 = arith.constant 0 : i32
    %sign3A_53 = arith.cmpi slt, %jit3A, %sign3A_52 : i32
    %sign3A_54 = arith.extui %sign3A_53 : i1 to i32
    %sign3A_55 = arith.subi %sign3A_51, %sign3A_54 : i32
    %ne3A = arith.cmpi ne, %sign3A_48, %sign3A_55 : i32
    %rem3A = arith.remsi %sub3A_1, %jit3A : i32
    %ne3A_56 = arith.constant 0 : i32
    %ne3A_57 = arith.cmpi ne, %rem3A, %ne3A_56 : i32
    %and3A = arith.andi %ne3A, %ne3A_57 : i1
    %sub3A_58 = arith.constant 1 : i32
    %sub3A_59 = arith.subi %div3A, %sub3A_58 : i32
    %select_n3A = arith.select %and3A, %sub3A_59, %div3A : i32
    %while3A = arith.constant 0 : i32
    %while3A_60 = arith.constant 0 : i32
    %while3A_61 = arith.subi %select_n3A, %while3A : i32
    %while3A_62 = arith.addi %while3A, %while3A_61 : i32
    %while3A_63 = arith.constant 1 : i32
    %while3A_64 = arith.divsi %while3A_61, %while3A_63 : i32
    %while3A_65 = arith.muli %while3A_64, %while3A_63 : i32
    %while3A_66 = arith.addi %while3A, %while3A_65 : i32
    %while3A_67 = arith.constant 1 : i32
    %while3A_68 = scf.for %while3A_82 = %while3A to %while3A_66 step %while3A_67 iter_args(%while3A_83 = %while3A_60) -> (i32)  : i32 {
      %mul3A_84 = arith.constant 2 : i32
      %mul3A_85 = arith.muli %mul3A_84, %while3A_82 : i32
      %dma_wait3A_86 = arith.constant 0 : i32
      %dma_wait3A_87 = tpu.memref_slice %arg7[%dma_wait3A_86] : memref<128xi32, #tpu.memory_space<vmem>> -> memref<64xi32, #tpu.memory_space<vmem>>
      %dma_wait3A_88 = arith.constant 0 : i32
      %dma_wait3A_89 = arith.constant 0 : i32
      %dma_wait3A_90 = tpu.memref_slice %arg2[%dma_wait3A_88, %dma_wait3A_89] : memref<10000x128xf32, #tpu.memory_space<hbm>> -> memref<10000x128xf32, #tpu.memory_space<hbm>>
      tpu.wait_indirect_dma semaphore(%arg20 : memref<!tpu.dma_semaphore, #tpu.memory_space<semaphore_mem>>) src(%dma_wait3A_90 : memref<10000x128xf32, #tpu.memory_space<hbm>>) dst(%arg9 : memref<64x128xf32, #tpu.memory_space<vmem>>)
      %add3A_91 = arith.constant 1 : i32
      %add3A_92 = arith.addi %mul3A_85, %add3A_91 : i32
      %lt3A = arith.cmpi slt, %add3A_92, %sub3A_1 : i32
      %convert_element_type3A = arith.extui %lt3A : i1 to i32
      %cond3A = arith.constant 0 : i32
      %cond3A_93 = arith.cmpi ne, %convert_element_type3A, %cond3A : i32
      scf.if %cond3A_93 {
        %dma_wait3A_208 = arith.constant 0 : i32
        %dma_wait3A_209 = arith.constant 0 : i32
        %dma_wait3A_210 = tpu.memref_slice %arg4[%dma_wait3A_208, %dma_wait3A_209] : memref<5056x128xi32, #tpu.memory_space<hbm>> -> memref<1x128xi32, #tpu.memory_space<hbm>>
        %dma_wait3A_211 = tpu.memref_squeeze %dma_wait3A_210 : memref<1x128xi32, #tpu.memory_space<hbm>> -> memref<128xi32, #tpu.memory_space<hbm>>
        %dma_wait3A_212 = arith.constant 0 : i32
        %dma_wait3A_213 = tpu.memref_slice %arg4[%dma_wait3A_208, %dma_wait3A_212] : memref<5056x128xi32, #tpu.memory_space<hbm>> -> memref<1x128xi32, #tpu.memory_space<hbm>>
        %dma_wait3A_214 = tpu.memref_squeeze %dma_wait3A_213 : memref<1x128xi32, #tpu.memory_space<hbm>> -> memref<128xi32, #tpu.memory_space<hbm>>
        tpu.wait_dma2 semaphore(%arg19 : memref<!tpu.dma_semaphore, #tpu.memory_space<semaphore_mem>>) src(%dma_wait3A_214 : memref<128xi32, #tpu.memory_space<hbm>>) dst(%arg8 : memref<128xi32, #tpu.memory_space<vmem>>)
        %dma_start3A_215 = arith.constant 0 : i32
        %dma_start3A_216 = tpu.memref_slice %arg8[%dma_start3A_215] : memref<128xi32, #tpu.memory_space<vmem>> -> memref<64xi32, #tpu.memory_space<vmem>>
        %dma_start3A_217 = arith.constant 0 : i32
        %dma_start3A_218 = arith.constant 0 : i32
        %dma_start3A_219 = tpu.memref_slice %arg2[%dma_start3A_217, %dma_start3A_218] : memref<10000x128xf32, #tpu.memory_space<hbm>> -> memref<10000x128xf32, #tpu.memory_space<hbm>>
        tpu.enqueue_indirect_dma source(%dma_start3A_219 : memref<10000x128xf32, #tpu.memory_space<hbm>>) target(%arg10 : memref<64x128xf32, #tpu.memory_space<vmem>>) offsets(%dma_start3A_216 : memref<64xi32, #tpu.memory_space<vmem>>) semaphore(%arg21 : memref<!tpu.dma_semaphore, #tpu.memory_space<semaphore_mem>>)
        %add3A_220 = arith.constant 1 : i32
        %add3A_221 = arith.addi %mul3A_85, %add3A_220 : i32
        %add3A_222 = arith.addi %add3A, %add3A_221 : i32
        %mul3A_223 = arith.constant 32 : i32
        %mul3A_224 = arith.muli %add3A_222, %mul3A_223 : i32
        %dma_start3A_225 = arith.constant 0 : i32
        %dma_start3A_226 = tpu.memref_slice %arg3[%mul3A_224, %dma_start3A_225] : memref<161792x128xi32, #tpu.memory_space<hbm>> -> memref<32x128xi32, #tpu.memory_space<hbm>>
        %dma_start3A_227 = arith.constant 0 : i32
        %dma_start3A_228 = tpu.memref_slice %arg3[%mul3A_224, %dma_start3A_227] : memref<161792x128xi32, #tpu.memory_space<hbm>> -> memref<32x128xi32, #tpu.memory_space<hbm>>
        tpu.enqueue_dma source(%dma_start3A_228 : memref<32x128xi32, #tpu.memory_space<hbm>>) target(%arg12 : memref<32x128xi32, #tpu.memory_space<vmem>>) target_semaphore(%arg23 : memref<!tpu.dma_semaphore, #tpu.memory_space<semaphore_mem>>)
      } else {
      }
      %dma_wait3A_94 = arith.constant 0 : i32
      %dma_wait3A_95 = arith.constant 0 : i32
      %dma_wait3A_96 = tpu.memref_slice %arg3[%dma_wait3A_94, %dma_wait3A_95] : memref<161792x128xi32, #tpu.memory_space<hbm>> -> memref<32x128xi32, #tpu.memory_space<hbm>>
      %dma_wait3A_97 = arith.constant 0 : i32
      %dma_wait3A_98 = arith.constant 0 : i32
      %dma_wait3A_99 = tpu.memref_slice %arg3[%dma_wait3A_97, %dma_wait3A_98] : memref<161792x128xi32, #tpu.memory_space<hbm>> -> memref<32x128xi32, #tpu.memory_space<hbm>>
      tpu.wait_dma2 semaphore(%arg22 : memref<!tpu.dma_semaphore, #tpu.memory_space<semaphore_mem>>) src(%dma_wait3A_99 : memref<32x128xi32, #tpu.memory_space<hbm>>) dst(%arg11 : memref<32x128xi32, #tpu.memory_space<vmem>>)
      %ge3A = arith.constant 2 : i32
      %ge3A_100 = arith.cmpi sge, %mul3A_85, %ge3A : i32
      %convert_element_type3A_101 = arith.extui %ge3A_100 : i1 to i32
      %cond3A_102 = arith.constant 0 : i32
      %cond3A_103 = arith.cmpi ne, %convert_element_type3A_101, %cond3A_102 : i32
      scf.if %cond3A_103 {
        %dma_wait3A_208 = arith.constant 0 : i32
        %dma_wait3A_209 = arith.constant 0 : i32
        %dma_wait3A_210 = tpu.memref_slice %arg17[%dma_wait3A_208, %dma_wait3A_209] : memref<10112x128xf32, #tpu.memory_space<vmem_shared>> -> memref<10112x128xf32, #tpu.memory_space<vmem_shared>>
        tpu.wait_indirect_dma semaphore(%arg24 : memref<!tpu.dma_semaphore, #tpu.memory_space<semaphore_mem>>) src(%arg13 : memref<64x128xf32, #tpu.memory_space<vmem>>) dst(%dma_wait3A_210 : memref<10112x128xf32, #tpu.memory_space<vmem_shared>>)
      } else {
      }
      %parallel_loop3A = arith.constant 0 : i32
      %parallel_loop3A_104 = arith.constant 32 : i32
      %parallel_loop3A_105 = arith.constant 1 : i32
      scf.for %parallel_loop3A_208 = %parallel_loop3A to %parallel_loop3A_104 step %parallel_loop3A_105  : i32 {
        %parallel_loop3A_209 = arith.constant 2 : i32
        %parallel_loop3A_210 = arith.muli %parallel_loop3A_209, %parallel_loop3A_208 : i32
        %parallel_loop3A_211 = arith.constant 2 : i32
        %parallel_loop3A_212 = arith.muli %parallel_loop3A_211, %parallel_loop3A_208 : i32
        %parallel_loop3A_213 = arith.constant 1 : i32
        %parallel_loop3A_214 = arith.addi %parallel_loop3A_212, %parallel_loop3A_213 : i32
        %parallel_loop3A_215 = arith.index_cast %parallel_loop3A_208 : i32 to index
        %parallel_loop3A_216 = arith.constant 0 : index
        %parallel_loop3A_217 = tpu.vector_load %arg11[%parallel_loop3A_215, %parallel_loop3A_216] {strides = array<i32>} : memref<32x128xi32, #tpu.memory_space<vmem>>, vector<1x16xi32>,
        %parallel_loop3A_218 = vector.shape_cast %parallel_loop3A_217 : vector<1x16xi32> to vector<16xi32>
        %parallel_loop3A_219 = arith.constant 16 : i32
        %parallel_loop3A_220 = vector.broadcast %parallel_loop3A_219 : i32 to vector<16xi32>
        %parallel_loop3A_221 = arith.shli %parallel_loop3A_218, %parallel_loop3A_220 : vector<16xi32>
        %parallel_loop3A_222 = tpu.bitcast %parallel_loop3A_221 : vector<16xi32> -> vector<16xf32>
        %parallel_loop3A_223 = arith.constant -65536 : i32
        %parallel_loop3A_224 = vector.broadcast %parallel_loop3A_223 : i32 to vector<16xi32>
        %parallel_loop3A_225 = arith.andi %parallel_loop3A_218, %parallel_loop3A_224 : vector<16xi32>
        %parallel_loop3A_226 = tpu.bitcast %parallel_loop3A_225 : vector<16xi32> -> vector<16xf32>
        %parallel_loop3A_227 = arith.index_cast %parallel_loop3A_210 : i32 to index
        %parallel_loop3A_228 = arith.constant 0 : index
        %parallel_loop3A_229 = tpu.vector_load %arg9[%parallel_loop3A_227, %parallel_loop3A_228] {strides = array<i32>} : memref<64x128xf32, #tpu.memory_space<vmem>>, vector<1x16xf32>,
        %parallel_loop3A_230 = vector.shape_cast %parallel_loop3A_229 : vector<1x16xf32> to vector<16xf32>
        %parallel_loop3A_231 = arith.addf %parallel_loop3A_230, %parallel_loop3A_222 : vector<16xf32>
        %parallel_loop3A_232 = arith.constant 0.000000e+00 : f32
        %parallel_loop3A_233 = vector.broadcast %parallel_loop3A_232 : f32 to vector<16xf32>
        %parallel_loop3A_234 = arith.maximumf %parallel_loop3A_231, %parallel_loop3A_233 : vector<16xf32>
        %parallel_loop3A_235 = arith.index_cast %parallel_loop3A_210 : i32 to index
        %parallel_loop3A_236 = arith.constant 0 : index
        %parallel_loop3A_237 = tpu.vector_load %arg13[%parallel_loop3A_235, %parallel_loop3A_236] {strides = array<i32>} : memref<64x128xf32, #tpu.memory_space<vmem>>, vector<1x16xf32>,
        %parallel_loop3A_238 = vector.shape_cast %parallel_loop3A_237 : vector<1x16xf32> to vector<16xf32>
        %parallel_loop3A_239 = vector.shape_cast %parallel_loop3A_234 : vector<16xf32> to vector<1x16xf32>
        tpu.vector_store %arg13[%parallel_loop3A_235, %parallel_loop3A_236], %parallel_loop3A_239 {strides = array<i32>} : memref<64x128xf32, #tpu.memory_space<vmem>>, vector<1x16xf32>,
        %parallel_loop3A_240 = arith.index_cast %parallel_loop3A_214 : i32 to index
        %parallel_loop3A_241 = arith.constant 0 : index
        %parallel_loop3A_242 = tpu.vector_load %arg9[%parallel_loop3A_240, %parallel_loop3A_241] {strides = array<i32>} : memref<64x128xf32, #tpu.memory_space<vmem>>, vector<1x16xf32>,
        %parallel_loop3A_243 = vector.shape_cast %parallel_loop3A_242 : vector<1x16xf32> to vector<16xf32>
        %parallel_loop3A_244 = arith.addf %parallel_loop3A_243, %parallel_loop3A_226 : vector<16xf32>
        %parallel_loop3A_245 = arith.constant 0.000000e+00 : f32
        %parallel_loop3A_246 = vector.broadcast %parallel_loop3A_245 : f32 to vector<16xf32>
        %parallel_loop3A_247 = arith.maximumf %parallel_loop3A_244, %parallel_loop3A_246 : vector<16xf32>
        %parallel_loop3A_248 = arith.index_cast %parallel_loop3A_214 : i32 to index
        %parallel_loop3A_249 = arith.constant 0 : index
        %parallel_loop3A_250 = tpu.vector_load %arg13[%parallel_loop3A_248, %parallel_loop3A_249] {strides = array<i32>} : memref<64x128xf32, #tpu.memory_space<vmem>>, vector<1x16xf32>,
        %parallel_loop3A_251 = vector.shape_cast %parallel_loop3A_250 : vector<1x16xf32> to vector<16xf32>
        %parallel_loop3A_252 = vector.shape_cast %parallel_loop3A_247 : vector<16xf32> to vector<1x16xf32>
        tpu.vector_store %arg13[%parallel_loop3A_248, %parallel_loop3A_249], %parallel_loop3A_252 {strides = array<i32>} : memref<64x128xf32, #tpu.memory_space<vmem>>, vector<1x16xf32>,
        %parallel_loop3A_253 = arith.index_cast %parallel_loop3A_208 : i32 to index
        %parallel_loop3A_254 = arith.constant 16 : index
        %parallel_loop3A_255 = tpu.vector_load %arg11[%parallel_loop3A_253, %parallel_loop3A_254] {strides = array<i32>} : memref<32x128xi32, #tpu.memory_space<vmem>>, vector<1x16xi32>,
        %parallel_loop3A_256 = vector.shape_cast %parallel_loop3A_255 : vector<1x16xi32> to vector<16xi32>
        %parallel_loop3A_257 = arith.constant 16 : i32
        %parallel_loop3A_258 = vector.broadcast %parallel_loop3A_257 : i32 to vector<16xi32>
        %parallel_loop3A_259 = arith.shli %parallel_loop3A_256, %parallel_loop3A_258 : vector<16xi32>
        %parallel_loop3A_260 = tpu.bitcast %parallel_loop3A_259 : vector<16xi32> -> vector<16xf32>
        %parallel_loop3A_261 = arith.constant -65536 : i32
        %parallel_loop3A_262 = vector.broadcast %parallel_loop3A_261 : i32 to vector<16xi32>
        %parallel_loop3A_263 = arith.andi %parallel_loop3A_256, %parallel_loop3A_262 : vector<16xi32>
        %parallel_loop3A_264 = tpu.bitcast %parallel_loop3A_263 : vector<16xi32> -> vector<16xf32>
        %parallel_loop3A_265 = arith.index_cast %parallel_loop3A_210 : i32 to index
        %parallel_loop3A_266 = arith.constant 16 : index
        %parallel_loop3A_267 = tpu.vector_load %arg9[%parallel_loop3A_265, %parallel_loop3A_266] {strides = array<i32>} : memref<64x128xf32, #tpu.memory_space<vmem>>, vector<1x16xf32>,
        %parallel_loop3A_268 = vector.shape_cast %parallel_loop3A_267 : vector<1x16xf32> to vector<16xf32>
        %parallel_loop3A_269 = arith.addf %parallel_loop3A_268, %parallel_loop3A_260 : vector<16xf32>
        %parallel_loop3A_270 = arith.constant 0.000000e+00 : f32
        %parallel_loop3A_271 = vector.broadcast %parallel_loop3A_270 : f32 to vector<16xf32>
        %parallel_loop3A_272 = arith.maximumf %parallel_loop3A_269, %parallel_loop3A_271 : vector<16xf32>
        %parallel_loop3A_273 = arith.index_cast %parallel_loop3A_210 : i32 to index
        %parallel_loop3A_274 = arith.constant 16 : index
        %parallel_loop3A_275 = tpu.vector_load %arg13[%parallel_loop3A_273, %parallel_loop3A_274] {strides = array<i32>} : memref<64x128xf32, #tpu.memory_space<vmem>>, vector<1x16xf32>,
        %parallel_loop3A_276 = vector.shape_cast %parallel_loop3A_275 : vector<1x16xf32> to vector<16xf32>
        %parallel_loop3A_277 = vector.shape_cast %parallel_loop3A_272 : vector<16xf32> to vector<1x16xf32>
        tpu.vector_store %arg13[%parallel_loop3A_273, %parallel_loop3A_274], %parallel_loop3A_277 {strides = array<i32>} : memref<64x128xf32, #tpu.memory_space<vmem>>, vector<1x16xf32>,
        %parallel_loop3A_278 = arith.index_cast %parallel_loop3A_214 : i32 to index
        %parallel_loop3A_279 = arith.constant 16 : index
        %parallel_loop3A_280 = tpu.vector_load %arg9[%parallel_loop3A_278, %parallel_loop3A_279] {strides = array<i32>} : memref<64x128xf32, #tpu.memory_space<vmem>>, vector<1x16xf32>,
        %parallel_loop3A_281 = vector.shape_cast %parallel_loop3A_280 : vector<1x16xf32> to vector<16xf32>
        %parallel_loop3A_282 = arith.addf %parallel_loop3A_281, %parallel_loop3A_264 : vector<16xf32>
        %parallel_loop3A_283 = arith.constant 0.000000e+00 : f32
        %parallel_loop3A_284 = vector.broadcast %parallel_loop3A_283 : f32 to vector<16xf32>
        %parallel_loop3A_285 = arith.maximumf %parallel_loop3A_282, %parallel_loop3A_284 : vector<16xf32>
        %parallel_loop3A_286 = arith.index_cast %parallel_loop3A_214 : i32 to index
        %parallel_loop3A_287 = arith.constant 16 : index
        %parallel_loop3A_288 = tpu.vector_load %arg13[%parallel_loop3A_286, %parallel_loop3A_287] {strides = array<i32>} : memref<64x128xf32, #tpu.memory_space<vmem>>, vector<1x16xf32>,
        %parallel_loop3A_289 = vector.shape_cast %parallel_loop3A_288 : vector<1x16xf32> to vector<16xf32>
        %parallel_loop3A_290 = vector.shape_cast %parallel_loop3A_285 : vector<16xf32> to vector<1x16xf32>
        tpu.vector_store %arg13[%parallel_loop3A_286, %parallel_loop3A_287], %parallel_loop3A_290 {strides = array<i32>} : memref<64x128xf32, #tpu.memory_space<vmem>>, vector<1x16xf32>,
        %parallel_loop3A_291 = arith.index_cast %parallel_loop3A_208 : i32 to index
        %parallel_loop3A_292 = arith.constant 32 : index
        %parallel_loop3A_293 = tpu.vector_load %arg11[%parallel_loop3A_291, %parallel_loop3A_292] {strides = array<i32>} : memref<32x128xi32, #tpu.memory_space<vmem>>, vector<1x16xi32>,
        %parallel_loop3A_294 = vector.shape_cast %parallel_loop3A_293 : vector<1x16xi32> to vector<16xi32>
        %parallel_loop3A_295 = arith.constant 16 : i32
        %parallel_loop3A_296 = vector.broadcast %parallel_loop3A_295 : i32 to vector<16xi32>
        %parallel_loop3A_297 = arith.shli %parallel_loop3A_294, %parallel_loop3A_296 : vector<16xi32>
        %parallel_loop3A_298 = tpu.bitcast %parallel_loop3A_297 : vector<16xi32> -> vector<16xf32>
        %parallel_loop3A_299 = arith.constant -65536 : i32
        %parallel_loop3A_300 = vector.broadcast %parallel_loop3A_299 : i32 to vector<16xi32>
        %parallel_loop3A_301 = arith.andi %parallel_loop3A_294, %parallel_loop3A_300 : vector<16xi32>
        %parallel_loop3A_302 = tpu.bitcast %parallel_loop3A_301 : vector<16xi32> -> vector<16xf32>
        %parallel_loop3A_303 = arith.index_cast %parallel_loop3A_210 : i32 to index
        %parallel_loop3A_304 = arith.constant 32 : index
        %parallel_loop3A_305 = tpu.vector_load %arg9[%parallel_loop3A_303, %parallel_loop3A_304] {strides = array<i32>} : memref<64x128xf32, #tpu.memory_space<vmem>>, vector<1x16xf32>,
        %parallel_loop3A_306 = vector.shape_cast %parallel_loop3A_305 : vector<1x16xf32> to vector<16xf32>
        %parallel_loop3A_307 = arith.addf %parallel_loop3A_306, %parallel_loop3A_298 : vector<16xf32>
        %parallel_loop3A_308 = arith.constant 0.000000e+00 : f32
        %parallel_loop3A_309 = vector.broadcast %parallel_loop3A_308 : f32 to vector<16xf32>
        %parallel_loop3A_310 = arith.maximumf %parallel_loop3A_307, %parallel_loop3A_309 : vector<16xf32>
        %parallel_loop3A_311 = arith.index_cast %parallel_loop3A_210 : i32 to index
        %parallel_loop3A_312 = arith.constant 32 : index
        %parallel_loop3A_313 = tpu.vector_load %arg13[%parallel_loop3A_311, %parallel_loop3A_312] {strides = array<i32>} : memref<64x128xf32, #tpu.memory_space<vmem>>, vector<1x16xf32>,
        %parallel_loop3A_314 = vector.shape_cast %parallel_loop3A_313 : vector<1x16xf32> to vector<16xf32>
        %parallel_loop3A_315 = vector.shape_cast %parallel_loop3A_310 : vector<16xf32> to vector<1x16xf32>
        tpu.vector_store %arg13[%parallel_loop3A_311, %parallel_loop3A_312], %parallel_loop3A_315 {strides = array<i32>} : memref<64x128xf32, #tpu.memory_space<vmem>>, vector<1x16xf32>,
        %parallel_loop3A_316 = arith.index_cast %parallel_loop3A_214 : i32 to index
        %parallel_loop3A_317 = arith.constant 32 : index
        %parallel_loop3A_318 = tpu.vector_load %arg9[%parallel_loop3A_316, %parallel_loop3A_317] {strides = array<i32>} : memref<64x128xf32, #tpu.memory_space<vmem>>, vector<1x16xf32>,
        %parallel_loop3A_319 = vector.shape_cast %parallel_loop3A_318 : vector<1x16xf32> to vector<16xf32>
        %parallel_loop3A_320 = arith.addf %parallel_loop3A_319, %parallel_loop3A_302 : vector<16xf32>
        %parallel_loop3A_321 = arith.constant 0.000000e+00 : f32
        %parallel_loop3A_322 = vector.broadcast %parallel_loop3A_321 : f32 to vector<16xf32>
        %parallel_loop3A_323 = arith.maximumf %parallel_loop3A_320, %parallel_loop3A_322 : vector<16xf32>
        %parallel_loop3A_324 = arith.index_cast %parallel_loop3A_214 : i32 to index
        %parallel_loop3A_325 = arith.constant 32 : index
        %parallel_loop3A_326 = tpu.vector_load %arg13[%parallel_loop3A_324, %parallel_loop3A_325] {strides = array<i32>} : memref<64x128xf32, #tpu.memory_space<vmem>>, vector<1x16xf32>,
        %parallel_loop3A_327 = vector.shape_cast %parallel_loop3A_326 : vector<1x16xf32> to vector<16xf32>
        %parallel_loop3A_328 = vector.shape_cast %parallel_loop3A_323 : vector<16xf32> to vector<1x16xf32>
        tpu.vector_store %arg13[%parallel_loop3A_324, %parallel_loop3A_325], %parallel_loop3A_328 {strides = array<i32>} : memref<64x128xf32, #tpu.memory_space<vmem>>, vector<1x16xf32>,
        %parallel_loop3A_329 = arith.index_cast %parallel_loop3A_208 : i32 to index
        %parallel_loop3A_330 = arith.constant 48 : index
        %parallel_loop3A_331 = tpu.vector_load %arg11[%parallel_loop3A_329, %parallel_loop3A_330] {strides = array<i32>} : memref<32x128xi32, #tpu.memory_space<vmem>>, vector<1x16xi32>,
        %parallel_loop3A_332 = vector.shape_cast %parallel_loop3A_331 : vector<1x16xi32> to vector<16xi32>
        %parallel_loop3A_333 = arith.constant 16 : i32
        %parallel_loop3A_334 = vector.broadcast %parallel_loop3A_333 : i32 to vector<16xi32>
        %parallel_loop3A_335 = arith.shli %parallel_loop3A_332, %parallel_loop3A_334 : vector<16xi32>
        %parallel_loop3A_336 = tpu.bitcast %parallel_loop3A_335 : vector<16xi32> -> vector<16xf32>
        %parallel_loop3A_337 = arith.constant -65536 : i32
        %parallel_loop3A_338 = vector.broadcast %parallel_loop3A_337 : i32 to vector<16xi32>
        %parallel_loop3A_339 = arith.andi %parallel_loop3A_332, %parallel_loop3A_338 : vector<16xi32>
        %parallel_loop3A_340 = tpu.bitcast %parallel_loop3A_339 : vector<16xi32> -> vector<16xf32>
        %parallel_loop3A_341 = arith.index_cast %parallel_loop3A_210 : i32 to index
        %parallel_loop3A_342 = arith.constant 48 : index
        %parallel_loop3A_343 = tpu.vector_load %arg9[%parallel_loop3A_341, %parallel_loop3A_342] {strides = array<i32>} : memref<64x128xf32, #tpu.memory_space<vmem>>, vector<1x16xf32>,
        %parallel_loop3A_344 = vector.shape_cast %parallel_loop3A_343 : vector<1x16xf32> to vector<16xf32>
        %parallel_loop3A_345 = arith.addf %parallel_loop3A_344, %parallel_loop3A_336 : vector<16xf32>
        %parallel_loop3A_346 = arith.constant 0.000000e+00 : f32
        %parallel_loop3A_347 = vector.broadcast %parallel_loop3A_346 : f32 to vector<16xf32>
        %parallel_loop3A_348 = arith.maximumf %parallel_loop3A_345, %parallel_loop3A_347 : vector<16xf32>
        %parallel_loop3A_349 = arith.index_cast %parallel_loop3A_210 : i32 to index
        %parallel_loop3A_350 = arith.constant 48 : index
        %parallel_loop3A_351 = tpu.vector_load %arg13[%parallel_loop3A_349, %parallel_loop3A_350] {strides = array<i32>} : memref<64x128xf32, #tpu.memory_space<vmem>>, vector<1x16xf32>,
        %parallel_loop3A_352 = vector.shape_cast %parallel_loop3A_351 : vector<1x16xf32> to vector<16xf32>
        %parallel_loop3A_353 = vector.shape_cast %parallel_loop3A_348 : vector<16xf32> to vector<1x16xf32>
        tpu.vector_store %arg13[%parallel_loop3A_349, %parallel_loop3A_350], %parallel_loop3A_353 {strides = array<i32>} : memref<64x128xf32, #tpu.memory_space<vmem>>, vector<1x16xf32>,
        %parallel_loop3A_354 = arith.index_cast %parallel_loop3A_214 : i32 to index
        %parallel_loop3A_355 = arith.constant 48 : index
        %parallel_loop3A_356 = tpu.vector_load %arg9[%parallel_loop3A_354, %parallel_loop3A_355] {strides = array<i32>} : memref<64x128xf32, #tpu.memory_space<vmem>>, vector<1x16xf32>,
        %parallel_loop3A_357 = vector.shape_cast %parallel_loop3A_356 : vector<1x16xf32> to vector<16xf32>
        %parallel_loop3A_358 = arith.addf %parallel_loop3A_357, %parallel_loop3A_340 : vector<16xf32>
        %parallel_loop3A_359 = arith.constant 0.000000e+00 : f32
        %parallel_loop3A_360 = vector.broadcast %parallel_loop3A_359 : f32 to vector<16xf32>
        %parallel_loop3A_361 = arith.maximumf %parallel_loop3A_358, %parallel_loop3A_360 : vector<16xf32>
        %parallel_loop3A_362 = arith.index_cast %parallel_loop3A_214 : i32 to index
        %parallel_loop3A_363 = arith.constant 48 : index
        %parallel_loop3A_364 = tpu.vector_load %arg13[%parallel_loop3A_362, %parallel_loop3A_363] {strides = array<i32>} : memref<64x128xf32, #tpu.memory_space<vmem>>, vector<1x16xf32>,
        %parallel_loop3A_365 = vector.shape_cast %parallel_loop3A_364 : vector<1x16xf32> to vector<16xf32>
        %parallel_loop3A_366 = vector.shape_cast %parallel_loop3A_361 : vector<16xf32> to vector<1x16xf32>
        tpu.vector_store %arg13[%parallel_loop3A_362, %parallel_loop3A_363], %parallel_loop3A_366 {strides = array<i32>} : memref<64x128xf32, #tpu.memory_space<vmem>>, vector<1x16xf32>,
        %parallel_loop3A_367 = arith.index_cast %parallel_loop3A_208 : i32 to index
        %parallel_loop3A_368 = arith.constant 64 : index
        %parallel_loop3A_369 = tpu.vector_load %arg11[%parallel_loop3A_367, %parallel_loop3A_368] {strides = array<i32>} : memref<32x128xi32, #tpu.memory_space<vmem>>, vector<1x16xi32>,
        %parallel_loop3A_370 = vector.shape_cast %parallel_loop3A_369 : vector<1x16xi32> to vector<16xi32>
        %parallel_loop3A_371 = arith.constant 16 : i32
        %parallel_loop3A_372 = vector.broadcast %parallel_loop3A_371 : i32 to vector<16xi32>
        %parallel_loop3A_373 = arith.shli %parallel_loop3A_370, %parallel_loop3A_372 : vector<16xi32>
        %parallel_loop3A_374 = tpu.bitcast %parallel_loop3A_373 : vector<16xi32> -> vector<16xf32>
        %parallel_loop3A_375 = arith.constant -65536 : i32
        %parallel_loop3A_376 = vector.broadcast %parallel_loop3A_375 : i32 to vector<16xi32>
        %parallel_loop3A_377 = arith.andi %parallel_loop3A_370, %parallel_loop3A_376 : vector<16xi32>
        %parallel_loop3A_378 = tpu.bitcast %parallel_loop3A_377 : vector<16xi32> -> vector<16xf32>
        %parallel_loop3A_379 = arith.index_cast %parallel_loop3A_210 : i32 to index
        %parallel_loop3A_380 = arith.constant 64 : index
        %parallel_loop3A_381 = tpu.vector_load %arg9[%parallel_loop3A_379, %parallel_loop3A_380] {strides = array<i32>} : memref<64x128xf32, #tpu.memory_space<vmem>>, vector<1x16xf32>,
        %parallel_loop3A_382 = vector.shape_cast %parallel_loop3A_381 : vector<1x16xf32> to vector<16xf32>
        %parallel_loop3A_383 = arith.addf %parallel_loop3A_382, %parallel_loop3A_374 : vector<16xf32>
        %parallel_loop3A_384 = arith.constant 0.000000e+00 : f32
        %parallel_loop3A_385 = vector.broadcast %parallel_loop3A_384 : f32 to vector<16xf32>
        %parallel_loop3A_386 = arith.maximumf %parallel_loop3A_383, %parallel_loop3A_385 : vector<16xf32>
        %parallel_loop3A_387 = arith.index_cast %parallel_loop3A_210 : i32 to index
        %parallel_loop3A_388 = arith.constant 64 : index
        %parallel_loop3A_389 = tpu.vector_load %arg13[%parallel_loop3A_387, %parallel_loop3A_388] {strides = array<i32>} : memref<64x128xf32, #tpu.memory_space<vmem>>, vector<1x16xf32>,
        %parallel_loop3A_390 = vector.shape_cast %parallel_loop3A_389 : vector<1x16xf32> to vector<16xf32>
        %parallel_loop3A_391 = vector.shape_cast %parallel_loop3A_386 : vector<16xf32> to vector<1x16xf32>
        tpu.vector_store %arg13[%parallel_loop3A_387, %parallel_loop3A_388], %parallel_loop3A_391 {strides = array<i32>} : memref<64x128xf32, #tpu.memory_space<vmem>>, vector<1x16xf32>,
        %parallel_loop3A_392 = arith.index_cast %parallel_loop3A_214 : i32 to index
        %parallel_loop3A_393 = arith.constant 64 : index
        %parallel_loop3A_394 = tpu.vector_load %arg9[%parallel_loop3A_392, %parallel_loop3A_393] {strides = array<i32>} : memref<64x128xf32, #tpu.memory_space<vmem>>, vector<1x16xf32>,
        %parallel_loop3A_395 = vector.shape_cast %parallel_loop3A_394 : vector<1x16xf32> to vector<16xf32>
        %parallel_loop3A_396 = arith.addf %parallel_loop3A_395, %parallel_loop3A_378 : vector<16xf32>
        %parallel_loop3A_397 = arith.constant 0.000000e+00 : f32
        %parallel_loop3A_398 = vector.broadcast %parallel_loop3A_397 : f32 to vector<16xf32>
        %parallel_loop3A_399 = arith.maximumf %parallel_loop3A_396, %parallel_loop3A_398 : vector<16xf32>
        %parallel_loop3A_400 = arith.index_cast %parallel_loop3A_214 : i32 to index
        %parallel_loop3A_401 = arith.constant 64 : index
        %parallel_loop3A_402 = tpu.vector_load %arg13[%parallel_loop3A_400, %parallel_loop3A_401] {strides = array<i32>} : memref<64x128xf32, #tpu.memory_space<vmem>>, vector<1x16xf32>,
        %parallel_loop3A_403 = vector.shape_cast %parallel_loop3A_402 : vector<1x16xf32> to vector<16xf32>
        %parallel_loop3A_404 = vector.shape_cast %parallel_loop3A_399 : vector<16xf32> to vector<1x16xf32>
        tpu.vector_store %arg13[%parallel_loop3A_400, %parallel_loop3A_401], %parallel_loop3A_404 {strides = array<i32>} : memref<64x128xf32, #tpu.memory_space<vmem>>, vector<1x16xf32>,
        %parallel_loop3A_405 = arith.index_cast %parallel_loop3A_208 : i32 to index
        %parallel_loop3A_406 = arith.constant 80 : index
        %parallel_loop3A_407 = tpu.vector_load %arg11[%parallel_loop3A_405, %parallel_loop3A_406] {strides = array<i32>} : memref<32x128xi32, #tpu.memory_space<vmem>>, vector<1x16xi32>,
        %parallel_loop3A_408 = vector.shape_cast %parallel_loop3A_407 : vector<1x16xi32> to vector<16xi32>
        %parallel_loop3A_409 = arith.constant 16 : i32
        %parallel_loop3A_410 = vector.broadcast %parallel_loop3A_409 : i32 to vector<16xi32>
        %parallel_loop3A_411 = arith.shli %parallel_loop3A_408, %parallel_loop3A_410 : vector<16xi32>
        %parallel_loop3A_412 = tpu.bitcast %parallel_loop3A_411 : vector<16xi32> -> vector<16xf32>
        %parallel_loop3A_413 = arith.constant -65536 : i32
        %parallel_loop3A_414 = vector.broadcast %parallel_loop3A_413 : i32 to vector<16xi32>
        %parallel_loop3A_415 = arith.andi %parallel_loop3A_408, %parallel_loop3A_414 : vector<16xi32>
        %parallel_loop3A_416 = tpu.bitcast %parallel_loop3A_415 : vector<16xi32> -> vector<16xf32>
        %parallel_loop3A_417 = arith.index_cast %parallel_loop3A_210 : i32 to index
        %parallel_loop3A_418 = arith.constant 80 : index
        %parallel_loop3A_419 = tpu.vector_load %arg9[%parallel_loop3A_417, %parallel_loop3A_418] {strides = array<i32>} : memref<64x128xf32, #tpu.memory_space<vmem>>, vector<1x16xf32>,
        %parallel_loop3A_420 = vector.shape_cast %parallel_loop3A_419 : vector<1x16xf32> to vector<16xf32>
        %parallel_loop3A_421 = arith.addf %parallel_loop3A_420, %parallel_loop3A_412 : vector<16xf32>
        %parallel_loop3A_422 = arith.constant 0.000000e+00 : f32
        %parallel_loop3A_423 = vector.broadcast %parallel_loop3A_422 : f32 to vector<16xf32>
        %parallel_loop3A_424 = arith.maximumf %parallel_loop3A_421, %parallel_loop3A_423 : vector<16xf32>
        %parallel_loop3A_425 = arith.index_cast %parallel_loop3A_210 : i32 to index
        %parallel_loop3A_426 = arith.constant 80 : index
        %parallel_loop3A_427 = tpu.vector_load %arg13[%parallel_loop3A_425, %parallel_loop3A_426] {strides = array<i32>} : memref<64x128xf32, #tpu.memory_space<vmem>>, vector<1x16xf32>,
        %parallel_loop3A_428 = vector.shape_cast %parallel_loop3A_427 : vector<1x16xf32> to vector<16xf32>
        %parallel_loop3A_429 = vector.shape_cast %parallel_loop3A_424 : vector<16xf32> to vector<1x16xf32>
        tpu.vector_store %arg13[%parallel_loop3A_425, %parallel_loop3A_426], %parallel_loop3A_429 {strides = array<i32>} : memref<64x128xf32, #tpu.memory_space<vmem>>, vector<1x16xf32>,
        %parallel_loop3A_430 = arith.index_cast %parallel_loop3A_214 : i32 to index
        %parallel_loop3A_431 = arith.constant 80 : index
        %parallel_loop3A_432 = tpu.vector_load %arg9[%parallel_loop3A_430, %parallel_loop3A_431] {strides = array<i32>} : memref<64x128xf32, #tpu.memory_space<vmem>>, vector<1x16xf32>,
        %parallel_loop3A_433 = vector.shape_cast %parallel_loop3A_432 : vector<1x16xf32> to vector<16xf32>
        %parallel_loop3A_434 = arith.addf %parallel_loop3A_433, %parallel_loop3A_416 : vector<16xf32>
        %parallel_loop3A_435 = arith.constant 0.000000e+00 : f32
        %parallel_loop3A_436 = vector.broadcast %parallel_loop3A_435 : f32 to vector<16xf32>
        %parallel_loop3A_437 = arith.maximumf %parallel_loop3A_434, %parallel_loop3A_436 : vector<16xf32>
        %parallel_loop3A_438 = arith.index_cast %parallel_loop3A_214 : i32 to index
        %parallel_loop3A_439 = arith.constant 80 : index
        %parallel_loop3A_440 = tpu.vector_load %arg13[%parallel_loop3A_438, %parallel_loop3A_439] {strides = array<i32>} : memref<64x128xf32, #tpu.memory_space<vmem>>, vector<1x16xf32>,
        %parallel_loop3A_441 = vector.shape_cast %parallel_loop3A_440 : vector<1x16xf32> to vector<16xf32>
        %parallel_loop3A_442 = vector.shape_cast %parallel_loop3A_437 : vector<16xf32> to vector<1x16xf32>
        tpu.vector_store %arg13[%parallel_loop3A_438, %parallel_loop3A_439], %parallel_loop3A_442 {strides = array<i32>} : memref<64x128xf32, #tpu.memory_space<vmem>>, vector<1x16xf32>,
        %parallel_loop3A_443 = arith.index_cast %parallel_loop3A_208 : i32 to index
        %parallel_loop3A_444 = arith.constant 96 : index
        %parallel_loop3A_445 = tpu.vector_load %arg11[%parallel_loop3A_443, %parallel_loop3A_444] {strides = array<i32>} : memref<32x128xi32, #tpu.memory_space<vmem>>, vector<1x16xi32>,
        %parallel_loop3A_446 = vector.shape_cast %parallel_loop3A_445 : vector<1x16xi32> to vector<16xi32>
        %parallel_loop3A_447 = arith.constant 16 : i32
        %parallel_loop3A_448 = vector.broadcast %parallel_loop3A_447 : i32 to vector<16xi32>
        %parallel_loop3A_449 = arith.shli %parallel_loop3A_446, %parallel_loop3A_448 : vector<16xi32>
        %parallel_loop3A_450 = tpu.bitcast %parallel_loop3A_449 : vector<16xi32> -> vector<16xf32>
        %parallel_loop3A_451 = arith.constant -65536 : i32
        %parallel_loop3A_452 = vector.broadcast %parallel_loop3A_451 : i32 to vector<16xi32>
        %parallel_loop3A_453 = arith.andi %parallel_loop3A_446, %parallel_loop3A_452 : vector<16xi32>
        %parallel_loop3A_454 = tpu.bitcast %parallel_loop3A_453 : vector<16xi32> -> vector<16xf32>
        %parallel_loop3A_455 = arith.index_cast %parallel_loop3A_210 : i32 to index
        %parallel_loop3A_456 = arith.constant 96 : index
        %parallel_loop3A_457 = tpu.vector_load %arg9[%parallel_loop3A_455, %parallel_loop3A_456] {strides = array<i32>} : memref<64x128xf32, #tpu.memory_space<vmem>>, vector<1x16xf32>,
        %parallel_loop3A_458 = vector.shape_cast %parallel_loop3A_457 : vector<1x16xf32> to vector<16xf32>
        %parallel_loop3A_459 = arith.addf %parallel_loop3A_458, %parallel_loop3A_450 : vector<16xf32>
        %parallel_loop3A_460 = arith.constant 0.000000e+00 : f32
        %parallel_loop3A_461 = vector.broadcast %parallel_loop3A_460 : f32 to vector<16xf32>
        %parallel_loop3A_462 = arith.maximumf %parallel_loop3A_459, %parallel_loop3A_461 : vector<16xf32>
        %parallel_loop3A_463 = arith.index_cast %parallel_loop3A_210 : i32 to index
        %parallel_loop3A_464 = arith.constant 96 : index
        %parallel_loop3A_465 = tpu.vector_load %arg13[%parallel_loop3A_463, %parallel_loop3A_464] {strides = array<i32>} : memref<64x128xf32, #tpu.memory_space<vmem>>, vector<1x16xf32>,
        %parallel_loop3A_466 = vector.shape_cast %parallel_loop3A_465 : vector<1x16xf32> to vector<16xf32>
        %parallel_loop3A_467 = vector.shape_cast %parallel_loop3A_462 : vector<16xf32> to vector<1x16xf32>
        tpu.vector_store %arg13[%parallel_loop3A_463, %parallel_loop3A_464], %parallel_loop3A_467 {strides = array<i32>} : memref<64x128xf32, #tpu.memory_space<vmem>>, vector<1x16xf32>,
        %parallel_loop3A_468 = arith.index_cast %parallel_loop3A_214 : i32 to index
        %parallel_loop3A_469 = arith.constant 96 : index
        %parallel_loop3A_470 = tpu.vector_load %arg9[%parallel_loop3A_468, %parallel_loop3A_469] {strides = array<i32>} : memref<64x128xf32, #tpu.memory_space<vmem>>, vector<1x16xf32>,
        %parallel_loop3A_471 = vector.shape_cast %parallel_loop3A_470 : vector<1x16xf32> to vector<16xf32>
        %parallel_loop3A_472 = arith.addf %parallel_loop3A_471, %parallel_loop3A_454 : vector<16xf32>
        %parallel_loop3A_473 = arith.constant 0.000000e+00 : f32
        %parallel_loop3A_474 = vector.broadcast %parallel_loop3A_473 : f32 to vector<16xf32>
        %parallel_loop3A_475 = arith.maximumf %parallel_loop3A_472, %parallel_loop3A_474 : vector<16xf32>
        %parallel_loop3A_476 = arith.index_cast %parallel_loop3A_214 : i32 to index
        %parallel_loop3A_477 = arith.constant 96 : index
        %parallel_loop3A_478 = tpu.vector_load %arg13[%parallel_loop3A_476, %parallel_loop3A_477] {strides = array<i32>} : memref<64x128xf32, #tpu.memory_space<vmem>>, vector<1x16xf32>,
        %parallel_loop3A_479 = vector.shape_cast %parallel_loop3A_478 : vector<1x16xf32> to vector<16xf32>
        %parallel_loop3A_480 = vector.shape_cast %parallel_loop3A_475 : vector<16xf32> to vector<1x16xf32>
        tpu.vector_store %arg13[%parallel_loop3A_476, %parallel_loop3A_477], %parallel_loop3A_480 {strides = array<i32>} : memref<64x128xf32, #tpu.memory_space<vmem>>, vector<1x16xf32>,
        %parallel_loop3A_481 = arith.index_cast %parallel_loop3A_208 : i32 to index
        %parallel_loop3A_482 = arith.constant 112 : index
        %parallel_loop3A_483 = tpu.vector_load %arg11[%parallel_loop3A_481, %parallel_loop3A_482] {strides = array<i32>} : memref<32x128xi32, #tpu.memory_space<vmem>>, vector<1x16xi32>,
        %parallel_loop3A_484 = vector.shape_cast %parallel_loop3A_483 : vector<1x16xi32> to vector<16xi32>
        %parallel_loop3A_485 = arith.constant 16 : i32
        %parallel_loop3A_486 = vector.broadcast %parallel_loop3A_485 : i32 to vector<16xi32>
        %parallel_loop3A_487 = arith.shli %parallel_loop3A_484, %parallel_loop3A_486 : vector<16xi32>
        %parallel_loop3A_488 = tpu.bitcast %parallel_loop3A_487 : vector<16xi32> -> vector<16xf32>
        %parallel_loop3A_489 = arith.constant -65536 : i32
        %parallel_loop3A_490 = vector.broadcast %parallel_loop3A_489 : i32 to vector<16xi32>
        %parallel_loop3A_491 = arith.andi %parallel_loop3A_484, %parallel_loop3A_490 : vector<16xi32>
        %parallel_loop3A_492 = tpu.bitcast %parallel_loop3A_491 : vector<16xi32> -> vector<16xf32>
        %parallel_loop3A_493 = arith.index_cast %parallel_loop3A_210 : i32 to index
        %parallel_loop3A_494 = arith.constant 112 : index
        %parallel_loop3A_495 = tpu.vector_load %arg9[%parallel_loop3A_493, %parallel_loop3A_494] {strides = array<i32>} : memref<64x128xf32, #tpu.memory_space<vmem>>, vector<1x16xf32>,
        %parallel_loop3A_496 = vector.shape_cast %parallel_loop3A_495 : vector<1x16xf32> to vector<16xf32>
        %parallel_loop3A_497 = arith.addf %parallel_loop3A_496, %parallel_loop3A_488 : vector<16xf32>
        %parallel_loop3A_498 = arith.constant 0.000000e+00 : f32
        %parallel_loop3A_499 = vector.broadcast %parallel_loop3A_498 : f32 to vector<16xf32>
        %parallel_loop3A_500 = arith.maximumf %parallel_loop3A_497, %parallel_loop3A_499 : vector<16xf32>
        %parallel_loop3A_501 = arith.index_cast %parallel_loop3A_210 : i32 to index
        %parallel_loop3A_502 = arith.constant 112 : index
        %parallel_loop3A_503 = tpu.vector_load %arg13[%parallel_loop3A_501, %parallel_loop3A_502] {strides = array<i32>} : memref<64x128xf32, #tpu.memory_space<vmem>>, vector<1x16xf32>,
        %parallel_loop3A_504 = vector.shape_cast %parallel_loop3A_503 : vector<1x16xf32> to vector<16xf32>
        %parallel_loop3A_505 = vector.shape_cast %parallel_loop3A_500 : vector<16xf32> to vector<1x16xf32>
        tpu.vector_store %arg13[%parallel_loop3A_501, %parallel_loop3A_502], %parallel_loop3A_505 {strides = array<i32>} : memref<64x128xf32, #tpu.memory_space<vmem>>, vector<1x16xf32>,
        %parallel_loop3A_506 = arith.index_cast %parallel_loop3A_214 : i32 to index
        %parallel_loop3A_507 = arith.constant 112 : index
        %parallel_loop3A_508 = tpu.vector_load %arg9[%parallel_loop3A_506, %parallel_loop3A_507] {strides = array<i32>} : memref<64x128xf32, #tpu.memory_space<vmem>>, vector<1x16xf32>,
        %parallel_loop3A_509 = vector.shape_cast %parallel_loop3A_508 : vector<1x16xf32> to vector<16xf32>
        %parallel_loop3A_510 = arith.addf %parallel_loop3A_509, %parallel_loop3A_492 : vector<16xf32>
        %parallel_loop3A_511 = arith.constant 0.000000e+00 : f32
        %parallel_loop3A_512 = vector.broadcast %parallel_loop3A_511 : f32 to vector<16xf32>
        %parallel_loop3A_513 = arith.maximumf %parallel_loop3A_510, %parallel_loop3A_512 : vector<16xf32>
        %parallel_loop3A_514 = arith.index_cast %parallel_loop3A_214 : i32 to index
        %parallel_loop3A_515 = arith.constant 112 : index
        %parallel_loop3A_516 = tpu.vector_load %arg13[%parallel_loop3A_514, %parallel_loop3A_515] {strides = array<i32>} : memref<64x128xf32, #tpu.memory_space<vmem>>, vector<1x16xf32>,
        %parallel_loop3A_517 = vector.shape_cast %parallel_loop3A_516 : vector<1x16xf32> to vector<16xf32>
        %parallel_loop3A_518 = vector.shape_cast %parallel_loop3A_513 : vector<16xf32> to vector<1x16xf32>
        tpu.vector_store %arg13[%parallel_loop3A_514, %parallel_loop3A_515], %parallel_loop3A_518 {strides = array<i32>} : memref<64x128xf32, #tpu.memory_space<vmem>>, vector<1x16xf32>,
      } {sc.loop_unroll_factor = 2 : i64, sc.parallel_access}
      %get3A = arith.constant 64 : index
      %get3A_106 = tpu.vector_load %arg7[%get3A] {strides = array<i32>} : memref<128xi32, #tpu.memory_space<vmem>>, vector<16xi32>,
      %get3A_107 = vector.shape_cast %get3A_106 : vector<16xi32> to vector<16xi32>
      %swap3A = arith.constant 0 : index
      %swap3A_108 = tpu.vector_load %arg15[%swap3A] {strides = array<i32>} : memref<64xi32, #tpu.memory_space<vmem>>, vector<16xi32>,
      %swap3A_109 = vector.shape_cast %swap3A_108 : vector<16xi32> to vector<16xi32>
      %swap3A_110 = vector.shape_cast %get3A_107 : vector<16xi32> to vector<16xi32>
      tpu.vector_store %arg15[%swap3A], %swap3A_110 {strides = array<i32>} : memref<64xi32, #tpu.memory_space<vmem>>, vector<16xi32>,
      %get3A_111 = arith.constant 80 : index
      %get3A_112 = tpu.vector_load %arg7[%get3A_111] {strides = array<i32>} : memref<128xi32, #tpu.memory_space<vmem>>, vector<16xi32>,
      %get3A_113 = vector.shape_cast %get3A_112 : vector<16xi32> to vector<16xi32>
      %swap3A_114 = arith.constant 16 : index
      %swap3A_115 = tpu.vector_load %arg15[%swap3A_114] {strides = array<i32>} : memref<64xi32, #tpu.memory_space<vmem>>, vector<16xi32>,
      %swap3A_116 = vector.shape_cast %swap3A_115 : vector<16xi32> to vector<16xi32>
      %swap3A_117 = vector.shape_cast %get3A_113 : vector<16xi32> to vector<16xi32>
      tpu.vector_store %arg15[%swap3A_114], %swap3A_117 {strides = array<i32>} : memref<64xi32, #tpu.memory_space<vmem>>, vector<16xi32>,
      %get3A_118 = arith.constant 96 : index
      %get3A_119 = tpu.vector_load %arg7[%get3A_118] {strides = array<i32>} : memref<128xi32, #tpu.memory_space<vmem>>, vector<16xi32>,
      %get3A_120 = vector.shape_cast %get3A_119 : vector<16xi32> to vector<16xi32>
      %swap3A_121 = arith.constant 32 : index
      %swap3A_122 = tpu.vector_load %arg15[%swap3A_121] {strides = array<i32>} : memref<64xi32, #tpu.memory_space<vmem>>, vector<16xi32>,
      %swap3A_123 = vector.shape_cast %swap3A_122 : vector<16xi32> to vector<16xi32>
      %swap3A_124 = vector.shape_cast %get3A_120 : vector<16xi32> to vector<16xi32>
      tpu.vector_store %arg15[%swap3A_121], %swap3A_124 {strides = array<i32>} : memref<64xi32, #tpu.memory_space<vmem>>, vector<16xi32>,
      %get3A_125 = arith.constant 112 : index
      %get3A_126 = tpu.vector_load %arg7[%get3A_125] {strides = array<i32>} : memref<128xi32, #tpu.memory_space<vmem>>, vector<16xi32>,
      %get3A_127 = vector.shape_cast %get3A_126 : vector<16xi32> to vector<16xi32>
      %swap3A_128 = arith.constant 48 : index
      %swap3A_129 = tpu.vector_load %arg15[%swap3A_128] {strides = array<i32>} : memref<64xi32, #tpu.memory_space<vmem>>, vector<16xi32>,
      %swap3A_130 = vector.shape_cast %swap3A_129 : vector<16xi32> to vector<16xi32>
      %swap3A_131 = vector.shape_cast %get3A_127 : vector<16xi32> to vector<16xi32>
      tpu.vector_store %arg15[%swap3A_128], %swap3A_131 {strides = array<i32>} : memref<64xi32, #tpu.memory_space<vmem>>, vector<16xi32>,
      %dma_start3A_132 = arith.constant 0 : i32
      %dma_start3A_133 = arith.constant 0 : i32
      %dma_start3A_134 = tpu.memref_slice %arg17[%dma_start3A_132, %dma_start3A_133] : memref<10112x128xf32, #tpu.memory_space<vmem_shared>> -> memref<10112x128xf32, #tpu.memory_space<vmem_shared>>
      tpu.enqueue_indirect_dma source(%arg13 : memref<64x128xf32, #tpu.memory_space<vmem>>) target(%dma_start3A_134 : memref<10112x128xf32, #tpu.memory_space<vmem_shared>>) offsets(%arg15 : memref<64xi32, #tpu.memory_space<vmem>>) semaphore(%arg24 : memref<!tpu.dma_semaphore, #tpu.memory_space<semaphore_mem>>) {add = true}
      %add3A_135 = arith.constant 2 : i32
      %add3A_136 = arith.addi %mul3A_85, %add3A_135 : i32
      %lt3A_137 = arith.cmpi slt, %add3A_136, %sub3A_1 : i32
      %convert_element_type3A_138 = arith.extui %lt3A_137 : i1 to i32
      %cond3A_139 = arith.constant 0 : i32
      %cond3A_140 = arith.cmpi ne, %convert_element_type3A_138, %cond3A_139 : i32
      scf.if %cond3A_140 {
        %add3A_208 = arith.constant 2 : i32
        %add3A_209 = arith.addi %mul3A_85, %add3A_208 : i32
        %add3A_210 = arith.addi %add3A, %add3A_209 : i32
        %dma_start3A_211 = arith.constant 0 : i32
        %dma_start3A_212 = tpu.memref_slice %arg4[%add3A_210, %dma_start3A_211] : memref<5056x128xi32, #tpu.memory_space<hbm>> -> memref<1x128xi32, #tpu.memory_space<hbm>>
        %dma_start3A_213 = tpu.memref_squeeze %dma_start3A_212 : memref<1x128xi32, #tpu.memory_space<hbm>> -> memref<128xi32, #tpu.memory_space<hbm>>
        %dma_start3A_214 = arith.constant 0 : i32
        %dma_start3A_215 = tpu.memref_slice %arg4[%add3A_210, %dma_start3A_214] : memref<5056x128xi32, #tpu.memory_space<hbm>> -> memref<1x128xi32, #tpu.memory_space<hbm>>
        %dma_start3A_216 = tpu.memref_squeeze %dma_start3A_215 : memref<1x128xi32, #tpu.memory_space<hbm>> -> memref<128xi32, #tpu.memory_space<hbm>>
        tpu.enqueue_dma source(%dma_start3A_216 : memref<128xi32, #tpu.memory_space<hbm>>) target(%arg7 : memref<128xi32, #tpu.memory_space<vmem>>) target_semaphore(%arg18 : memref<!tpu.dma_semaphore, #tpu.memory_space<semaphore_mem>>)
      } else {
      }
      %mul3A_141 = arith.constant 2 : i32
      %mul3A_142 = arith.muli %mul3A_141, %while3A_82 : i32
      %add3A_143 = arith.constant 1 : i32
      %add3A_144 = arith.addi %mul3A_142, %add3A_143 : i32
      %dma_wait3A_145 = arith.constant 0 : i32
      %dma_wait3A_146 = tpu.memref_slice %arg8[%dma_wait3A_145] : memref<128xi32, #tpu.memory_space<vmem>> -> memref<64xi32, #tpu.memory_space<vmem>>
      %dma_wait3A_147 = arith.constant 0 : i32
      %dma_wait3A_148 = arith.constant 0 : i32
      %dma_wait3A_149 = tpu.memref_slice %arg2[%dma_wait3A_147, %dma_wait3A_148] : memref<10000x128xf32, #tpu.memory_space<hbm>> -> memref<10000x128xf32, #tpu.memory_space<hbm>>
      tpu.wait_indirect_dma semaphore(%arg21 : memref<!tpu.dma_semaphore, #tpu.memory_space<semaphore_mem>>) src(%dma_wait3A_149 : memref<10000x128xf32, #tpu.memory_space<hbm>>) dst(%arg10 : memref<64x128xf32, #tpu.memory_space<vmem>>)
      %add3A_150 = arith.constant 1 : i32
      %add3A_151 = arith.addi %add3A_144, %add3A_150 : i32
      %lt3A_152 = arith.cmpi slt, %add3A_151, %sub3A_1 : i32
      %convert_element_type3A_153 = arith.extui %lt3A_152 : i1 to i32
      %cond3A_154 = arith.constant 0 : i32
      %cond3A_155 = arith.cmpi ne, %convert_element_type3A_153, %cond3A_154 : i32
      scf.if %cond3A_155 {
        %dma_wait3A_208 = arith.constant 0 : i32
        %dma_wait3A_209 = arith.constant 0 : i32
        %dma_wait3A_210 = tpu.memref_slice %arg4[%dma_wait3A_208, %dma_wait3A_209] : memref<5056x128xi32, #tpu.memory_space<hbm>> -> memref<1x128xi32, #tpu.memory_space<hbm>>
        %dma_wait3A_211 = tpu.memref_squeeze %dma_wait3A_210 : memref<1x128xi32, #tpu.memory_space<hbm>> -> memref<128xi32, #tpu.memory_space<hbm>>
        %dma_wait3A_212 = arith.constant 0 : i32
        %dma_wait3A_213 = tpu.memref_slice %arg4[%dma_wait3A_208, %dma_wait3A_212] : memref<5056x128xi32, #tpu.memory_space<hbm>> -> memref<1x128xi32, #tpu.memory_space<hbm>>
        %dma_wait3A_214 = tpu.memref_squeeze %dma_wait3A_213 : memref<1x128xi32, #tpu.memory_space<hbm>> -> memref<128xi32, #tpu.memory_space<hbm>>
        tpu.wait_dma2 semaphore(%arg18 : memref<!tpu.dma_semaphore, #tpu.memory_space<semaphore_mem>>) src(%dma_wait3A_214 : memref<128xi32, #tpu.memory_space<hbm>>) dst(%arg7 : memref<128xi32, #tpu.memory_space<vmem>>)
        %dma_start3A_215 = arith.constant 0 : i32
        %dma_start3A_216 = tpu.memref_slice %arg7[%dma_start3A_215] : memref<128xi32, #tpu.memory_space<vmem>> -> memref<64xi32, #tpu.memory_space<vmem>>
        %dma_start3A_217 = arith.constant 0 : i32
        %dma_start3A_218 = arith.constant 0 : i32
        %dma_start3A_219 = tpu.memref_slice %arg2[%dma_start3A_217, %dma_start3A_218] : memref<10000x128xf32, #tpu.memory_space<hbm>> -> memref<10000x128xf32, #tpu.memory_space<hbm>>
        tpu.enqueue_indirect_dma source(%dma_start3A_219 : memref<10000x128xf32, #tpu.memory_space<hbm>>) target(%arg9 : memref<64x128xf32, #tpu.memory_space<vmem>>) offsets(%dma_start3A_216 : memref<64xi32, #tpu.memory_space<vmem>>) semaphore(%arg20 : memref<!tpu.dma_semaphore, #tpu.memory_space<semaphore_mem>>)
        %add3A_220 = arith.constant 1 : i32
        %add3A_221 = arith.addi %add3A_144, %add3A_220 : i32
        %add3A_222 = arith.addi %add3A, %add3A_221 : i32
        %mul3A_223 = arith.constant 32 : i32
        %mul3A_224 = arith.muli %add3A_222, %mul3A_223 : i32
        %dma_start3A_225 = arith.constant 0 : i32
        %dma_start3A_226 = tpu.memref_slice %arg3[%mul3A_224, %dma_start3A_225] : memref<161792x128xi32, #tpu.memory_space<hbm>> -> memref<32x128xi32, #tpu.memory_space<hbm>>
        %dma_start3A_227 = arith.constant 0 : i32
        %dma_start3A_228 = tpu.memref_slice %arg3[%mul3A_224, %dma_start3A_227] : memref<161792x128xi32, #tpu.memory_space<hbm>> -> memref<32x128xi32, #tpu.memory_space<hbm>>
        tpu.enqueue_dma source(%dma_start3A_228 : memref<32x128xi32, #tpu.memory_space<hbm>>) target(%arg11 : memref<32x128xi32, #tpu.memory_space<vmem>>) target_semaphore(%arg22 : memref<!tpu.dma_semaphore, #tpu.memory_space<semaphore_mem>>)
      } else {
      }
      %dma_wait3A_156 = arith.constant 0 : i32
      %dma_wait3A_157 = arith.constant 0 : i32
      %dma_wait3A_158 = tpu.memref_slice %arg3[%dma_wait3A_156, %dma_wait3A_157] : memref<161792x128xi32, #tpu.memory_space<hbm>> -> memref<32x128xi32, #tpu.memory_space<hbm>>
      %dma_wait3A_159 = arith.constant 0 : i32
      %dma_wait3A_160 = arith.constant 0 : i32
      %dma_wait3A_161 = tpu.memref_slice %arg3[%dma_wait3A_159, %dma_wait3A_160] : memref<161792x128xi32, #tpu.memory_space<hbm>> -> memref<32x128xi32, #tpu.memory_space<hbm>>
      tpu.wait_dma2 semaphore(%arg23 : memref<!tpu.dma_semaphore, #tpu.memory_space<semaphore_mem>>) src(%dma_wait3A_161 : memref<32x128xi32, #tpu.memory_space<hbm>>) dst(%arg12 : memref<32x128xi32, #tpu.memory_space<vmem>>)
      %ge3A_162 = arith.constant 2 : i32
      %ge3A_163 = arith.cmpi sge, %add3A_144, %ge3A_162 : i32
      %convert_element_type3A_164 = arith.extui %ge3A_163 : i1 to i32
      %cond3A_165 = arith.constant 0 : i32
      %cond3A_166 = arith.cmpi ne, %convert_element_type3A_164, %cond3A_165 : i32
      scf.if %cond3A_166 {
        %dma_wait3A_208 = arith.constant 0 : i32
        %dma_wait3A_209 = arith.constant 0 : i32
        %dma_wait3A_210 = tpu.memref_slice %arg17[%dma_wait3A_208, %dma_wait3A_209] : memref<10112x128xf32, #tpu.memory_space<vmem_shared>> -> memref<10112x128xf32, #tpu.memory_space<vmem_shared>>
        tpu.wait_indirect_dma semaphore(%arg25 : memref<!tpu.dma_semaphore, #tpu.memory_space<semaphore_mem>>) src(%arg14 : memref<64x128xf32, #tpu.memory_space<vmem>>) dst(%dma_wait3A_210 : memref<10112x128xf32, #tpu.memory_space<vmem_shared>>)
      } else {
      }
      %parallel_loop3A_167 = arith.constant 0 : i32
      %parallel_loop3A_168 = arith.constant 32 : i32
      %parallel_loop3A_169 = arith.constant 1 : i32
      scf.for %parallel_loop3A_208 = %parallel_loop3A_167 to %parallel_loop3A_168 step %parallel_loop3A_169  : i32 {
        %parallel_loop3A_209 = arith.constant 2 : i32
        %parallel_loop3A_210 = arith.muli %parallel_loop3A_209, %parallel_loop3A_208 : i32
        %parallel_loop3A_211 = arith.constant 2 : i32
        %parallel_loop3A_212 = arith.muli %parallel_loop3A_211, %parallel_loop3A_208 : i32
        %parallel_loop3A_213 = arith.constant 1 : i32
        %parallel_loop3A_214 = arith.addi %parallel_loop3A_212, %parallel_loop3A_213 : i32
        %parallel_loop3A_215 = arith.index_cast %parallel_loop3A_208 : i32 to index
        %parallel_loop3A_216 = arith.constant 0 : index
        %parallel_loop3A_217 = tpu.vector_load %arg12[%parallel_loop3A_215, %parallel_loop3A_216] {strides = array<i32>} : memref<32x128xi32, #tpu.memory_space<vmem>>, vector<1x16xi32>,
        %parallel_loop3A_218 = vector.shape_cast %parallel_loop3A_217 : vector<1x16xi32> to vector<16xi32>
        %parallel_loop3A_219 = arith.constant 16 : i32
        %parallel_loop3A_220 = vector.broadcast %parallel_loop3A_219 : i32 to vector<16xi32>
        %parallel_loop3A_221 = arith.shli %parallel_loop3A_218, %parallel_loop3A_220 : vector<16xi32>
        %parallel_loop3A_222 = tpu.bitcast %parallel_loop3A_221 : vector<16xi32> -> vector<16xf32>
        %parallel_loop3A_223 = arith.constant -65536 : i32
        %parallel_loop3A_224 = vector.broadcast %parallel_loop3A_223 : i32 to vector<16xi32>
        %parallel_loop3A_225 = arith.andi %parallel_loop3A_218, %parallel_loop3A_224 : vector<16xi32>
        %parallel_loop3A_226 = tpu.bitcast %parallel_loop3A_225 : vector<16xi32> -> vector<16xf32>
        %parallel_loop3A_227 = arith.index_cast %parallel_loop3A_210 : i32 to index
        %parallel_loop3A_228 = arith.constant 0 : index
        %parallel_loop3A_229 = tpu.vector_load %arg10[%parallel_loop3A_227, %parallel_loop3A_228] {strides = array<i32>} : memref<64x128xf32, #tpu.memory_space<vmem>>, vector<1x16xf32>,
        %parallel_loop3A_230 = vector.shape_cast %parallel_loop3A_229 : vector<1x16xf32> to vector<16xf32>
        %parallel_loop3A_231 = arith.addf %parallel_loop3A_230, %parallel_loop3A_222 : vector<16xf32>
        %parallel_loop3A_232 = arith.constant 0.000000e+00 : f32
        %parallel_loop3A_233 = vector.broadcast %parallel_loop3A_232 : f32 to vector<16xf32>
        %parallel_loop3A_234 = arith.maximumf %parallel_loop3A_231, %parallel_loop3A_233 : vector<16xf32>
        %parallel_loop3A_235 = arith.index_cast %parallel_loop3A_210 : i32 to index
        %parallel_loop3A_236 = arith.constant 0 : index
        %parallel_loop3A_237 = tpu.vector_load %arg14[%parallel_loop3A_235, %parallel_loop3A_236] {strides = array<i32>} : memref<64x128xf32, #tpu.memory_space<vmem>>, vector<1x16xf32>,
        %parallel_loop3A_238 = vector.shape_cast %parallel_loop3A_237 : vector<1x16xf32> to vector<16xf32>
        %parallel_loop3A_239 = vector.shape_cast %parallel_loop3A_234 : vector<16xf32> to vector<1x16xf32>
        tpu.vector_store %arg14[%parallel_loop3A_235, %parallel_loop3A_236], %parallel_loop3A_239 {strides = array<i32>} : memref<64x128xf32, #tpu.memory_space<vmem>>, vector<1x16xf32>,
        %parallel_loop3A_240 = arith.index_cast %parallel_loop3A_214 : i32 to index
        %parallel_loop3A_241 = arith.constant 0 : index
        %parallel_loop3A_242 = tpu.vector_load %arg10[%parallel_loop3A_240, %parallel_loop3A_241] {strides = array<i32>} : memref<64x128xf32, #tpu.memory_space<vmem>>, vector<1x16xf32>,
        %parallel_loop3A_243 = vector.shape_cast %parallel_loop3A_242 : vector<1x16xf32> to vector<16xf32>
        %parallel_loop3A_244 = arith.addf %parallel_loop3A_243, %parallel_loop3A_226 : vector<16xf32>
        %parallel_loop3A_245 = arith.constant 0.000000e+00 : f32
        %parallel_loop3A_246 = vector.broadcast %parallel_loop3A_245 : f32 to vector<16xf32>
        %parallel_loop3A_247 = arith.maximumf %parallel_loop3A_244, %parallel_loop3A_246 : vector<16xf32>
        %parallel_loop3A_248 = arith.index_cast %parallel_loop3A_214 : i32 to index
        %parallel_loop3A_249 = arith.constant 0 : index
        %parallel_loop3A_250 = tpu.vector_load %arg14[%parallel_loop3A_248, %parallel_loop3A_249] {strides = array<i32>} : memref<64x128xf32, #tpu.memory_space<vmem>>, vector<1x16xf32>,
        %parallel_loop3A_251 = vector.shape_cast %parallel_loop3A_250 : vector<1x16xf32> to vector<16xf32>
        %parallel_loop3A_252 = vector.shape_cast %parallel_loop3A_247 : vector<16xf32> to vector<1x16xf32>
        tpu.vector_store %arg14[%parallel_loop3A_248, %parallel_loop3A_249], %parallel_loop3A_252 {strides = array<i32>} : memref<64x128xf32, #tpu.memory_space<vmem>>, vector<1x16xf32>,
        %parallel_loop3A_253 = arith.index_cast %parallel_loop3A_208 : i32 to index
        %parallel_loop3A_254 = arith.constant 16 : index
        %parallel_loop3A_255 = tpu.vector_load %arg12[%parallel_loop3A_253, %parallel_loop3A_254] {strides = array<i32>} : memref<32x128xi32, #tpu.memory_space<vmem>>, vector<1x16xi32>,
        %parallel_loop3A_256 = vector.shape_cast %parallel_loop3A_255 : vector<1x16xi32> to vector<16xi32>
        %parallel_loop3A_257 = arith.constant 16 : i32
        %parallel_loop3A_258 = vector.broadcast %parallel_loop3A_257 : i32 to vector<16xi32>
        %parallel_loop3A_259 = arith.shli %parallel_loop3A_256, %parallel_loop3A_258 : vector<16xi32>
        %parallel_loop3A_260 = tpu.bitcast %parallel_loop3A_259 : vector<16xi32> -> vector<16xf32>
        %parallel_loop3A_261 = arith.constant -65536 : i32
        %parallel_loop3A_262 = vector.broadcast %parallel_loop3A_261 : i32 to vector<16xi32>
        %parallel_loop3A_263 = arith.andi %parallel_loop3A_256, %parallel_loop3A_262 : vector<16xi32>
        %parallel_loop3A_264 = tpu.bitcast %parallel_loop3A_263 : vector<16xi32> -> vector<16xf32>
        %parallel_loop3A_265 = arith.index_cast %parallel_loop3A_210 : i32 to index
        %parallel_loop3A_266 = arith.constant 16 : index
        %parallel_loop3A_267 = tpu.vector_load %arg10[%parallel_loop3A_265, %parallel_loop3A_266] {strides = array<i32>} : memref<64x128xf32, #tpu.memory_space<vmem>>, vector<1x16xf32>,
        %parallel_loop3A_268 = vector.shape_cast %parallel_loop3A_267 : vector<1x16xf32> to vector<16xf32>
        %parallel_loop3A_269 = arith.addf %parallel_loop3A_268, %parallel_loop3A_260 : vector<16xf32>
        %parallel_loop3A_270 = arith.constant 0.000000e+00 : f32
        %parallel_loop3A_271 = vector.broadcast %parallel_loop3A_270 : f32 to vector<16xf32>
        %parallel_loop3A_272 = arith.maximumf %parallel_loop3A_269, %parallel_loop3A_271 : vector<16xf32>
        %parallel_loop3A_273 = arith.index_cast %parallel_loop3A_210 : i32 to index
        %parallel_loop3A_274 = arith.constant 16 : index
        %parallel_loop3A_275 = tpu.vector_load %arg14[%parallel_loop3A_273, %parallel_loop3A_274] {strides = array<i32>} : memref<64x128xf32, #tpu.memory_space<vmem>>, vector<1x16xf32>,
        %parallel_loop3A_276 = vector.shape_cast %parallel_loop3A_275 : vector<1x16xf32> to vector<16xf32>
        %parallel_loop3A_277 = vector.shape_cast %parallel_loop3A_272 : vector<16xf32> to vector<1x16xf32>
        tpu.vector_store %arg14[%parallel_loop3A_273, %parallel_loop3A_274], %parallel_loop3A_277 {strides = array<i32>} : memref<64x128xf32, #tpu.memory_space<vmem>>, vector<1x16xf32>,
        %parallel_loop3A_278 = arith.index_cast %parallel_loop3A_214 : i32 to index
        %parallel_loop3A_279 = arith.constant 16 : index
        %parallel_loop3A_280 = tpu.vector_load %arg10[%parallel_loop3A_278, %parallel_loop3A_279] {strides = array<i32>} : memref<64x128xf32, #tpu.memory_space<vmem>>, vector<1x16xf32>,
        %parallel_loop3A_281 = vector.shape_cast %parallel_loop3A_280 : vector<1x16xf32> to vector<16xf32>
        %parallel_loop3A_282 = arith.addf %parallel_loop3A_281, %parallel_loop3A_264 : vector<16xf32>
        %parallel_loop3A_283 = arith.constant 0.000000e+00 : f32
        %parallel_loop3A_284 = vector.broadcast %parallel_loop3A_283 : f32 to vector<16xf32>
        %parallel_loop3A_285 = arith.maximumf %parallel_loop3A_282, %parallel_loop3A_284 : vector<16xf32>
        %parallel_loop3A_286 = arith.index_cast %parallel_loop3A_214 : i32 to index
        %parallel_loop3A_287 = arith.constant 16 : index
        %parallel_loop3A_288 = tpu.vector_load %arg14[%parallel_loop3A_286, %parallel_loop3A_287] {strides = array<i32>} : memref<64x128xf32, #tpu.memory_space<vmem>>, vector<1x16xf32>,
        %parallel_loop3A_289 = vector.shape_cast %parallel_loop3A_288 : vector<1x16xf32> to vector<16xf32>
        %parallel_loop3A_290 = vector.shape_cast %parallel_loop3A_285 : vector<16xf32> to vector<1x16xf32>
        tpu.vector_store %arg14[%parallel_loop3A_286, %parallel_loop3A_287], %parallel_loop3A_290 {strides = array<i32>} : memref<64x128xf32, #tpu.memory_space<vmem>>, vector<1x16xf32>,
        %parallel_loop3A_291 = arith.index_cast %parallel_loop3A_208 : i32 to index
        %parallel_loop3A_292 = arith.constant 32 : index
        %parallel_loop3A_293 = tpu.vector_load %arg12[%parallel_loop3A_291, %parallel_loop3A_292] {strides = array<i32>} : memref<32x128xi32, #tpu.memory_space<vmem>>, vector<1x16xi32>,
        %parallel_loop3A_294 = vector.shape_cast %parallel_loop3A_293 : vector<1x16xi32> to vector<16xi32>
        %parallel_loop3A_295 = arith.constant 16 : i32
        %parallel_loop3A_296 = vector.broadcast %parallel_loop3A_295 : i32 to vector<16xi32>
        %parallel_loop3A_297 = arith.shli %parallel_loop3A_294, %parallel_loop3A_296 : vector<16xi32>
        %parallel_loop3A_298 = tpu.bitcast %parallel_loop3A_297 : vector<16xi32> -> vector<16xf32>
        %parallel_loop3A_299 = arith.constant -65536 : i32
        %parallel_loop3A_300 = vector.broadcast %parallel_loop3A_299 : i32 to vector<16xi32>
        %parallel_loop3A_301 = arith.andi %parallel_loop3A_294, %parallel_loop3A_300 : vector<16xi32>
        %parallel_loop3A_302 = tpu.bitcast %parallel_loop3A_301 : vector<16xi32> -> vector<16xf32>
        %parallel_loop3A_303 = arith.index_cast %parallel_loop3A_210 : i32 to index
        %parallel_loop3A_304 = arith.constant 32 : index
        %parallel_loop3A_305 = tpu.vector_load %arg10[%parallel_loop3A_303, %parallel_loop3A_304] {strides = array<i32>} : memref<64x128xf32, #tpu.memory_space<vmem>>, vector<1x16xf32>,
        %parallel_loop3A_306 = vector.shape_cast %parallel_loop3A_305 : vector<1x16xf32> to vector<16xf32>
        %parallel_loop3A_307 = arith.addf %parallel_loop3A_306, %parallel_loop3A_298 : vector<16xf32>
        %parallel_loop3A_308 = arith.constant 0.000000e+00 : f32
        %parallel_loop3A_309 = vector.broadcast %parallel_loop3A_308 : f32 to vector<16xf32>
        %parallel_loop3A_310 = arith.maximumf %parallel_loop3A_307, %parallel_loop3A_309 : vector<16xf32>
        %parallel_loop3A_311 = arith.index_cast %parallel_loop3A_210 : i32 to index
        %parallel_loop3A_312 = arith.constant 32 : index
        %parallel_loop3A_313 = tpu.vector_load %arg14[%parallel_loop3A_311, %parallel_loop3A_312] {strides = array<i32>} : memref<64x128xf32, #tpu.memory_space<vmem>>, vector<1x16xf32>,
        %parallel_loop3A_314 = vector.shape_cast %parallel_loop3A_313 : vector<1x16xf32> to vector<16xf32>
        %parallel_loop3A_315 = vector.shape_cast %parallel_loop3A_310 : vector<16xf32> to vector<1x16xf32>
        tpu.vector_store %arg14[%parallel_loop3A_311, %parallel_loop3A_312], %parallel_loop3A_315 {strides = array<i32>} : memref<64x128xf32, #tpu.memory_space<vmem>>, vector<1x16xf32>,
        %parallel_loop3A_316 = arith.index_cast %parallel_loop3A_214 : i32 to index
        %parallel_loop3A_317 = arith.constant 32 : index
        %parallel_loop3A_318 = tpu.vector_load %arg10[%parallel_loop3A_316, %parallel_loop3A_317] {strides = array<i32>} : memref<64x128xf32, #tpu.memory_space<vmem>>, vector<1x16xf32>,
        %parallel_loop3A_319 = vector.shape_cast %parallel_loop3A_318 : vector<1x16xf32> to vector<16xf32>
        %parallel_loop3A_320 = arith.addf %parallel_loop3A_319, %parallel_loop3A_302 : vector<16xf32>
        %parallel_loop3A_321 = arith.constant 0.000000e+00 : f32
        %parallel_loop3A_322 = vector.broadcast %parallel_loop3A_321 : f32 to vector<16xf32>
        %parallel_loop3A_323 = arith.maximumf %parallel_loop3A_320, %parallel_loop3A_322 : vector<16xf32>
        %parallel_loop3A_324 = arith.index_cast %parallel_loop3A_214 : i32 to index
        %parallel_loop3A_325 = arith.constant 32 : index
        %parallel_loop3A_326 = tpu.vector_load %arg14[%parallel_loop3A_324, %parallel_loop3A_325] {strides = array<i32>} : memref<64x128xf32, #tpu.memory_space<vmem>>, vector<1x16xf32>,
        %parallel_loop3A_327 = vector.shape_cast %parallel_loop3A_326 : vector<1x16xf32> to vector<16xf32>
        %parallel_loop3A_328 = vector.shape_cast %parallel_loop3A_323 : vector<16xf32> to vector<1x16xf32>
        tpu.vector_store %arg14[%parallel_loop3A_324, %parallel_loop3A_325], %parallel_loop3A_328 {strides = array<i32>} : memref<64x128xf32, #tpu.memory_space<vmem>>, vector<1x16xf32>,
        %parallel_loop3A_329 = arith.index_cast %parallel_loop3A_208 : i32 to index
        %parallel_loop3A_330 = arith.constant 48 : index
        %parallel_loop3A_331 = tpu.vector_load %arg12[%parallel_loop3A_329, %parallel_loop3A_330] {strides = array<i32>} : memref<32x128xi32, #tpu.memory_space<vmem>>, vector<1x16xi32>,
        %parallel_loop3A_332 = vector.shape_cast %parallel_loop3A_331 : vector<1x16xi32> to vector<16xi32>
        %parallel_loop3A_333 = arith.constant 16 : i32
        %parallel_loop3A_334 = vector.broadcast %parallel_loop3A_333 : i32 to vector<16xi32>
        %parallel_loop3A_335 = arith.shli %parallel_loop3A_332, %parallel_loop3A_334 : vector<16xi32>
        %parallel_loop3A_336 = tpu.bitcast %parallel_loop3A_335 : vector<16xi32> -> vector<16xf32>
        %parallel_loop3A_337 = arith.constant -65536 : i32
        %parallel_loop3A_338 = vector.broadcast %parallel_loop3A_337 : i32 to vector<16xi32>
        %parallel_loop3A_339 = arith.andi %parallel_loop3A_332, %parallel_loop3A_338 : vector<16xi32>
        %parallel_loop3A_340 = tpu.bitcast %parallel_loop3A_339 : vector<16xi32> -> vector<16xf32>
        %parallel_loop3A_341 = arith.index_cast %parallel_loop3A_210 : i32 to index
        %parallel_loop3A_342 = arith.constant 48 : index
        %parallel_loop3A_343 = tpu.vector_load %arg10[%parallel_loop3A_341, %parallel_loop3A_342] {strides = array<i32>} : memref<64x128xf32, #tpu.memory_space<vmem>>, vector<1x16xf32>,
        %parallel_loop3A_344 = vector.shape_cast %parallel_loop3A_343 : vector<1x16xf32> to vector<16xf32>
        %parallel_loop3A_345 = arith.addf %parallel_loop3A_344, %parallel_loop3A_336 : vector<16xf32>
        %parallel_loop3A_346 = arith.constant 0.000000e+00 : f32
        %parallel_loop3A_347 = vector.broadcast %parallel_loop3A_346 : f32 to vector<16xf32>
        %parallel_loop3A_348 = arith.maximumf %parallel_loop3A_345, %parallel_loop3A_347 : vector<16xf32>
        %parallel_loop3A_349 = arith.index_cast %parallel_loop3A_210 : i32 to index
        %parallel_loop3A_350 = arith.constant 48 : index
        %parallel_loop3A_351 = tpu.vector_load %arg14[%parallel_loop3A_349, %parallel_loop3A_350] {strides = array<i32>} : memref<64x128xf32, #tpu.memory_space<vmem>>, vector<1x16xf32>,
        %parallel_loop3A_352 = vector.shape_cast %parallel_loop3A_351 : vector<1x16xf32> to vector<16xf32>
        %parallel_loop3A_353 = vector.shape_cast %parallel_loop3A_348 : vector<16xf32> to vector<1x16xf32>
        tpu.vector_store %arg14[%parallel_loop3A_349, %parallel_loop3A_350], %parallel_loop3A_353 {strides = array<i32>} : memref<64x128xf32, #tpu.memory_space<vmem>>, vector<1x16xf32>,
        %parallel_loop3A_354 = arith.index_cast %parallel_loop3A_214 : i32 to index
        %parallel_loop3A_355 = arith.constant 48 : index
        %parallel_loop3A_356 = tpu.vector_load %arg10[%parallel_loop3A_354, %parallel_loop3A_355] {strides = array<i32>} : memref<64x128xf32, #tpu.memory_space<vmem>>, vector<1x16xf32>,
        %parallel_loop3A_357 = vector.shape_cast %parallel_loop3A_356 : vector<1x16xf32> to vector<16xf32>
        %parallel_loop3A_358 = arith.addf %parallel_loop3A_357, %parallel_loop3A_340 : vector<16xf32>
        %parallel_loop3A_359 = arith.constant 0.000000e+00 : f32
        %parallel_loop3A_360 = vector.broadcast %parallel_loop3A_359 : f32 to vector<16xf32>
        %parallel_loop3A_361 = arith.maximumf %parallel_loop3A_358, %parallel_loop3A_360 : vector<16xf32>
        %parallel_loop3A_362 = arith.index_cast %parallel_loop3A_214 : i32 to index
        %parallel_loop3A_363 = arith.constant 48 : index
        %parallel_loop3A_364 = tpu.vector_load %arg14[%parallel_loop3A_362, %parallel_loop3A_363] {strides = array<i32>} : memref<64x128xf32, #tpu.memory_space<vmem>>, vector<1x16xf32>,
        %parallel_loop3A_365 = vector.shape_cast %parallel_loop3A_364 : vector<1x16xf32> to vector<16xf32>
        %parallel_loop3A_366 = vector.shape_cast %parallel_loop3A_361 : vector<16xf32> to vector<1x16xf32>
        tpu.vector_store %arg14[%parallel_loop3A_362, %parallel_loop3A_363], %parallel_loop3A_366 {strides = array<i32>} : memref<64x128xf32, #tpu.memory_space<vmem>>, vector<1x16xf32>,
        %parallel_loop3A_367 = arith.index_cast %parallel_loop3A_208 : i32 to index
        %parallel_loop3A_368 = arith.constant 64 : index
        %parallel_loop3A_369 = tpu.vector_load %arg12[%parallel_loop3A_367, %parallel_loop3A_368] {strides = array<i32>} : memref<32x128xi32, #tpu.memory_space<vmem>>, vector<1x16xi32>,
        %parallel_loop3A_370 = vector.shape_cast %parallel_loop3A_369 : vector<1x16xi32> to vector<16xi32>
        %parallel_loop3A_371 = arith.constant 16 : i32
        %parallel_loop3A_372 = vector.broadcast %parallel_loop3A_371 : i32 to vector<16xi32>
        %parallel_loop3A_373 = arith.shli %parallel_loop3A_370, %parallel_loop3A_372 : vector<16xi32>
        %parallel_loop3A_374 = tpu.bitcast %parallel_loop3A_373 : vector<16xi32> -> vector<16xf32>
        %parallel_loop3A_375 = arith.constant -65536 : i32
        %parallel_loop3A_376 = vector.broadcast %parallel_loop3A_375 : i32 to vector<16xi32>
        %parallel_loop3A_377 = arith.andi %parallel_loop3A_370, %parallel_loop3A_376 : vector<16xi32>
        %parallel_loop3A_378 = tpu.bitcast %parallel_loop3A_377 : vector<16xi32> -> vector<16xf32>
        %parallel_loop3A_379 = arith.index_cast %parallel_loop3A_210 : i32 to index
        %parallel_loop3A_380 = arith.constant 64 : index
        %parallel_loop3A_381 = tpu.vector_load %arg10[%parallel_loop3A_379, %parallel_loop3A_380] {strides = array<i32>} : memref<64x128xf32, #tpu.memory_space<vmem>>, vector<1x16xf32>,
        %parallel_loop3A_382 = vector.shape_cast %parallel_loop3A_381 : vector<1x16xf32> to vector<16xf32>
        %parallel_loop3A_383 = arith.addf %parallel_loop3A_382, %parallel_loop3A_374 : vector<16xf32>
        %parallel_loop3A_384 = arith.constant 0.000000e+00 : f32
        %parallel_loop3A_385 = vector.broadcast %parallel_loop3A_384 : f32 to vector<16xf32>
        %parallel_loop3A_386 = arith.maximumf %parallel_loop3A_383, %parallel_loop3A_385 : vector<16xf32>
        %parallel_loop3A_387 = arith.index_cast %parallel_loop3A_210 : i32 to index
        %parallel_loop3A_388 = arith.constant 64 : index
        %parallel_loop3A_389 = tpu.vector_load %arg14[%parallel_loop3A_387, %parallel_loop3A_388] {strides = array<i32>} : memref<64x128xf32, #tpu.memory_space<vmem>>, vector<1x16xf32>,
        %parallel_loop3A_390 = vector.shape_cast %parallel_loop3A_389 : vector<1x16xf32> to vector<16xf32>
        %parallel_loop3A_391 = vector.shape_cast %parallel_loop3A_386 : vector<16xf32> to vector<1x16xf32>
        tpu.vector_store %arg14[%parallel_loop3A_387, %parallel_loop3A_388], %parallel_loop3A_391 {strides = array<i32>} : memref<64x128xf32, #tpu.memory_space<vmem>>, vector<1x16xf32>,
        %parallel_loop3A_392 = arith.index_cast %parallel_loop3A_214 : i32 to index
        %parallel_loop3A_393 = arith.constant 64 : index
        %parallel_loop3A_394 = tpu.vector_load %arg10[%parallel_loop3A_392, %parallel_loop3A_393] {strides = array<i32>} : memref<64x128xf32, #tpu.memory_space<vmem>>, vector<1x16xf32>,
        %parallel_loop3A_395 = vector.shape_cast %parallel_loop3A_394 : vector<1x16xf32> to vector<16xf32>
        %parallel_loop3A_396 = arith.addf %parallel_loop3A_395, %parallel_loop3A_378 : vector<16xf32>
        %parallel_loop3A_397 = arith.constant 0.000000e+00 : f32
        %parallel_loop3A_398 = vector.broadcast %parallel_loop3A_397 : f32 to vector<16xf32>
        %parallel_loop3A_399 = arith.maximumf %parallel_loop3A_396, %parallel_loop3A_398 : vector<16xf32>
        %parallel_loop3A_400 = arith.index_cast %parallel_loop3A_214 : i32 to index
        %parallel_loop3A_401 = arith.constant 64 : index
        %parallel_loop3A_402 = tpu.vector_load %arg14[%parallel_loop3A_400, %parallel_loop3A_401] {strides = array<i32>} : memref<64x128xf32, #tpu.memory_space<vmem>>, vector<1x16xf32>,
        %parallel_loop3A_403 = vector.shape_cast %parallel_loop3A_402 : vector<1x16xf32> to vector<16xf32>
        %parallel_loop3A_404 = vector.shape_cast %parallel_loop3A_399 : vector<16xf32> to vector<1x16xf32>
        tpu.vector_store %arg14[%parallel_loop3A_400, %parallel_loop3A_401], %parallel_loop3A_404 {strides = array<i32>} : memref<64x128xf32, #tpu.memory_space<vmem>>, vector<1x16xf32>,
        %parallel_loop3A_405 = arith.index_cast %parallel_loop3A_208 : i32 to index
        %parallel_loop3A_406 = arith.constant 80 : index
        %parallel_loop3A_407 = tpu.vector_load %arg12[%parallel_loop3A_405, %parallel_loop3A_406] {strides = array<i32>} : memref<32x128xi32, #tpu.memory_space<vmem>>, vector<1x16xi32>,
        %parallel_loop3A_408 = vector.shape_cast %parallel_loop3A_407 : vector<1x16xi32> to vector<16xi32>
        %parallel_loop3A_409 = arith.constant 16 : i32
        %parallel_loop3A_410 = vector.broadcast %parallel_loop3A_409 : i32 to vector<16xi32>
        %parallel_loop3A_411 = arith.shli %parallel_loop3A_408, %parallel_loop3A_410 : vector<16xi32>
        %parallel_loop3A_412 = tpu.bitcast %parallel_loop3A_411 : vector<16xi32> -> vector<16xf32>
        %parallel_loop3A_413 = arith.constant -65536 : i32
        %parallel_loop3A_414 = vector.broadcast %parallel_loop3A_413 : i32 to vector<16xi32>
        %parallel_loop3A_415 = arith.andi %parallel_loop3A_408, %parallel_loop3A_414 : vector<16xi32>
        %parallel_loop3A_416 = tpu.bitcast %parallel_loop3A_415 : vector<16xi32> -> vector<16xf32>
        %parallel_loop3A_417 = arith.index_cast %parallel_loop3A_210 : i32 to index
        %parallel_loop3A_418 = arith.constant 80 : index
        %parallel_loop3A_419 = tpu.vector_load %arg10[%parallel_loop3A_417, %parallel_loop3A_418] {strides = array<i32>} : memref<64x128xf32, #tpu.memory_space<vmem>>, vector<1x16xf32>,
        %parallel_loop3A_420 = vector.shape_cast %parallel_loop3A_419 : vector<1x16xf32> to vector<16xf32>
        %parallel_loop3A_421 = arith.addf %parallel_loop3A_420, %parallel_loop3A_412 : vector<16xf32>
        %parallel_loop3A_422 = arith.constant 0.000000e+00 : f32
        %parallel_loop3A_423 = vector.broadcast %parallel_loop3A_422 : f32 to vector<16xf32>
        %parallel_loop3A_424 = arith.maximumf %parallel_loop3A_421, %parallel_loop3A_423 : vector<16xf32>
        %parallel_loop3A_425 = arith.index_cast %parallel_loop3A_210 : i32 to index
        %parallel_loop3A_426 = arith.constant 80 : index
        %parallel_loop3A_427 = tpu.vector_load %arg14[%parallel_loop3A_425, %parallel_loop3A_426] {strides = array<i32>} : memref<64x128xf32, #tpu.memory_space<vmem>>, vector<1x16xf32>,
        %parallel_loop3A_428 = vector.shape_cast %parallel_loop3A_427 : vector<1x16xf32> to vector<16xf32>
        %parallel_loop3A_429 = vector.shape_cast %parallel_loop3A_424 : vector<16xf32> to vector<1x16xf32>
        tpu.vector_store %arg14[%parallel_loop3A_425, %parallel_loop3A_426], %parallel_loop3A_429 {strides = array<i32>} : memref<64x128xf32, #tpu.memory_space<vmem>>, vector<1x16xf32>,
        %parallel_loop3A_430 = arith.index_cast %parallel_loop3A_214 : i32 to index
        %parallel_loop3A_431 = arith.constant 80 : index
        %parallel_loop3A_432 = tpu.vector_load %arg10[%parallel_loop3A_430, %parallel_loop3A_431] {strides = array<i32>} : memref<64x128xf32, #tpu.memory_space<vmem>>, vector<1x16xf32>,
        %parallel_loop3A_433 = vector.shape_cast %parallel_loop3A_432 : vector<1x16xf32> to vector<16xf32>
        %parallel_loop3A_434 = arith.addf %parallel_loop3A_433, %parallel_loop3A_416 : vector<16xf32>
        %parallel_loop3A_435 = arith.constant 0.000000e+00 : f32
        %parallel_loop3A_436 = vector.broadcast %parallel_loop3A_435 : f32 to vector<16xf32>
        %parallel_loop3A_437 = arith.maximumf %parallel_loop3A_434, %parallel_loop3A_436 : vector<16xf32>
        %parallel_loop3A_438 = arith.index_cast %parallel_loop3A_214 : i32 to index
        %parallel_loop3A_439 = arith.constant 80 : index
        %parallel_loop3A_440 = tpu.vector_load %arg14[%parallel_loop3A_438, %parallel_loop3A_439] {strides = array<i32>} : memref<64x128xf32, #tpu.memory_space<vmem>>, vector<1x16xf32>,
        %parallel_loop3A_441 = vector.shape_cast %parallel_loop3A_440 : vector<1x16xf32> to vector<16xf32>
        %parallel_loop3A_442 = vector.shape_cast %parallel_loop3A_437 : vector<16xf32> to vector<1x16xf32>
        tpu.vector_store %arg14[%parallel_loop3A_438, %parallel_loop3A_439], %parallel_loop3A_442 {strides = array<i32>} : memref<64x128xf32, #tpu.memory_space<vmem>>, vector<1x16xf32>,
        %parallel_loop3A_443 = arith.index_cast %parallel_loop3A_208 : i32 to index
        %parallel_loop3A_444 = arith.constant 96 : index
        %parallel_loop3A_445 = tpu.vector_load %arg12[%parallel_loop3A_443, %parallel_loop3A_444] {strides = array<i32>} : memref<32x128xi32, #tpu.memory_space<vmem>>, vector<1x16xi32>,
        %parallel_loop3A_446 = vector.shape_cast %parallel_loop3A_445 : vector<1x16xi32> to vector<16xi32>
        %parallel_loop3A_447 = arith.constant 16 : i32
        %parallel_loop3A_448 = vector.broadcast %parallel_loop3A_447 : i32 to vector<16xi32>
        %parallel_loop3A_449 = arith.shli %parallel_loop3A_446, %parallel_loop3A_448 : vector<16xi32>
        %parallel_loop3A_450 = tpu.bitcast %parallel_loop3A_449 : vector<16xi32> -> vector<16xf32>
        %parallel_loop3A_451 = arith.constant -65536 : i32
        %parallel_loop3A_452 = vector.broadcast %parallel_loop3A_451 : i32 to vector<16xi32>
        %parallel_loop3A_453 = arith.andi %parallel_loop3A_446, %parallel_loop3A_452 : vector<16xi32>
        %parallel_loop3A_454 = tpu.bitcast %parallel_loop3A_453 : vector<16xi32> -> vector<16xf32>
        %parallel_loop3A_455 = arith.index_cast %parallel_loop3A_210 : i32 to index
        %parallel_loop3A_456 = arith.constant 96 : index
        %parallel_loop3A_457 = tpu.vector_load %arg10[%parallel_loop3A_455, %parallel_loop3A_456] {strides = array<i32>} : memref<64x128xf32, #tpu.memory_space<vmem>>, vector<1x16xf32>,
        %parallel_loop3A_458 = vector.shape_cast %parallel_loop3A_457 : vector<1x16xf32> to vector<16xf32>
        %parallel_loop3A_459 = arith.addf %parallel_loop3A_458, %parallel_loop3A_450 : vector<16xf32>
        %parallel_loop3A_460 = arith.constant 0.000000e+00 : f32
        %parallel_loop3A_461 = vector.broadcast %parallel_loop3A_460 : f32 to vector<16xf32>
        %parallel_loop3A_462 = arith.maximumf %parallel_loop3A_459, %parallel_loop3A_461 : vector<16xf32>
        %parallel_loop3A_463 = arith.index_cast %parallel_loop3A_210 : i32 to index
        %parallel_loop3A_464 = arith.constant 96 : index
        %parallel_loop3A_465 = tpu.vector_load %arg14[%parallel_loop3A_463, %parallel_loop3A_464] {strides = array<i32>} : memref<64x128xf32, #tpu.memory_space<vmem>>, vector<1x16xf32>,
        %parallel_loop3A_466 = vector.shape_cast %parallel_loop3A_465 : vector<1x16xf32> to vector<16xf32>
        %parallel_loop3A_467 = vector.shape_cast %parallel_loop3A_462 : vector<16xf32> to vector<1x16xf32>
        tpu.vector_store %arg14[%parallel_loop3A_463, %parallel_loop3A_464], %parallel_loop3A_467 {strides = array<i32>} : memref<64x128xf32, #tpu.memory_space<vmem>>, vector<1x16xf32>,
        %parallel_loop3A_468 = arith.index_cast %parallel_loop3A_214 : i32 to index
        %parallel_loop3A_469 = arith.constant 96 : index
        %parallel_loop3A_470 = tpu.vector_load %arg10[%parallel_loop3A_468, %parallel_loop3A_469] {strides = array<i32>} : memref<64x128xf32, #tpu.memory_space<vmem>>, vector<1x16xf32>,
        %parallel_loop3A_471 = vector.shape_cast %parallel_loop3A_470 : vector<1x16xf32> to vector<16xf32>
        %parallel_loop3A_472 = arith.addf %parallel_loop3A_471, %parallel_loop3A_454 : vector<16xf32>
        %parallel_loop3A_473 = arith.constant 0.000000e+00 : f32
        %parallel_loop3A_474 = vector.broadcast %parallel_loop3A_473 : f32 to vector<16xf32>
        %parallel_loop3A_475 = arith.maximumf %parallel_loop3A_472, %parallel_loop3A_474 : vector<16xf32>
        %parallel_loop3A_476 = arith.index_cast %parallel_loop3A_214 : i32 to index
        %parallel_loop3A_477 = arith.constant 96 : index
        %parallel_loop3A_478 = tpu.vector_load %arg14[%parallel_loop3A_476, %parallel_loop3A_477] {strides = array<i32>} : memref<64x128xf32, #tpu.memory_space<vmem>>, vector<1x16xf32>,
        %parallel_loop3A_479 = vector.shape_cast %parallel_loop3A_478 : vector<1x16xf32> to vector<16xf32>
        %parallel_loop3A_480 = vector.shape_cast %parallel_loop3A_475 : vector<16xf32> to vector<1x16xf32>
        tpu.vector_store %arg14[%parallel_loop3A_476, %parallel_loop3A_477], %parallel_loop3A_480 {strides = array<i32>} : memref<64x128xf32, #tpu.memory_space<vmem>>, vector<1x16xf32>,
        %parallel_loop3A_481 = arith.index_cast %parallel_loop3A_208 : i32 to index
        %parallel_loop3A_482 = arith.constant 112 : index
        %parallel_loop3A_483 = tpu.vector_load %arg12[%parallel_loop3A_481, %parallel_loop3A_482] {strides = array<i32>} : memref<32x128xi32, #tpu.memory_space<vmem>>, vector<1x16xi32>,
        %parallel_loop3A_484 = vector.shape_cast %parallel_loop3A_483 : vector<1x16xi32> to vector<16xi32>
        %parallel_loop3A_485 = arith.constant 16 : i32
        %parallel_loop3A_486 = vector.broadcast %parallel_loop3A_485 : i32 to vector<16xi32>
        %parallel_loop3A_487 = arith.shli %parallel_loop3A_484, %parallel_loop3A_486 : vector<16xi32>
        %parallel_loop3A_488 = tpu.bitcast %parallel_loop3A_487 : vector<16xi32> -> vector<16xf32>
        %parallel_loop3A_489 = arith.constant -65536 : i32
        %parallel_loop3A_490 = vector.broadcast %parallel_loop3A_489 : i32 to vector<16xi32>
        %parallel_loop3A_491 = arith.andi %parallel_loop3A_484, %parallel_loop3A_490 : vector<16xi32>
        %parallel_loop3A_492 = tpu.bitcast %parallel_loop3A_491 : vector<16xi32> -> vector<16xf32>
        %parallel_loop3A_493 = arith.index_cast %parallel_loop3A_210 : i32 to index
        %parallel_loop3A_494 = arith.constant 112 : index
        %parallel_loop3A_495 = tpu.vector_load %arg10[%parallel_loop3A_493, %parallel_loop3A_494] {strides = array<i32>} : memref<64x128xf32, #tpu.memory_space<vmem>>, vector<1x16xf32>,
        %parallel_loop3A_496 = vector.shape_cast %parallel_loop3A_495 : vector<1x16xf32> to vector<16xf32>
        %parallel_loop3A_497 = arith.addf %parallel_loop3A_496, %parallel_loop3A_488 : vector<16xf32>
        %parallel_loop3A_498 = arith.constant 0.000000e+00 : f32
        %parallel_loop3A_499 = vector.broadcast %parallel_loop3A_498 : f32 to vector<16xf32>
        %parallel_loop3A_500 = arith.maximumf %parallel_loop3A_497, %parallel_loop3A_499 : vector<16xf32>
        %parallel_loop3A_501 = arith.index_cast %parallel_loop3A_210 : i32 to index
        %parallel_loop3A_502 = arith.constant 112 : index
        %parallel_loop3A_503 = tpu.vector_load %arg14[%parallel_loop3A_501, %parallel_loop3A_502] {strides = array<i32>} : memref<64x128xf32, #tpu.memory_space<vmem>>, vector<1x16xf32>,
        %parallel_loop3A_504 = vector.shape_cast %parallel_loop3A_503 : vector<1x16xf32> to vector<16xf32>
        %parallel_loop3A_505 = vector.shape_cast %parallel_loop3A_500 : vector<16xf32> to vector<1x16xf32>
        tpu.vector_store %arg14[%parallel_loop3A_501, %parallel_loop3A_502], %parallel_loop3A_505 {strides = array<i32>} : memref<64x128xf32, #tpu.memory_space<vmem>>, vector<1x16xf32>,
        %parallel_loop3A_506 = arith.index_cast %parallel_loop3A_214 : i32 to index
        %parallel_loop3A_507 = arith.constant 112 : index
        %parallel_loop3A_508 = tpu.vector_load %arg10[%parallel_loop3A_506, %parallel_loop3A_507] {strides = array<i32>} : memref<64x128xf32, #tpu.memory_space<vmem>>, vector<1x16xf32>,
        %parallel_loop3A_509 = vector.shape_cast %parallel_loop3A_508 : vector<1x16xf32> to vector<16xf32>
        %parallel_loop3A_510 = arith.addf %parallel_loop3A_509, %parallel_loop3A_492 : vector<16xf32>
        %parallel_loop3A_511 = arith.constant 0.000000e+00 : f32
        %parallel_loop3A_512 = vector.broadcast %parallel_loop3A_511 : f32 to vector<16xf32>
        %parallel_loop3A_513 = arith.maximumf %parallel_loop3A_510, %parallel_loop3A_512 : vector<16xf32>
        %parallel_loop3A_514 = arith.index_cast %parallel_loop3A_214 : i32 to index
        %parallel_loop3A_515 = arith.constant 112 : index
        %parallel_loop3A_516 = tpu.vector_load %arg14[%parallel_loop3A_514, %parallel_loop3A_515] {strides = array<i32>} : memref<64x128xf32, #tpu.memory_space<vmem>>, vector<1x16xf32>,
        %parallel_loop3A_517 = vector.shape_cast %parallel_loop3A_516 : vector<1x16xf32> to vector<16xf32>
        %parallel_loop3A_518 = vector.shape_cast %parallel_loop3A_513 : vector<16xf32> to vector<1x16xf32>
        tpu.vector_store %arg14[%parallel_loop3A_514, %parallel_loop3A_515], %parallel_loop3A_518 {strides = array<i32>} : memref<64x128xf32, #tpu.memory_space<vmem>>, vector<1x16xf32>,
      } {sc.loop_unroll_factor = 2 : i64, sc.parallel_access}
      %get3A_170 = arith.constant 64 : index
      %get3A_171 = tpu.vector_load %arg8[%get3A_170] {strides = array<i32>} : memref<128xi32, #tpu.memory_space<vmem>>, vector<16xi32>,
      %get3A_172 = vector.shape_cast %get3A_171 : vector<16xi32> to vector<16xi32>
      %swap3A_173 = arith.constant 0 : index
      %swap3A_174 = tpu.vector_load %arg16[%swap3A_173] {strides = array<i32>} : memref<64xi32, #tpu.memory_space<vmem>>, vector<16xi32>,
      %swap3A_175 = vector.shape_cast %swap3A_174 : vector<16xi32> to vector<16xi32>
      %swap3A_176 = vector.shape_cast %get3A_172 : vector<16xi32> to vector<16xi32>
      tpu.vector_store %arg16[%swap3A_173], %swap3A_176 {strides = array<i32>} : memref<64xi32, #tpu.memory_space<vmem>>, vector<16xi32>,
      %get3A_177 = arith.constant 80 : index
      %get3A_178 = tpu.vector_load %arg8[%get3A_177] {strides = array<i32>} : memref<128xi32, #tpu.memory_space<vmem>>, vector<16xi32>,
      %get3A_179 = vector.shape_cast %get3A_178 : vector<16xi32> to vector<16xi32>
      %swap3A_180 = arith.constant 16 : index
      %swap3A_181 = tpu.vector_load %arg16[%swap3A_180] {strides = array<i32>} : memref<64xi32, #tpu.memory_space<vmem>>, vector<16xi32>,
      %swap3A_182 = vector.shape_cast %swap3A_181 : vector<16xi32> to vector<16xi32>
      %swap3A_183 = vector.shape_cast %get3A_179 : vector<16xi32> to vector<16xi32>
      tpu.vector_store %arg16[%swap3A_180], %swap3A_183 {strides = array<i32>} : memref<64xi32, #tpu.memory_space<vmem>>, vector<16xi32>,
      %get3A_184 = arith.constant 96 : index
      %get3A_185 = tpu.vector_load %arg8[%get3A_184] {strides = array<i32>} : memref<128xi32, #tpu.memory_space<vmem>>, vector<16xi32>,
      %get3A_186 = vector.shape_cast %get3A_185 : vector<16xi32> to vector<16xi32>
      %swap3A_187 = arith.constant 32 : index
      %swap3A_188 = tpu.vector_load %arg16[%swap3A_187] {strides = array<i32>} : memref<64xi32, #tpu.memory_space<vmem>>, vector<16xi32>,
      %swap3A_189 = vector.shape_cast %swap3A_188 : vector<16xi32> to vector<16xi32>
      %swap3A_190 = vector.shape_cast %get3A_186 : vector<16xi32> to vector<16xi32>
      tpu.vector_store %arg16[%swap3A_187], %swap3A_190 {strides = array<i32>} : memref<64xi32, #tpu.memory_space<vmem>>, vector<16xi32>,
      %get3A_191 = arith.constant 112 : index
      %get3A_192 = tpu.vector_load %arg8[%get3A_191] {strides = array<i32>} : memref<128xi32, #tpu.memory_space<vmem>>, vector<16xi32>,
      %get3A_193 = vector.shape_cast %get3A_192 : vector<16xi32> to vector<16xi32>
      %swap3A_194 = arith.constant 48 : index
      %swap3A_195 = tpu.vector_load %arg16[%swap3A_194] {strides = array<i32>} : memref<64xi32, #tpu.memory_space<vmem>>, vector<16xi32>,
      %swap3A_196 = vector.shape_cast %swap3A_195 : vector<16xi32> to vector<16xi32>
      %swap3A_197 = vector.shape_cast %get3A_193 : vector<16xi32> to vector<16xi32>
      tpu.vector_store %arg16[%swap3A_194], %swap3A_197 {strides = array<i32>} : memref<64xi32, #tpu.memory_space<vmem>>, vector<16xi32>,
      %dma_start3A_198 = arith.constant 0 : i32
      %dma_start3A_199 = arith.constant 0 : i32
      %dma_start3A_200 = tpu.memref_slice %arg17[%dma_start3A_198, %dma_start3A_199] : memref<10112x128xf32, #tpu.memory_space<vmem_shared>> -> memref<10112x128xf32, #tpu.memory_space<vmem_shared>>
      tpu.enqueue_indirect_dma source(%arg14 : memref<64x128xf32, #tpu.memory_space<vmem>>) target(%dma_start3A_200 : memref<10112x128xf32, #tpu.memory_space<vmem_shared>>) offsets(%arg16 : memref<64xi32, #tpu.memory_space<vmem>>) semaphore(%arg25 : memref<!tpu.dma_semaphore, #tpu.memory_space<semaphore_mem>>) {add = true}
      %add3A_201 = arith.constant 2 : i32
      %add3A_202 = arith.addi %add3A_144, %add3A_201 : i32
      %lt3A_203 = arith.cmpi slt, %add3A_202, %sub3A_1 : i32
      %convert_element_type3A_204 = arith.extui %lt3A_203 : i1 to i32
      %cond3A_205 = arith.constant 0 : i32
      %cond3A_206 = arith.cmpi ne, %convert_element_type3A_204, %cond3A_205 : i32
      scf.if %cond3A_206 {
        %add3A_208 = arith.constant 2 : i32
        %add3A_209 = arith.addi %add3A_144, %add3A_208 : i32
        %add3A_210 = arith.addi %add3A, %add3A_209 : i32
        %dma_start3A_211 = arith.constant 0 : i32
        %dma_start3A_212 = tpu.memref_slice %arg4[%add3A_210, %dma_start3A_211] : memref<5056x128xi32, #tpu.memory_space<hbm>> -> memref<1x128xi32, #tpu.memory_space<hbm>>
        %dma_start3A_213 = tpu.memref_squeeze %dma_start3A_212 : memref<1x128xi32, #tpu.memory_space<hbm>> -> memref<128xi32, #tpu.memory_space<hbm>>
        %dma_start3A_214 = arith.constant 0 : i32
        %dma_start3A_215 = tpu.memref_slice %arg4[%add3A_210, %dma_start3A_214] : memref<5056x128xi32, #tpu.memory_space<hbm>> -> memref<1x128xi32, #tpu.memory_space<hbm>>
        %dma_start3A_216 = tpu.memref_squeeze %dma_start3A_215 : memref<1x128xi32, #tpu.memory_space<hbm>> -> memref<128xi32, #tpu.memory_space<hbm>>
        tpu.enqueue_dma source(%dma_start3A_216 : memref<128xi32, #tpu.memory_space<hbm>>) target(%arg8 : memref<128xi32, #tpu.memory_space<vmem>>) target_semaphore(%arg19 : memref<!tpu.dma_semaphore, #tpu.memory_space<semaphore_mem>>)
      } else {
      }
      %while3A_207 = arith.constant 0 : i32
      scf.yield %while3A_207 : i32
    }
    %while3A_69 = arith.constant 1 : i32
    %while3A_70 = scf.for %while3A_82 = %while3A_66 to %while3A_62 step %while3A_69 iter_args(%while3A_83 = %while3A_68) -> (i32)  : i32 {
      %mul3A_84 = arith.constant 2 : i32
      %mul3A_85 = arith.muli %mul3A_84, %while3A_82 : i32
      %dma_wait3A_86 = arith.constant 0 : i32
      %dma_wait3A_87 = tpu.memref_slice %arg7[%dma_wait3A_86] : memref<128xi32, #tpu.memory_space<vmem>> -> memref<64xi32, #tpu.memory_space<vmem>>
      %dma_wait3A_88 = arith.constant 0 : i32
      %dma_wait3A_89 = arith.constant 0 : i32
      %dma_wait3A_90 = tpu.memref_slice %arg2[%dma_wait3A_88, %dma_wait3A_89] : memref<10000x128xf32, #tpu.memory_space<hbm>> -> memref<10000x128xf32, #tpu.memory_space<hbm>>
      tpu.wait_indirect_dma semaphore(%arg20 : memref<!tpu.dma_semaphore, #tpu.memory_space<semaphore_mem>>) src(%dma_wait3A_90 : memref<10000x128xf32, #tpu.memory_space<hbm>>) dst(%arg9 : memref<64x128xf32, #tpu.memory_space<vmem>>)
      %add3A_91 = arith.constant 1 : i32
      %add3A_92 = arith.addi %mul3A_85, %add3A_91 : i32
      %lt3A = arith.cmpi slt, %add3A_92, %sub3A_1 : i32
      %convert_element_type3A = arith.extui %lt3A : i1 to i32
      %cond3A = arith.constant 0 : i32
      %cond3A_93 = arith.cmpi ne, %convert_element_type3A, %cond3A : i32
      scf.if %cond3A_93 {
        %dma_wait3A_208 = arith.constant 0 : i32
        %dma_wait3A_209 = arith.constant 0 : i32
        %dma_wait3A_210 = tpu.memref_slice %arg4[%dma_wait3A_208, %dma_wait3A_209] : memref<5056x128xi32, #tpu.memory_space<hbm>> -> memref<1x128xi32, #tpu.memory_space<hbm>>
        %dma_wait3A_211 = tpu.memref_squeeze %dma_wait3A_210 : memref<1x128xi32, #tpu.memory_space<hbm>> -> memref<128xi32, #tpu.memory_space<hbm>>
        %dma_wait3A_212 = arith.constant 0 : i32
        %dma_wait3A_213 = tpu.memref_slice %arg4[%dma_wait3A_208, %dma_wait3A_212] : memref<5056x128xi32, #tpu.memory_space<hbm>> -> memref<1x128xi32, #tpu.memory_space<hbm>>
        %dma_wait3A_214 = tpu.memref_squeeze %dma_wait3A_213 : memref<1x128xi32, #tpu.memory_space<hbm>> -> memref<128xi32, #tpu.memory_space<hbm>>
        tpu.wait_dma2 semaphore(%arg19 : memref<!tpu.dma_semaphore, #tpu.memory_space<semaphore_mem>>) src(%dma_wait3A_214 : memref<128xi32, #tpu.memory_space<hbm>>) dst(%arg8 : memref<128xi32, #tpu.memory_space<vmem>>)
        %dma_start3A_215 = arith.constant 0 : i32
        %dma_start3A_216 = tpu.memref_slice %arg8[%dma_start3A_215] : memref<128xi32, #tpu.memory_space<vmem>> -> memref<64xi32, #tpu.memory_space<vmem>>
        %dma_start3A_217 = arith.constant 0 : i32
        %dma_start3A_218 = arith.constant 0 : i32
        %dma_start3A_219 = tpu.memref_slice %arg2[%dma_start3A_217, %dma_start3A_218] : memref<10000x128xf32, #tpu.memory_space<hbm>> -> memref<10000x128xf32, #tpu.memory_space<hbm>>
        tpu.enqueue_indirect_dma source(%dma_start3A_219 : memref<10000x128xf32, #tpu.memory_space<hbm>>) target(%arg10 : memref<64x128xf32, #tpu.memory_space<vmem>>) offsets(%dma_start3A_216 : memref<64xi32, #tpu.memory_space<vmem>>) semaphore(%arg21 : memref<!tpu.dma_semaphore, #tpu.memory_space<semaphore_mem>>)
        %add3A_220 = arith.constant 1 : i32
        %add3A_221 = arith.addi %mul3A_85, %add3A_220 : i32
        %add3A_222 = arith.addi %add3A, %add3A_221 : i32
        %mul3A_223 = arith.constant 32 : i32
        %mul3A_224 = arith.muli %add3A_222, %mul3A_223 : i32
        %dma_start3A_225 = arith.constant 0 : i32
        %dma_start3A_226 = tpu.memref_slice %arg3[%mul3A_224, %dma_start3A_225] : memref<161792x128xi32, #tpu.memory_space<hbm>> -> memref<32x128xi32, #tpu.memory_space<hbm>>
        %dma_start3A_227 = arith.constant 0 : i32
        %dma_start3A_228 = tpu.memref_slice %arg3[%mul3A_224, %dma_start3A_227] : memref<161792x128xi32, #tpu.memory_space<hbm>> -> memref<32x128xi32, #tpu.memory_space<hbm>>
        tpu.enqueue_dma source(%dma_start3A_228 : memref<32x128xi32, #tpu.memory_space<hbm>>) target(%arg12 : memref<32x128xi32, #tpu.memory_space<vmem>>) target_semaphore(%arg23 : memref<!tpu.dma_semaphore, #tpu.memory_space<semaphore_mem>>)
      } else {
      }
      %dma_wait3A_94 = arith.constant 0 : i32
      %dma_wait3A_95 = arith.constant 0 : i32
      %dma_wait3A_96 = tpu.memref_slice %arg3[%dma_wait3A_94, %dma_wait3A_95] : memref<161792x128xi32, #tpu.memory_space<hbm>> -> memref<32x128xi32, #tpu.memory_space<hbm>>
      %dma_wait3A_97 = arith.constant 0 : i32
      %dma_wait3A_98 = arith.constant 0 : i32
      %dma_wait3A_99 = tpu.memref_slice %arg3[%dma_wait3A_97, %dma_wait3A_98] : memref<161792x128xi32, #tpu.memory_space<hbm>> -> memref<32x128xi32, #tpu.memory_space<hbm>>
      tpu.wait_dma2 semaphore(%arg22 : memref<!tpu.dma_semaphore, #tpu.memory_space<semaphore_mem>>) src(%dma_wait3A_99 : memref<32x128xi32, #tpu.memory_space<hbm>>) dst(%arg11 : memref<32x128xi32, #tpu.memory_space<vmem>>)
      %ge3A = arith.constant 2 : i32
      %ge3A_100 = arith.cmpi sge, %mul3A_85, %ge3A : i32
      %convert_element_type3A_101 = arith.extui %ge3A_100 : i1 to i32
      %cond3A_102 = arith.constant 0 : i32
      %cond3A_103 = arith.cmpi ne, %convert_element_type3A_101, %cond3A_102 : i32
      scf.if %cond3A_103 {
        %dma_wait3A_208 = arith.constant 0 : i32
        %dma_wait3A_209 = arith.constant 0 : i32
        %dma_wait3A_210 = tpu.memref_slice %arg17[%dma_wait3A_208, %dma_wait3A_209] : memref<10112x128xf32, #tpu.memory_space<vmem_shared>> -> memref<10112x128xf32, #tpu.memory_space<vmem_shared>>
        tpu.wait_indirect_dma semaphore(%arg24 : memref<!tpu.dma_semaphore, #tpu.memory_space<semaphore_mem>>) src(%arg13 : memref<64x128xf32, #tpu.memory_space<vmem>>) dst(%dma_wait3A_210 : memref<10112x128xf32, #tpu.memory_space<vmem_shared>>)
      } else {
      }
      %parallel_loop3A = arith.constant 0 : i32
      %parallel_loop3A_104 = arith.constant 32 : i32
      %parallel_loop3A_105 = arith.constant 1 : i32
      scf.for %parallel_loop3A_208 = %parallel_loop3A to %parallel_loop3A_104 step %parallel_loop3A_105  : i32 {
        %parallel_loop3A_209 = arith.constant 2 : i32
        %parallel_loop3A_210 = arith.muli %parallel_loop3A_209, %parallel_loop3A_208 : i32
        %parallel_loop3A_211 = arith.constant 2 : i32
        %parallel_loop3A_212 = arith.muli %parallel_loop3A_211, %parallel_loop3A_208 : i32
        %parallel_loop3A_213 = arith.constant 1 : i32
        %parallel_loop3A_214 = arith.addi %parallel_loop3A_212, %parallel_loop3A_213 : i32
        %parallel_loop3A_215 = arith.index_cast %parallel_loop3A_208 : i32 to index
        %parallel_loop3A_216 = arith.constant 0 : index
        %parallel_loop3A_217 = tpu.vector_load %arg11[%parallel_loop3A_215, %parallel_loop3A_216] {strides = array<i32>} : memref<32x128xi32, #tpu.memory_space<vmem>>, vector<1x16xi32>,
        %parallel_loop3A_218 = vector.shape_cast %parallel_loop3A_217 : vector<1x16xi32> to vector<16xi32>
        %parallel_loop3A_219 = arith.constant 16 : i32
        %parallel_loop3A_220 = vector.broadcast %parallel_loop3A_219 : i32 to vector<16xi32>
        %parallel_loop3A_221 = arith.shli %parallel_loop3A_218, %parallel_loop3A_220 : vector<16xi32>
        %parallel_loop3A_222 = tpu.bitcast %parallel_loop3A_221 : vector<16xi32> -> vector<16xf32>
        %parallel_loop3A_223 = arith.constant -65536 : i32
        %parallel_loop3A_224 = vector.broadcast %parallel_loop3A_223 : i32 to vector<16xi32>
        %parallel_loop3A_225 = arith.andi %parallel_loop3A_218, %parallel_loop3A_224 : vector<16xi32>
        %parallel_loop3A_226 = tpu.bitcast %parallel_loop3A_225 : vector<16xi32> -> vector<16xf32>
        %parallel_loop3A_227 = arith.index_cast %parallel_loop3A_210 : i32 to index
        %parallel_loop3A_228 = arith.constant 0 : index
        %parallel_loop3A_229 = tpu.vector_load %arg9[%parallel_loop3A_227, %parallel_loop3A_228] {strides = array<i32>} : memref<64x128xf32, #tpu.memory_space<vmem>>, vector<1x16xf32>,
        %parallel_loop3A_230 = vector.shape_cast %parallel_loop3A_229 : vector<1x16xf32> to vector<16xf32>
        %parallel_loop3A_231 = arith.addf %parallel_loop3A_230, %parallel_loop3A_222 : vector<16xf32>
        %parallel_loop3A_232 = arith.constant 0.000000e+00 : f32
        %parallel_loop3A_233 = vector.broadcast %parallel_loop3A_232 : f32 to vector<16xf32>
        %parallel_loop3A_234 = arith.maximumf %parallel_loop3A_231, %parallel_loop3A_233 : vector<16xf32>
        %parallel_loop3A_235 = arith.index_cast %parallel_loop3A_210 : i32 to index
        %parallel_loop3A_236 = arith.constant 0 : index
        %parallel_loop3A_237 = tpu.vector_load %arg13[%parallel_loop3A_235, %parallel_loop3A_236] {strides = array<i32>} : memref<64x128xf32, #tpu.memory_space<vmem>>, vector<1x16xf32>,
        %parallel_loop3A_238 = vector.shape_cast %parallel_loop3A_237 : vector<1x16xf32> to vector<16xf32>
        %parallel_loop3A_239 = vector.shape_cast %parallel_loop3A_234 : vector<16xf32> to vector<1x16xf32>
        tpu.vector_store %arg13[%parallel_loop3A_235, %parallel_loop3A_236], %parallel_loop3A_239 {strides = array<i32>} : memref<64x128xf32, #tpu.memory_space<vmem>>, vector<1x16xf32>,
        %parallel_loop3A_240 = arith.index_cast %parallel_loop3A_214 : i32 to index
        %parallel_loop3A_241 = arith.constant 0 : index
        %parallel_loop3A_242 = tpu.vector_load %arg9[%parallel_loop3A_240, %parallel_loop3A_241] {strides = array<i32>} : memref<64x128xf32, #tpu.memory_space<vmem>>, vector<1x16xf32>,
        %parallel_loop3A_243 = vector.shape_cast %parallel_loop3A_242 : vector<1x16xf32> to vector<16xf32>
        %parallel_loop3A_244 = arith.addf %parallel_loop3A_243, %parallel_loop3A_226 : vector<16xf32>
        %parallel_loop3A_245 = arith.constant 0.000000e+00 : f32
        %parallel_loop3A_246 = vector.broadcast %parallel_loop3A_245 : f32 to vector<16xf32>
        %parallel_loop3A_247 = arith.maximumf %parallel_loop3A_244, %parallel_loop3A_246 : vector<16xf32>
        %parallel_loop3A_248 = arith.index_cast %parallel_loop3A_214 : i32 to index
        %parallel_loop3A_249 = arith.constant 0 : index
        %parallel_loop3A_250 = tpu.vector_load %arg13[%parallel_loop3A_248, %parallel_loop3A_249] {strides = array<i32>} : memref<64x128xf32, #tpu.memory_space<vmem>>, vector<1x16xf32>,
        %parallel_loop3A_251 = vector.shape_cast %parallel_loop3A_250 : vector<1x16xf32> to vector<16xf32>
        %parallel_loop3A_252 = vector.shape_cast %parallel_loop3A_247 : vector<16xf32> to vector<1x16xf32>
        tpu.vector_store %arg13[%parallel_loop3A_248, %parallel_loop3A_249], %parallel_loop3A_252 {strides = array<i32>} : memref<64x128xf32, #tpu.memory_space<vmem>>, vector<1x16xf32>,
        %parallel_loop3A_253 = arith.index_cast %parallel_loop3A_208 : i32 to index
        %parallel_loop3A_254 = arith.constant 16 : index
        %parallel_loop3A_255 = tpu.vector_load %arg11[%parallel_loop3A_253, %parallel_loop3A_254] {strides = array<i32>} : memref<32x128xi32, #tpu.memory_space<vmem>>, vector<1x16xi32>,
        %parallel_loop3A_256 = vector.shape_cast %parallel_loop3A_255 : vector<1x16xi32> to vector<16xi32>
        %parallel_loop3A_257 = arith.constant 16 : i32
        %parallel_loop3A_258 = vector.broadcast %parallel_loop3A_257 : i32 to vector<16xi32>
        %parallel_loop3A_259 = arith.shli %parallel_loop3A_256, %parallel_loop3A_258 : vector<16xi32>
        %parallel_loop3A_260 = tpu.bitcast %parallel_loop3A_259 : vector<16xi32> -> vector<16xf32>
        %parallel_loop3A_261 = arith.constant -65536 : i32
        %parallel_loop3A_262 = vector.broadcast %parallel_loop3A_261 : i32 to vector<16xi32>
        %parallel_loop3A_263 = arith.andi %parallel_loop3A_256, %parallel_loop3A_262 : vector<16xi32>
        %parallel_loop3A_264 = tpu.bitcast %parallel_loop3A_263 : vector<16xi32> -> vector<16xf32>
        %parallel_loop3A_265 = arith.index_cast %parallel_loop3A_210 : i32 to index
        %parallel_loop3A_266 = arith.constant 16 : index
        %parallel_loop3A_267 = tpu.vector_load %arg9[%parallel_loop3A_265, %parallel_loop3A_266] {strides = array<i32>} : memref<64x128xf32, #tpu.memory_space<vmem>>, vector<1x16xf32>,
        %parallel_loop3A_268 = vector.shape_cast %parallel_loop3A_267 : vector<1x16xf32> to vector<16xf32>
        %parallel_loop3A_269 = arith.addf %parallel_loop3A_268, %parallel_loop3A_260 : vector<16xf32>
        %parallel_loop3A_270 = arith.constant 0.000000e+00 : f32
        %parallel_loop3A_271 = vector.broadcast %parallel_loop3A_270 : f32 to vector<16xf32>
        %parallel_loop3A_272 = arith.maximumf %parallel_loop3A_269, %parallel_loop3A_271 : vector<16xf32>
        %parallel_loop3A_273 = arith.index_cast %parallel_loop3A_210 : i32 to index
        %parallel_loop3A_274 = arith.constant 16 : index
        %parallel_loop3A_275 = tpu.vector_load %arg13[%parallel_loop3A_273, %parallel_loop3A_274] {strides = array<i32>} : memref<64x128xf32, #tpu.memory_space<vmem>>, vector<1x16xf32>,
        %parallel_loop3A_276 = vector.shape_cast %parallel_loop3A_275 : vector<1x16xf32> to vector<16xf32>
        %parallel_loop3A_277 = vector.shape_cast %parallel_loop3A_272 : vector<16xf32> to vector<1x16xf32>
        tpu.vector_store %arg13[%parallel_loop3A_273, %parallel_loop3A_274], %parallel_loop3A_277 {strides = array<i32>} : memref<64x128xf32, #tpu.memory_space<vmem>>, vector<1x16xf32>,
        %parallel_loop3A_278 = arith.index_cast %parallel_loop3A_214 : i32 to index
        %parallel_loop3A_279 = arith.constant 16 : index
        %parallel_loop3A_280 = tpu.vector_load %arg9[%parallel_loop3A_278, %parallel_loop3A_279] {strides = array<i32>} : memref<64x128xf32, #tpu.memory_space<vmem>>, vector<1x16xf32>,
        %parallel_loop3A_281 = vector.shape_cast %parallel_loop3A_280 : vector<1x16xf32> to vector<16xf32>
        %parallel_loop3A_282 = arith.addf %parallel_loop3A_281, %parallel_loop3A_264 : vector<16xf32>
        %parallel_loop3A_283 = arith.constant 0.000000e+00 : f32
        %parallel_loop3A_284 = vector.broadcast %parallel_loop3A_283 : f32 to vector<16xf32>
        %parallel_loop3A_285 = arith.maximumf %parallel_loop3A_282, %parallel_loop3A_284 : vector<16xf32>
        %parallel_loop3A_286 = arith.index_cast %parallel_loop3A_214 : i32 to index
        %parallel_loop3A_287 = arith.constant 16 : index
        %parallel_loop3A_288 = tpu.vector_load %arg13[%parallel_loop3A_286, %parallel_loop3A_287] {strides = array<i32>} : memref<64x128xf32, #tpu.memory_space<vmem>>, vector<1x16xf32>,
        %parallel_loop3A_289 = vector.shape_cast %parallel_loop3A_288 : vector<1x16xf32> to vector<16xf32>
        %parallel_loop3A_290 = vector.shape_cast %parallel_loop3A_285 : vector<16xf32> to vector<1x16xf32>
        tpu.vector_store %arg13[%parallel_loop3A_286, %parallel_loop3A_287], %parallel_loop3A_290 {strides = array<i32>} : memref<64x128xf32, #tpu.memory_space<vmem>>, vector<1x16xf32>,
        %parallel_loop3A_291 = arith.index_cast %parallel_loop3A_208 : i32 to index
        %parallel_loop3A_292 = arith.constant 32 : index
        %parallel_loop3A_293 = tpu.vector_load %arg11[%parallel_loop3A_291, %parallel_loop3A_292] {strides = array<i32>} : memref<32x128xi32, #tpu.memory_space<vmem>>, vector<1x16xi32>,
        %parallel_loop3A_294 = vector.shape_cast %parallel_loop3A_293 : vector<1x16xi32> to vector<16xi32>
        %parallel_loop3A_295 = arith.constant 16 : i32
        %parallel_loop3A_296 = vector.broadcast %parallel_loop3A_295 : i32 to vector<16xi32>
        %parallel_loop3A_297 = arith.shli %parallel_loop3A_294, %parallel_loop3A_296 : vector<16xi32>
        %parallel_loop3A_298 = tpu.bitcast %parallel_loop3A_297 : vector<16xi32> -> vector<16xf32>
        %parallel_loop3A_299 = arith.constant -65536 : i32
        %parallel_loop3A_300 = vector.broadcast %parallel_loop3A_299 : i32 to vector<16xi32>
        %parallel_loop3A_301 = arith.andi %parallel_loop3A_294, %parallel_loop3A_300 : vector<16xi32>
        %parallel_loop3A_302 = tpu.bitcast %parallel_loop3A_301 : vector<16xi32> -> vector<16xf32>
        %parallel_loop3A_303 = arith.index_cast %parallel_loop3A_210 : i32 to index
        %parallel_loop3A_304 = arith.constant 32 : index
        %parallel_loop3A_305 = tpu.vector_load %arg9[%parallel_loop3A_303, %parallel_loop3A_304] {strides = array<i32>} : memref<64x128xf32, #tpu.memory_space<vmem>>, vector<1x16xf32>,
        %parallel_loop3A_306 = vector.shape_cast %parallel_loop3A_305 : vector<1x16xf32> to vector<16xf32>
        %parallel_loop3A_307 = arith.addf %parallel_loop3A_306, %parallel_loop3A_298 : vector<16xf32>
        %parallel_loop3A_308 = arith.constant 0.000000e+00 : f32
        %parallel_loop3A_309 = vector.broadcast %parallel_loop3A_308 : f32 to vector<16xf32>
        %parallel_loop3A_310 = arith.maximumf %parallel_loop3A_307, %parallel_loop3A_309 : vector<16xf32>
        %parallel_loop3A_311 = arith.index_cast %parallel_loop3A_210 : i32 to index
        %parallel_loop3A_312 = arith.constant 32 : index
        %parallel_loop3A_313 = tpu.vector_load %arg13[%parallel_loop3A_311, %parallel_loop3A_312] {strides = array<i32>} : memref<64x128xf32, #tpu.memory_space<vmem>>, vector<1x16xf32>,
        %parallel_loop3A_314 = vector.shape_cast %parallel_loop3A_313 : vector<1x16xf32> to vector<16xf32>
        %parallel_loop3A_315 = vector.shape_cast %parallel_loop3A_310 : vector<16xf32> to vector<1x16xf32>
        tpu.vector_store %arg13[%parallel_loop3A_311, %parallel_loop3A_312], %parallel_loop3A_315 {strides = array<i32>} : memref<64x128xf32, #tpu.memory_space<vmem>>, vector<1x16xf32>,
        %parallel_loop3A_316 = arith.index_cast %parallel_loop3A_214 : i32 to index
        %parallel_loop3A_317 = arith.constant 32 : index
        %parallel_loop3A_318 = tpu.vector_load %arg9[%parallel_loop3A_316, %parallel_loop3A_317] {strides = array<i32>} : memref<64x128xf32, #tpu.memory_space<vmem>>, vector<1x16xf32>,
        %parallel_loop3A_319 = vector.shape_cast %parallel_loop3A_318 : vector<1x16xf32> to vector<16xf32>
        %parallel_loop3A_320 = arith.addf %parallel_loop3A_319, %parallel_loop3A_302 : vector<16xf32>
        %parallel_loop3A_321 = arith.constant 0.000000e+00 : f32
        %parallel_loop3A_322 = vector.broadcast %parallel_loop3A_321 : f32 to vector<16xf32>
        %parallel_loop3A_323 = arith.maximumf %parallel_loop3A_320, %parallel_loop3A_322 : vector<16xf32>
        %parallel_loop3A_324 = arith.index_cast %parallel_loop3A_214 : i32 to index
        %parallel_loop3A_325 = arith.constant 32 : index
        %parallel_loop3A_326 = tpu.vector_load %arg13[%parallel_loop3A_324, %parallel_loop3A_325] {strides = array<i32>} : memref<64x128xf32, #tpu.memory_space<vmem>>, vector<1x16xf32>,
        %parallel_loop3A_327 = vector.shape_cast %parallel_loop3A_326 : vector<1x16xf32> to vector<16xf32>
        %parallel_loop3A_328 = vector.shape_cast %parallel_loop3A_323 : vector<16xf32> to vector<1x16xf32>
        tpu.vector_store %arg13[%parallel_loop3A_324, %parallel_loop3A_325], %parallel_loop3A_328 {strides = array<i32>} : memref<64x128xf32, #tpu.memory_space<vmem>>, vector<1x16xf32>,
        %parallel_loop3A_329 = arith.index_cast %parallel_loop3A_208 : i32 to index
        %parallel_loop3A_330 = arith.constant 48 : index
        %parallel_loop3A_331 = tpu.vector_load %arg11[%parallel_loop3A_329, %parallel_loop3A_330] {strides = array<i32>} : memref<32x128xi32, #tpu.memory_space<vmem>>, vector<1x16xi32>,
        %parallel_loop3A_332 = vector.shape_cast %parallel_loop3A_331 : vector<1x16xi32> to vector<16xi32>
        %parallel_loop3A_333 = arith.constant 16 : i32
        %parallel_loop3A_334 = vector.broadcast %parallel_loop3A_333 : i32 to vector<16xi32>
        %parallel_loop3A_335 = arith.shli %parallel_loop3A_332, %parallel_loop3A_334 : vector<16xi32>
        %parallel_loop3A_336 = tpu.bitcast %parallel_loop3A_335 : vector<16xi32> -> vector<16xf32>
        %parallel_loop3A_337 = arith.constant -65536 : i32
        %parallel_loop3A_338 = vector.broadcast %parallel_loop3A_337 : i32 to vector<16xi32>
        %parallel_loop3A_339 = arith.andi %parallel_loop3A_332, %parallel_loop3A_338 : vector<16xi32>
        %parallel_loop3A_340 = tpu.bitcast %parallel_loop3A_339 : vector<16xi32> -> vector<16xf32>
        %parallel_loop3A_341 = arith.index_cast %parallel_loop3A_210 : i32 to index
        %parallel_loop3A_342 = arith.constant 48 : index
        %parallel_loop3A_343 = tpu.vector_load %arg9[%parallel_loop3A_341, %parallel_loop3A_342] {strides = array<i32>} : memref<64x128xf32, #tpu.memory_space<vmem>>, vector<1x16xf32>,
        %parallel_loop3A_344 = vector.shape_cast %parallel_loop3A_343 : vector<1x16xf32> to vector<16xf32>
        %parallel_loop3A_345 = arith.addf %parallel_loop3A_344, %parallel_loop3A_336 : vector<16xf32>
        %parallel_loop3A_346 = arith.constant 0.000000e+00 : f32
        %parallel_loop3A_347 = vector.broadcast %parallel_loop3A_346 : f32 to vector<16xf32>
        %parallel_loop3A_348 = arith.maximumf %parallel_loop3A_345, %parallel_loop3A_347 : vector<16xf32>
        %parallel_loop3A_349 = arith.index_cast %parallel_loop3A_210 : i32 to index
        %parallel_loop3A_350 = arith.constant 48 : index
        %parallel_loop3A_351 = tpu.vector_load %arg13[%parallel_loop3A_349, %parallel_loop3A_350] {strides = array<i32>} : memref<64x128xf32, #tpu.memory_space<vmem>>, vector<1x16xf32>,
        %parallel_loop3A_352 = vector.shape_cast %parallel_loop3A_351 : vector<1x16xf32> to vector<16xf32>
        %parallel_loop3A_353 = vector.shape_cast %parallel_loop3A_348 : vector<16xf32> to vector<1x16xf32>
        tpu.vector_store %arg13[%parallel_loop3A_349, %parallel_loop3A_350], %parallel_loop3A_353 {strides = array<i32>} : memref<64x128xf32, #tpu.memory_space<vmem>>, vector<1x16xf32>,
        %parallel_loop3A_354 = arith.index_cast %parallel_loop3A_214 : i32 to index
        %parallel_loop3A_355 = arith.constant 48 : index
        %parallel_loop3A_356 = tpu.vector_load %arg9[%parallel_loop3A_354, %parallel_loop3A_355] {strides = array<i32>} : memref<64x128xf32, #tpu.memory_space<vmem>>, vector<1x16xf32>,
        %parallel_loop3A_357 = vector.shape_cast %parallel_loop3A_356 : vector<1x16xf32> to vector<16xf32>
        %parallel_loop3A_358 = arith.addf %parallel_loop3A_357, %parallel_loop3A_340 : vector<16xf32>
        %parallel_loop3A_359 = arith.constant 0.000000e+00 : f32
        %parallel_loop3A_360 = vector.broadcast %parallel_loop3A_359 : f32 to vector<16xf32>
        %parallel_loop3A_361 = arith.maximumf %parallel_loop3A_358, %parallel_loop3A_360 : vector<16xf32>
        %parallel_loop3A_362 = arith.index_cast %parallel_loop3A_214 : i32 to index
        %parallel_loop3A_363 = arith.constant 48 : index
        %parallel_loop3A_364 = tpu.vector_load %arg13[%parallel_loop3A_362, %parallel_loop3A_363] {strides = array<i32>} : memref<64x128xf32, #tpu.memory_space<vmem>>, vector<1x16xf32>,
        %parallel_loop3A_365 = vector.shape_cast %parallel_loop3A_364 : vector<1x16xf32> to vector<16xf32>
        %parallel_loop3A_366 = vector.shape_cast %parallel_loop3A_361 : vector<16xf32> to vector<1x16xf32>
        tpu.vector_store %arg13[%parallel_loop3A_362, %parallel_loop3A_363], %parallel_loop3A_366 {strides = array<i32>} : memref<64x128xf32, #tpu.memory_space<vmem>>, vector<1x16xf32>,
        %parallel_loop3A_367 = arith.index_cast %parallel_loop3A_208 : i32 to index
        %parallel_loop3A_368 = arith.constant 64 : index
        %parallel_loop3A_369 = tpu.vector_load %arg11[%parallel_loop3A_367, %parallel_loop3A_368] {strides = array<i32>} : memref<32x128xi32, #tpu.memory_space<vmem>>, vector<1x16xi32>,
        %parallel_loop3A_370 = vector.shape_cast %parallel_loop3A_369 : vector<1x16xi32> to vector<16xi32>
        %parallel_loop3A_371 = arith.constant 16 : i32
        %parallel_loop3A_372 = vector.broadcast %parallel_loop3A_371 : i32 to vector<16xi32>
        %parallel_loop3A_373 = arith.shli %parallel_loop3A_370, %parallel_loop3A_372 : vector<16xi32>
        %parallel_loop3A_374 = tpu.bitcast %parallel_loop3A_373 : vector<16xi32> -> vector<16xf32>
        %parallel_loop3A_375 = arith.constant -65536 : i32
        %parallel_loop3A_376 = vector.broadcast %parallel_loop3A_375 : i32 to vector<16xi32>
        %parallel_loop3A_377 = arith.andi %parallel_loop3A_370, %parallel_loop3A_376 : vector<16xi32>
        %parallel_loop3A_378 = tpu.bitcast %parallel_loop3A_377 : vector<16xi32> -> vector<16xf32>
        %parallel_loop3A_379 = arith.index_cast %parallel_loop3A_210 : i32 to index
        %parallel_loop3A_380 = arith.constant 64 : index
        %parallel_loop3A_381 = tpu.vector_load %arg9[%parallel_loop3A_379, %parallel_loop3A_380] {strides = array<i32>} : memref<64x128xf32, #tpu.memory_space<vmem>>, vector<1x16xf32>,
        %parallel_loop3A_382 = vector.shape_cast %parallel_loop3A_381 : vector<1x16xf32> to vector<16xf32>
        %parallel_loop3A_383 = arith.addf %parallel_loop3A_382, %parallel_loop3A_374 : vector<16xf32>
        %parallel_loop3A_384 = arith.constant 0.000000e+00 : f32
        %parallel_loop3A_385 = vector.broadcast %parallel_loop3A_384 : f32 to vector<16xf32>
        %parallel_loop3A_386 = arith.maximumf %parallel_loop3A_383, %parallel_loop3A_385 : vector<16xf32>
        %parallel_loop3A_387 = arith.index_cast %parallel_loop3A_210 : i32 to index
        %parallel_loop3A_388 = arith.constant 64 : index
        %parallel_loop3A_389 = tpu.vector_load %arg13[%parallel_loop3A_387, %parallel_loop3A_388] {strides = array<i32>} : memref<64x128xf32, #tpu.memory_space<vmem>>, vector<1x16xf32>,
        %parallel_loop3A_390 = vector.shape_cast %parallel_loop3A_389 : vector<1x16xf32> to vector<16xf32>
        %parallel_loop3A_391 = vector.shape_cast %parallel_loop3A_386 : vector<16xf32> to vector<1x16xf32>
        tpu.vector_store %arg13[%parallel_loop3A_387, %parallel_loop3A_388], %parallel_loop3A_391 {strides = array<i32>} : memref<64x128xf32, #tpu.memory_space<vmem>>, vector<1x16xf32>,
        %parallel_loop3A_392 = arith.index_cast %parallel_loop3A_214 : i32 to index
        %parallel_loop3A_393 = arith.constant 64 : index
        %parallel_loop3A_394 = tpu.vector_load %arg9[%parallel_loop3A_392, %parallel_loop3A_393] {strides = array<i32>} : memref<64x128xf32, #tpu.memory_space<vmem>>, vector<1x16xf32>,
        %parallel_loop3A_395 = vector.shape_cast %parallel_loop3A_394 : vector<1x16xf32> to vector<16xf32>
        %parallel_loop3A_396 = arith.addf %parallel_loop3A_395, %parallel_loop3A_378 : vector<16xf32>
        %parallel_loop3A_397 = arith.constant 0.000000e+00 : f32
        %parallel_loop3A_398 = vector.broadcast %parallel_loop3A_397 : f32 to vector<16xf32>
        %parallel_loop3A_399 = arith.maximumf %parallel_loop3A_396, %parallel_loop3A_398 : vector<16xf32>
        %parallel_loop3A_400 = arith.index_cast %parallel_loop3A_214 : i32 to index
        %parallel_loop3A_401 = arith.constant 64 : index
        %parallel_loop3A_402 = tpu.vector_load %arg13[%parallel_loop3A_400, %parallel_loop3A_401] {strides = array<i32>} : memref<64x128xf32, #tpu.memory_space<vmem>>, vector<1x16xf32>,
        %parallel_loop3A_403 = vector.shape_cast %parallel_loop3A_402 : vector<1x16xf32> to vector<16xf32>
        %parallel_loop3A_404 = vector.shape_cast %parallel_loop3A_399 : vector<16xf32> to vector<1x16xf32>
        tpu.vector_store %arg13[%parallel_loop3A_400, %parallel_loop3A_401], %parallel_loop3A_404 {strides = array<i32>} : memref<64x128xf32, #tpu.memory_space<vmem>>, vector<1x16xf32>,
        %parallel_loop3A_405 = arith.index_cast %parallel_loop3A_208 : i32 to index
        %parallel_loop3A_406 = arith.constant 80 : index
        %parallel_loop3A_407 = tpu.vector_load %arg11[%parallel_loop3A_405, %parallel_loop3A_406] {strides = array<i32>} : memref<32x128xi32, #tpu.memory_space<vmem>>, vector<1x16xi32>,
        %parallel_loop3A_408 = vector.shape_cast %parallel_loop3A_407 : vector<1x16xi32> to vector<16xi32>
        %parallel_loop3A_409 = arith.constant 16 : i32
        %parallel_loop3A_410 = vector.broadcast %parallel_loop3A_409 : i32 to vector<16xi32>
        %parallel_loop3A_411 = arith.shli %parallel_loop3A_408, %parallel_loop3A_410 : vector<16xi32>
        %parallel_loop3A_412 = tpu.bitcast %parallel_loop3A_411 : vector<16xi32> -> vector<16xf32>
        %parallel_loop3A_413 = arith.constant -65536 : i32
        %parallel_loop3A_414 = vector.broadcast %parallel_loop3A_413 : i32 to vector<16xi32>
        %parallel_loop3A_415 = arith.andi %parallel_loop3A_408, %parallel_loop3A_414 : vector<16xi32>
        %parallel_loop3A_416 = tpu.bitcast %parallel_loop3A_415 : vector<16xi32> -> vector<16xf32>
        %parallel_loop3A_417 = arith.index_cast %parallel_loop3A_210 : i32 to index
        %parallel_loop3A_418 = arith.constant 80 : index
        %parallel_loop3A_419 = tpu.vector_load %arg9[%parallel_loop3A_417, %parallel_loop3A_418] {strides = array<i32>} : memref<64x128xf32, #tpu.memory_space<vmem>>, vector<1x16xf32>,
        %parallel_loop3A_420 = vector.shape_cast %parallel_loop3A_419 : vector<1x16xf32> to vector<16xf32>
        %parallel_loop3A_421 = arith.addf %parallel_loop3A_420, %parallel_loop3A_412 : vector<16xf32>
        %parallel_loop3A_422 = arith.constant 0.000000e+00 : f32
        %parallel_loop3A_423 = vector.broadcast %parallel_loop3A_422 : f32 to vector<16xf32>
        %parallel_loop3A_424 = arith.maximumf %parallel_loop3A_421, %parallel_loop3A_423 : vector<16xf32>
        %parallel_loop3A_425 = arith.index_cast %parallel_loop3A_210 : i32 to index
        %parallel_loop3A_426 = arith.constant 80 : index
        %parallel_loop3A_427 = tpu.vector_load %arg13[%parallel_loop3A_425, %parallel_loop3A_426] {strides = array<i32>} : memref<64x128xf32, #tpu.memory_space<vmem>>, vector<1x16xf32>,
        %parallel_loop3A_428 = vector.shape_cast %parallel_loop3A_427 : vector<1x16xf32> to vector<16xf32>
        %parallel_loop3A_429 = vector.shape_cast %parallel_loop3A_424 : vector<16xf32> to vector<1x16xf32>
        tpu.vector_store %arg13[%parallel_loop3A_425, %parallel_loop3A_426], %parallel_loop3A_429 {strides = array<i32>} : memref<64x128xf32, #tpu.memory_space<vmem>>, vector<1x16xf32>,
        %parallel_loop3A_430 = arith.index_cast %parallel_loop3A_214 : i32 to index
        %parallel_loop3A_431 = arith.constant 80 : index
        %parallel_loop3A_432 = tpu.vector_load %arg9[%parallel_loop3A_430, %parallel_loop3A_431] {strides = array<i32>} : memref<64x128xf32, #tpu.memory_space<vmem>>, vector<1x16xf32>,
        %parallel_loop3A_433 = vector.shape_cast %parallel_loop3A_432 : vector<1x16xf32> to vector<16xf32>
        %parallel_loop3A_434 = arith.addf %parallel_loop3A_433, %parallel_loop3A_416 : vector<16xf32>
        %parallel_loop3A_435 = arith.constant 0.000000e+00 : f32
        %parallel_loop3A_436 = vector.broadcast %parallel_loop3A_435 : f32 to vector<16xf32>
        %parallel_loop3A_437 = arith.maximumf %parallel_loop3A_434, %parallel_loop3A_436 : vector<16xf32>
        %parallel_loop3A_438 = arith.index_cast %parallel_loop3A_214 : i32 to index
        %parallel_loop3A_439 = arith.constant 80 : index
        %parallel_loop3A_440 = tpu.vector_load %arg13[%parallel_loop3A_438, %parallel_loop3A_439] {strides = array<i32>} : memref<64x128xf32, #tpu.memory_space<vmem>>, vector<1x16xf32>,
        %parallel_loop3A_441 = vector.shape_cast %parallel_loop3A_440 : vector<1x16xf32> to vector<16xf32>
        %parallel_loop3A_442 = vector.shape_cast %parallel_loop3A_437 : vector<16xf32> to vector<1x16xf32>
        tpu.vector_store %arg13[%parallel_loop3A_438, %parallel_loop3A_439], %parallel_loop3A_442 {strides = array<i32>} : memref<64x128xf32, #tpu.memory_space<vmem>>, vector<1x16xf32>,
        %parallel_loop3A_443 = arith.index_cast %parallel_loop3A_208 : i32 to index
        %parallel_loop3A_444 = arith.constant 96 : index
        %parallel_loop3A_445 = tpu.vector_load %arg11[%parallel_loop3A_443, %parallel_loop3A_444] {strides = array<i32>} : memref<32x128xi32, #tpu.memory_space<vmem>>, vector<1x16xi32>,
        %parallel_loop3A_446 = vector.shape_cast %parallel_loop3A_445 : vector<1x16xi32> to vector<16xi32>
        %parallel_loop3A_447 = arith.constant 16 : i32
        %parallel_loop3A_448 = vector.broadcast %parallel_loop3A_447 : i32 to vector<16xi32>
        %parallel_loop3A_449 = arith.shli %parallel_loop3A_446, %parallel_loop3A_448 : vector<16xi32>
        %parallel_loop3A_450 = tpu.bitcast %parallel_loop3A_449 : vector<16xi32> -> vector<16xf32>
        %parallel_loop3A_451 = arith.constant -65536 : i32
        %parallel_loop3A_452 = vector.broadcast %parallel_loop3A_451 : i32 to vector<16xi32>
        %parallel_loop3A_453 = arith.andi %parallel_loop3A_446, %parallel_loop3A_452 : vector<16xi32>
        %parallel_loop3A_454 = tpu.bitcast %parallel_loop3A_453 : vector<16xi32> -> vector<16xf32>
        %parallel_loop3A_455 = arith.index_cast %parallel_loop3A_210 : i32 to index
        %parallel_loop3A_456 = arith.constant 96 : index
        %parallel_loop3A_457 = tpu.vector_load %arg9[%parallel_loop3A_455, %parallel_loop3A_456] {strides = array<i32>} : memref<64x128xf32, #tpu.memory_space<vmem>>, vector<1x16xf32>,
        %parallel_loop3A_458 = vector.shape_cast %parallel_loop3A_457 : vector<1x16xf32> to vector<16xf32>
        %parallel_loop3A_459 = arith.addf %parallel_loop3A_458, %parallel_loop3A_450 : vector<16xf32>
        %parallel_loop3A_460 = arith.constant 0.000000e+00 : f32
        %parallel_loop3A_461 = vector.broadcast %parallel_loop3A_460 : f32 to vector<16xf32>
        %parallel_loop3A_462 = arith.maximumf %parallel_loop3A_459, %parallel_loop3A_461 : vector<16xf32>
        %parallel_loop3A_463 = arith.index_cast %parallel_loop3A_210 : i32 to index
        %parallel_loop3A_464 = arith.constant 96 : index
        %parallel_loop3A_465 = tpu.vector_load %arg13[%parallel_loop3A_463, %parallel_loop3A_464] {strides = array<i32>} : memref<64x128xf32, #tpu.memory_space<vmem>>, vector<1x16xf32>,
        %parallel_loop3A_466 = vector.shape_cast %parallel_loop3A_465 : vector<1x16xf32> to vector<16xf32>
        %parallel_loop3A_467 = vector.shape_cast %parallel_loop3A_462 : vector<16xf32> to vector<1x16xf32>
        tpu.vector_store %arg13[%parallel_loop3A_463, %parallel_loop3A_464], %parallel_loop3A_467 {strides = array<i32>} : memref<64x128xf32, #tpu.memory_space<vmem>>, vector<1x16xf32>,
        %parallel_loop3A_468 = arith.index_cast %parallel_loop3A_214 : i32 to index
        %parallel_loop3A_469 = arith.constant 96 : index
        %parallel_loop3A_470 = tpu.vector_load %arg9[%parallel_loop3A_468, %parallel_loop3A_469] {strides = array<i32>} : memref<64x128xf32, #tpu.memory_space<vmem>>, vector<1x16xf32>,
        %parallel_loop3A_471 = vector.shape_cast %parallel_loop3A_470 : vector<1x16xf32> to vector<16xf32>
        %parallel_loop3A_472 = arith.addf %parallel_loop3A_471, %parallel_loop3A_454 : vector<16xf32>
        %parallel_loop3A_473 = arith.constant 0.000000e+00 : f32
        %parallel_loop3A_474 = vector.broadcast %parallel_loop3A_473 : f32 to vector<16xf32>
        %parallel_loop3A_475 = arith.maximumf %parallel_loop3A_472, %parallel_loop3A_474 : vector<16xf32>
        %parallel_loop3A_476 = arith.index_cast %parallel_loop3A_214 : i32 to index
        %parallel_loop3A_477 = arith.constant 96 : index
        %parallel_loop3A_478 = tpu.vector_load %arg13[%parallel_loop3A_476, %parallel_loop3A_477] {strides = array<i32>} : memref<64x128xf32, #tpu.memory_space<vmem>>, vector<1x16xf32>,
        %parallel_loop3A_479 = vector.shape_cast %parallel_loop3A_478 : vector<1x16xf32> to vector<16xf32>
        %parallel_loop3A_480 = vector.shape_cast %parallel_loop3A_475 : vector<16xf32> to vector<1x16xf32>
        tpu.vector_store %arg13[%parallel_loop3A_476, %parallel_loop3A_477], %parallel_loop3A_480 {strides = array<i32>} : memref<64x128xf32, #tpu.memory_space<vmem>>, vector<1x16xf32>,
        %parallel_loop3A_481 = arith.index_cast %parallel_loop3A_208 : i32 to index
        %parallel_loop3A_482 = arith.constant 112 : index
        %parallel_loop3A_483 = tpu.vector_load %arg11[%parallel_loop3A_481, %parallel_loop3A_482] {strides = array<i32>} : memref<32x128xi32, #tpu.memory_space<vmem>>, vector<1x16xi32>,
        %parallel_loop3A_484 = vector.shape_cast %parallel_loop3A_483 : vector<1x16xi32> to vector<16xi32>
        %parallel_loop3A_485 = arith.constant 16 : i32
        %parallel_loop3A_486 = vector.broadcast %parallel_loop3A_485 : i32 to vector<16xi32>
        %parallel_loop3A_487 = arith.shli %parallel_loop3A_484, %parallel_loop3A_486 : vector<16xi32>
        %parallel_loop3A_488 = tpu.bitcast %parallel_loop3A_487 : vector<16xi32> -> vector<16xf32>
        %parallel_loop3A_489 = arith.constant -65536 : i32
        %parallel_loop3A_490 = vector.broadcast %parallel_loop3A_489 : i32 to vector<16xi32>
        %parallel_loop3A_491 = arith.andi %parallel_loop3A_484, %parallel_loop3A_490 : vector<16xi32>
        %parallel_loop3A_492 = tpu.bitcast %parallel_loop3A_491 : vector<16xi32> -> vector<16xf32>
        %parallel_loop3A_493 = arith.index_cast %parallel_loop3A_210 : i32 to index
        %parallel_loop3A_494 = arith.constant 112 : index
        %parallel_loop3A_495 = tpu.vector_load %arg9[%parallel_loop3A_493, %parallel_loop3A_494] {strides = array<i32>} : memref<64x128xf32, #tpu.memory_space<vmem>>, vector<1x16xf32>,
        %parallel_loop3A_496 = vector.shape_cast %parallel_loop3A_495 : vector<1x16xf32> to vector<16xf32>
        %parallel_loop3A_497 = arith.addf %parallel_loop3A_496, %parallel_loop3A_488 : vector<16xf32>
        %parallel_loop3A_498 = arith.constant 0.000000e+00 : f32
        %parallel_loop3A_499 = vector.broadcast %parallel_loop3A_498 : f32 to vector<16xf32>
        %parallel_loop3A_500 = arith.maximumf %parallel_loop3A_497, %parallel_loop3A_499 : vector<16xf32>
        %parallel_loop3A_501 = arith.index_cast %parallel_loop3A_210 : i32 to index
        %parallel_loop3A_502 = arith.constant 112 : index
        %parallel_loop3A_503 = tpu.vector_load %arg13[%parallel_loop3A_501, %parallel_loop3A_502] {strides = array<i32>} : memref<64x128xf32, #tpu.memory_space<vmem>>, vector<1x16xf32>,
        %parallel_loop3A_504 = vector.shape_cast %parallel_loop3A_503 : vector<1x16xf32> to vector<16xf32>
        %parallel_loop3A_505 = vector.shape_cast %parallel_loop3A_500 : vector<16xf32> to vector<1x16xf32>
        tpu.vector_store %arg13[%parallel_loop3A_501, %parallel_loop3A_502], %parallel_loop3A_505 {strides = array<i32>} : memref<64x128xf32, #tpu.memory_space<vmem>>, vector<1x16xf32>,
        %parallel_loop3A_506 = arith.index_cast %parallel_loop3A_214 : i32 to index
        %parallel_loop3A_507 = arith.constant 112 : index
        %parallel_loop3A_508 = tpu.vector_load %arg9[%parallel_loop3A_506, %parallel_loop3A_507] {strides = array<i32>} : memref<64x128xf32, #tpu.memory_space<vmem>>, vector<1x16xf32>,
        %parallel_loop3A_509 = vector.shape_cast %parallel_loop3A_508 : vector<1x16xf32> to vector<16xf32>
        %parallel_loop3A_510 = arith.addf %parallel_loop3A_509, %parallel_loop3A_492 : vector<16xf32>
        %parallel_loop3A_511 = arith.constant 0.000000e+00 : f32
        %parallel_loop3A_512 = vector.broadcast %parallel_loop3A_511 : f32 to vector<16xf32>
        %parallel_loop3A_513 = arith.maximumf %parallel_loop3A_510, %parallel_loop3A_512 : vector<16xf32>
        %parallel_loop3A_514 = arith.index_cast %parallel_loop3A_214 : i32 to index
        %parallel_loop3A_515 = arith.constant 112 : index
        %parallel_loop3A_516 = tpu.vector_load %arg13[%parallel_loop3A_514, %parallel_loop3A_515] {strides = array<i32>} : memref<64x128xf32, #tpu.memory_space<vmem>>, vector<1x16xf32>,
        %parallel_loop3A_517 = vector.shape_cast %parallel_loop3A_516 : vector<1x16xf32> to vector<16xf32>
        %parallel_loop3A_518 = vector.shape_cast %parallel_loop3A_513 : vector<16xf32> to vector<1x16xf32>
        tpu.vector_store %arg13[%parallel_loop3A_514, %parallel_loop3A_515], %parallel_loop3A_518 {strides = array<i32>} : memref<64x128xf32, #tpu.memory_space<vmem>>, vector<1x16xf32>,
      } {sc.loop_unroll_factor = 2 : i64, sc.parallel_access}
      %get3A = arith.constant 64 : index
      %get3A_106 = tpu.vector_load %arg7[%get3A] {strides = array<i32>} : memref<128xi32, #tpu.memory_space<vmem>>, vector<16xi32>,
      %get3A_107 = vector.shape_cast %get3A_106 : vector<16xi32> to vector<16xi32>
      %swap3A = arith.constant 0 : index
      %swap3A_108 = tpu.vector_load %arg15[%swap3A] {strides = array<i32>} : memref<64xi32, #tpu.memory_space<vmem>>, vector<16xi32>,
      %swap3A_109 = vector.shape_cast %swap3A_108 : vector<16xi32> to vector<16xi32>
      %swap3A_110 = vector.shape_cast %get3A_107 : vector<16xi32> to vector<16xi32>
      tpu.vector_store %arg15[%swap3A], %swap3A_110 {strides = array<i32>} : memref<64xi32, #tpu.memory_space<vmem>>, vector<16xi32>,
      %get3A_111 = arith.constant 80 : index
      %get3A_112 = tpu.vector_load %arg7[%get3A_111] {strides = array<i32>} : memref<128xi32, #tpu.memory_space<vmem>>, vector<16xi32>,
      %get3A_113 = vector.shape_cast %get3A_112 : vector<16xi32> to vector<16xi32>
      %swap3A_114 = arith.constant 16 : index
      %swap3A_115 = tpu.vector_load %arg15[%swap3A_114] {strides = array<i32>} : memref<64xi32, #tpu.memory_space<vmem>>, vector<16xi32>,
      %swap3A_116 = vector.shape_cast %swap3A_115 : vector<16xi32> to vector<16xi32>
      %swap3A_117 = vector.shape_cast %get3A_113 : vector<16xi32> to vector<16xi32>
      tpu.vector_store %arg15[%swap3A_114], %swap3A_117 {strides = array<i32>} : memref<64xi32, #tpu.memory_space<vmem>>, vector<16xi32>,
      %get3A_118 = arith.constant 96 : index
      %get3A_119 = tpu.vector_load %arg7[%get3A_118] {strides = array<i32>} : memref<128xi32, #tpu.memory_space<vmem>>, vector<16xi32>,
      %get3A_120 = vector.shape_cast %get3A_119 : vector<16xi32> to vector<16xi32>
      %swap3A_121 = arith.constant 32 : index
      %swap3A_122 = tpu.vector_load %arg15[%swap3A_121] {strides = array<i32>} : memref<64xi32, #tpu.memory_space<vmem>>, vector<16xi32>,
      %swap3A_123 = vector.shape_cast %swap3A_122 : vector<16xi32> to vector<16xi32>
      %swap3A_124 = vector.shape_cast %get3A_120 : vector<16xi32> to vector<16xi32>
      tpu.vector_store %arg15[%swap3A_121], %swap3A_124 {strides = array<i32>} : memref<64xi32, #tpu.memory_space<vmem>>, vector<16xi32>,
      %get3A_125 = arith.constant 112 : index
      %get3A_126 = tpu.vector_load %arg7[%get3A_125] {strides = array<i32>} : memref<128xi32, #tpu.memory_space<vmem>>, vector<16xi32>,
      %get3A_127 = vector.shape_cast %get3A_126 : vector<16xi32> to vector<16xi32>
      %swap3A_128 = arith.constant 48 : index
      %swap3A_129 = tpu.vector_load %arg15[%swap3A_128] {strides = array<i32>} : memref<64xi32, #tpu.memory_space<vmem>>, vector<16xi32>,
      %swap3A_130 = vector.shape_cast %swap3A_129 : vector<16xi32> to vector<16xi32>
      %swap3A_131 = vector.shape_cast %get3A_127 : vector<16xi32> to vector<16xi32>
      tpu.vector_store %arg15[%swap3A_128], %swap3A_131 {strides = array<i32>} : memref<64xi32, #tpu.memory_space<vmem>>, vector<16xi32>,
      %dma_start3A_132 = arith.constant 0 : i32
      %dma_start3A_133 = arith.constant 0 : i32
      %dma_start3A_134 = tpu.memref_slice %arg17[%dma_start3A_132, %dma_start3A_133] : memref<10112x128xf32, #tpu.memory_space<vmem_shared>> -> memref<10112x128xf32, #tpu.memory_space<vmem_shared>>
      tpu.enqueue_indirect_dma source(%arg13 : memref<64x128xf32, #tpu.memory_space<vmem>>) target(%dma_start3A_134 : memref<10112x128xf32, #tpu.memory_space<vmem_shared>>) offsets(%arg15 : memref<64xi32, #tpu.memory_space<vmem>>) semaphore(%arg24 : memref<!tpu.dma_semaphore, #tpu.memory_space<semaphore_mem>>) {add = true}
      %add3A_135 = arith.constant 2 : i32
      %add3A_136 = arith.addi %mul3A_85, %add3A_135 : i32
      %lt3A_137 = arith.cmpi slt, %add3A_136, %sub3A_1 : i32
      %convert_element_type3A_138 = arith.extui %lt3A_137 : i1 to i32
      %cond3A_139 = arith.constant 0 : i32
      %cond3A_140 = arith.cmpi ne, %convert_element_type3A_138, %cond3A_139 : i32
      scf.if %cond3A_140 {
        %add3A_208 = arith.constant 2 : i32
        %add3A_209 = arith.addi %mul3A_85, %add3A_208 : i32
        %add3A_210 = arith.addi %add3A, %add3A_209 : i32
        %dma_start3A_211 = arith.constant 0 : i32
        %dma_start3A_212 = tpu.memref_slice %arg4[%add3A_210, %dma_start3A_211] : memref<5056x128xi32, #tpu.memory_space<hbm>> -> memref<1x128xi32, #tpu.memory_space<hbm>>
        %dma_start3A_213 = tpu.memref_squeeze %dma_start3A_212 : memref<1x128xi32, #tpu.memory_space<hbm>> -> memref<128xi32, #tpu.memory_space<hbm>>
        %dma_start3A_214 = arith.constant 0 : i32
        %dma_start3A_215 = tpu.memref_slice %arg4[%add3A_210, %dma_start3A_214] : memref<5056x128xi32, #tpu.memory_space<hbm>> -> memref<1x128xi32, #tpu.memory_space<hbm>>
        %dma_start3A_216 = tpu.memref_squeeze %dma_start3A_215 : memref<1x128xi32, #tpu.memory_space<hbm>> -> memref<128xi32, #tpu.memory_space<hbm>>
        tpu.enqueue_dma source(%dma_start3A_216 : memref<128xi32, #tpu.memory_space<hbm>>) target(%arg7 : memref<128xi32, #tpu.memory_space<vmem>>) target_semaphore(%arg18 : memref<!tpu.dma_semaphore, #tpu.memory_space<semaphore_mem>>)
      } else {
      }
      %mul3A_141 = arith.constant 2 : i32
      %mul3A_142 = arith.muli %mul3A_141, %while3A_82 : i32
      %add3A_143 = arith.constant 1 : i32
      %add3A_144 = arith.addi %mul3A_142, %add3A_143 : i32
      %dma_wait3A_145 = arith.constant 0 : i32
      %dma_wait3A_146 = tpu.memref_slice %arg8[%dma_wait3A_145] : memref<128xi32, #tpu.memory_space<vmem>> -> memref<64xi32, #tpu.memory_space<vmem>>
      %dma_wait3A_147 = arith.constant 0 : i32
      %dma_wait3A_148 = arith.constant 0 : i32
      %dma_wait3A_149 = tpu.memref_slice %arg2[%dma_wait3A_147, %dma_wait3A_148] : memref<10000x128xf32, #tpu.memory_space<hbm>> -> memref<10000x128xf32, #tpu.memory_space<hbm>>
      tpu.wait_indirect_dma semaphore(%arg21 : memref<!tpu.dma_semaphore, #tpu.memory_space<semaphore_mem>>) src(%dma_wait3A_149 : memref<10000x128xf32, #tpu.memory_space<hbm>>) dst(%arg10 : memref<64x128xf32, #tpu.memory_space<vmem>>)
      %add3A_150 = arith.constant 1 : i32
      %add3A_151 = arith.addi %add3A_144, %add3A_150 : i32
      %lt3A_152 = arith.cmpi slt, %add3A_151, %sub3A_1 : i32
      %convert_element_type3A_153 = arith.extui %lt3A_152 : i1 to i32
      %cond3A_154 = arith.constant 0 : i32
      %cond3A_155 = arith.cmpi ne, %convert_element_type3A_153, %cond3A_154 : i32
      scf.if %cond3A_155 {
        %dma_wait3A_208 = arith.constant 0 : i32
        %dma_wait3A_209 = arith.constant 0 : i32
        %dma_wait3A_210 = tpu.memref_slice %arg4[%dma_wait3A_208, %dma_wait3A_209] : memref<5056x128xi32, #tpu.memory_space<hbm>> -> memref<1x128xi32, #tpu.memory_space<hbm>>
        %dma_wait3A_211 = tpu.memref_squeeze %dma_wait3A_210 : memref<1x128xi32, #tpu.memory_space<hbm>> -> memref<128xi32, #tpu.memory_space<hbm>>
        %dma_wait3A_212 = arith.constant 0 : i32
        %dma_wait3A_213 = tpu.memref_slice %arg4[%dma_wait3A_208, %dma_wait3A_212] : memref<5056x128xi32, #tpu.memory_space<hbm>> -> memref<1x128xi32, #tpu.memory_space<hbm>>
        %dma_wait3A_214 = tpu.memref_squeeze %dma_wait3A_213 : memref<1x128xi32, #tpu.memory_space<hbm>> -> memref<128xi32, #tpu.memory_space<hbm>>
        tpu.wait_dma2 semaphore(%arg18 : memref<!tpu.dma_semaphore, #tpu.memory_space<semaphore_mem>>) src(%dma_wait3A_214 : memref<128xi32, #tpu.memory_space<hbm>>) dst(%arg7 : memref<128xi32, #tpu.memory_space<vmem>>)
        %dma_start3A_215 = arith.constant 0 : i32
        %dma_start3A_216 = tpu.memref_slice %arg7[%dma_start3A_215] : memref<128xi32, #tpu.memory_space<vmem>> -> memref<64xi32, #tpu.memory_space<vmem>>
        %dma_start3A_217 = arith.constant 0 : i32
        %dma_start3A_218 = arith.constant 0 : i32
        %dma_start3A_219 = tpu.memref_slice %arg2[%dma_start3A_217, %dma_start3A_218] : memref<10000x128xf32, #tpu.memory_space<hbm>> -> memref<10000x128xf32, #tpu.memory_space<hbm>>
        tpu.enqueue_indirect_dma source(%dma_start3A_219 : memref<10000x128xf32, #tpu.memory_space<hbm>>) target(%arg9 : memref<64x128xf32, #tpu.memory_space<vmem>>) offsets(%dma_start3A_216 : memref<64xi32, #tpu.memory_space<vmem>>) semaphore(%arg20 : memref<!tpu.dma_semaphore, #tpu.memory_space<semaphore_mem>>)
        %add3A_220 = arith.constant 1 : i32
        %add3A_221 = arith.addi %add3A_144, %add3A_220 : i32
        %add3A_222 = arith.addi %add3A, %add3A_221 : i32
        %mul3A_223 = arith.constant 32 : i32
        %mul3A_224 = arith.muli %add3A_222, %mul3A_223 : i32
        %dma_start3A_225 = arith.constant 0 : i32
        %dma_start3A_226 = tpu.memref_slice %arg3[%mul3A_224, %dma_start3A_225] : memref<161792x128xi32, #tpu.memory_space<hbm>> -> memref<32x128xi32, #tpu.memory_space<hbm>>
        %dma_start3A_227 = arith.constant 0 : i32
        %dma_start3A_228 = tpu.memref_slice %arg3[%mul3A_224, %dma_start3A_227] : memref<161792x128xi32, #tpu.memory_space<hbm>> -> memref<32x128xi32, #tpu.memory_space<hbm>>
        tpu.enqueue_dma source(%dma_start3A_228 : memref<32x128xi32, #tpu.memory_space<hbm>>) target(%arg11 : memref<32x128xi32, #tpu.memory_space<vmem>>) target_semaphore(%arg22 : memref<!tpu.dma_semaphore, #tpu.memory_space<semaphore_mem>>)
      } else {
      }
      %dma_wait3A_156 = arith.constant 0 : i32
      %dma_wait3A_157 = arith.constant 0 : i32
      %dma_wait3A_158 = tpu.memref_slice %arg3[%dma_wait3A_156, %dma_wait3A_157] : memref<161792x128xi32, #tpu.memory_space<hbm>> -> memref<32x128xi32, #tpu.memory_space<hbm>>
      %dma_wait3A_159 = arith.constant 0 : i32
      %dma_wait3A_160 = arith.constant 0 : i32
      %dma_wait3A_161 = tpu.memref_slice %arg3[%dma_wait3A_159, %dma_wait3A_160] : memref<161792x128xi32, #tpu.memory_space<hbm>> -> memref<32x128xi32, #tpu.memory_space<hbm>>
      tpu.wait_dma2 semaphore(%arg23 : memref<!tpu.dma_semaphore, #tpu.memory_space<semaphore_mem>>) src(%dma_wait3A_161 : memref<32x128xi32, #tpu.memory_space<hbm>>) dst(%arg12 : memref<32x128xi32, #tpu.memory_space<vmem>>)
      %ge3A_162 = arith.constant 2 : i32
      %ge3A_163 = arith.cmpi sge, %add3A_144, %ge3A_162 : i32
      %convert_element_type3A_164 = arith.extui %ge3A_163 : i1 to i32
      %cond3A_165 = arith.constant 0 : i32
      %cond3A_166 = arith.cmpi ne, %convert_element_type3A_164, %cond3A_165 : i32
      scf.if %cond3A_166 {
        %dma_wait3A_208 = arith.constant 0 : i32
        %dma_wait3A_209 = arith.constant 0 : i32
        %dma_wait3A_210 = tpu.memref_slice %arg17[%dma_wait3A_208, %dma_wait3A_209] : memref<10112x128xf32, #tpu.memory_space<vmem_shared>> -> memref<10112x128xf32, #tpu.memory_space<vmem_shared>>
        tpu.wait_indirect_dma semaphore(%arg25 : memref<!tpu.dma_semaphore, #tpu.memory_space<semaphore_mem>>) src(%arg14 : memref<64x128xf32, #tpu.memory_space<vmem>>) dst(%dma_wait3A_210 : memref<10112x128xf32, #tpu.memory_space<vmem_shared>>)
      } else {
      }
      %parallel_loop3A_167 = arith.constant 0 : i32
      %parallel_loop3A_168 = arith.constant 32 : i32
      %parallel_loop3A_169 = arith.constant 1 : i32
      scf.for %parallel_loop3A_208 = %parallel_loop3A_167 to %parallel_loop3A_168 step %parallel_loop3A_169  : i32 {
        %parallel_loop3A_209 = arith.constant 2 : i32
        %parallel_loop3A_210 = arith.muli %parallel_loop3A_209, %parallel_loop3A_208 : i32
        %parallel_loop3A_211 = arith.constant 2 : i32
        %parallel_loop3A_212 = arith.muli %parallel_loop3A_211, %parallel_loop3A_208 : i32
        %parallel_loop3A_213 = arith.constant 1 : i32
        %parallel_loop3A_214 = arith.addi %parallel_loop3A_212, %parallel_loop3A_213 : i32
        %parallel_loop3A_215 = arith.index_cast %parallel_loop3A_208 : i32 to index
        %parallel_loop3A_216 = arith.constant 0 : index
        %parallel_loop3A_217 = tpu.vector_load %arg12[%parallel_loop3A_215, %parallel_loop3A_216] {strides = array<i32>} : memref<32x128xi32, #tpu.memory_space<vmem>>, vector<1x16xi32>,
        %parallel_loop3A_218 = vector.shape_cast %parallel_loop3A_217 : vector<1x16xi32> to vector<16xi32>
        %parallel_loop3A_219 = arith.constant 16 : i32
        %parallel_loop3A_220 = vector.broadcast %parallel_loop3A_219 : i32 to vector<16xi32>
        %parallel_loop3A_221 = arith.shli %parallel_loop3A_218, %parallel_loop3A_220 : vector<16xi32>
        %parallel_loop3A_222 = tpu.bitcast %parallel_loop3A_221 : vector<16xi32> -> vector<16xf32>
        %parallel_loop3A_223 = arith.constant -65536 : i32
        %parallel_loop3A_224 = vector.broadcast %parallel_loop3A_223 : i32 to vector<16xi32>
        %parallel_loop3A_225 = arith.andi %parallel_loop3A_218, %parallel_loop3A_224 : vector<16xi32>
        %parallel_loop3A_226 = tpu.bitcast %parallel_loop3A_225 : vector<16xi32> -> vector<16xf32>
        %parallel_loop3A_227 = arith.index_cast %parallel_loop3A_210 : i32 to index
        %parallel_loop3A_228 = arith.constant 0 : index
        %parallel_loop3A_229 = tpu.vector_load %arg10[%parallel_loop3A_227, %parallel_loop3A_228] {strides = array<i32>} : memref<64x128xf32, #tpu.memory_space<vmem>>, vector<1x16xf32>,
        %parallel_loop3A_230 = vector.shape_cast %parallel_loop3A_229 : vector<1x16xf32> to vector<16xf32>
        %parallel_loop3A_231 = arith.addf %parallel_loop3A_230, %parallel_loop3A_222 : vector<16xf32>
        %parallel_loop3A_232 = arith.constant 0.000000e+00 : f32
        %parallel_loop3A_233 = vector.broadcast %parallel_loop3A_232 : f32 to vector<16xf32>
        %parallel_loop3A_234 = arith.maximumf %parallel_loop3A_231, %parallel_loop3A_233 : vector<16xf32>
        %parallel_loop3A_235 = arith.index_cast %parallel_loop3A_210 : i32 to index
        %parallel_loop3A_236 = arith.constant 0 : index
        %parallel_loop3A_237 = tpu.vector_load %arg14[%parallel_loop3A_235, %parallel_loop3A_236] {strides = array<i32>} : memref<64x128xf32, #tpu.memory_space<vmem>>, vector<1x16xf32>,
        %parallel_loop3A_238 = vector.shape_cast %parallel_loop3A_237 : vector<1x16xf32> to vector<16xf32>
        %parallel_loop3A_239 = vector.shape_cast %parallel_loop3A_234 : vector<16xf32> to vector<1x16xf32>
        tpu.vector_store %arg14[%parallel_loop3A_235, %parallel_loop3A_236], %parallel_loop3A_239 {strides = array<i32>} : memref<64x128xf32, #tpu.memory_space<vmem>>, vector<1x16xf32>,
        %parallel_loop3A_240 = arith.index_cast %parallel_loop3A_214 : i32 to index
        %parallel_loop3A_241 = arith.constant 0 : index
        %parallel_loop3A_242 = tpu.vector_load %arg10[%parallel_loop3A_240, %parallel_loop3A_241] {strides = array<i32>} : memref<64x128xf32, #tpu.memory_space<vmem>>, vector<1x16xf32>,
        %parallel_loop3A_243 = vector.shape_cast %parallel_loop3A_242 : vector<1x16xf32> to vector<16xf32>
        %parallel_loop3A_244 = arith.addf %parallel_loop3A_243, %parallel_loop3A_226 : vector<16xf32>
        %parallel_loop3A_245 = arith.constant 0.000000e+00 : f32
        %parallel_loop3A_246 = vector.broadcast %parallel_loop3A_245 : f32 to vector<16xf32>
        %parallel_loop3A_247 = arith.maximumf %parallel_loop3A_244, %parallel_loop3A_246 : vector<16xf32>
        %parallel_loop3A_248 = arith.index_cast %parallel_loop3A_214 : i32 to index
        %parallel_loop3A_249 = arith.constant 0 : index
        %parallel_loop3A_250 = tpu.vector_load %arg14[%parallel_loop3A_248, %parallel_loop3A_249] {strides = array<i32>} : memref<64x128xf32, #tpu.memory_space<vmem>>, vector<1x16xf32>,
        %parallel_loop3A_251 = vector.shape_cast %parallel_loop3A_250 : vector<1x16xf32> to vector<16xf32>
        %parallel_loop3A_252 = vector.shape_cast %parallel_loop3A_247 : vector<16xf32> to vector<1x16xf32>
        tpu.vector_store %arg14[%parallel_loop3A_248, %parallel_loop3A_249], %parallel_loop3A_252 {strides = array<i32>} : memref<64x128xf32, #tpu.memory_space<vmem>>, vector<1x16xf32>,
        %parallel_loop3A_253 = arith.index_cast %parallel_loop3A_208 : i32 to index
        %parallel_loop3A_254 = arith.constant 16 : index
        %parallel_loop3A_255 = tpu.vector_load %arg12[%parallel_loop3A_253, %parallel_loop3A_254] {strides = array<i32>} : memref<32x128xi32, #tpu.memory_space<vmem>>, vector<1x16xi32>,
        %parallel_loop3A_256 = vector.shape_cast %parallel_loop3A_255 : vector<1x16xi32> to vector<16xi32>
        %parallel_loop3A_257 = arith.constant 16 : i32
        %parallel_loop3A_258 = vector.broadcast %parallel_loop3A_257 : i32 to vector<16xi32>
        %parallel_loop3A_259 = arith.shli %parallel_loop3A_256, %parallel_loop3A_258 : vector<16xi32>
        %parallel_loop3A_260 = tpu.bitcast %parallel_loop3A_259 : vector<16xi32> -> vector<16xf32>
        %parallel_loop3A_261 = arith.constant -65536 : i32
        %parallel_loop3A_262 = vector.broadcast %parallel_loop3A_261 : i32 to vector<16xi32>
        %parallel_loop3A_263 = arith.andi %parallel_loop3A_256, %parallel_loop3A_262 : vector<16xi32>
        %parallel_loop3A_264 = tpu.bitcast %parallel_loop3A_263 : vector<16xi32> -> vector<16xf32>
        %parallel_loop3A_265 = arith.index_cast %parallel_loop3A_210 : i32 to index
        %parallel_loop3A_266 = arith.constant 16 : index
        %parallel_loop3A_267 = tpu.vector_load %arg10[%parallel_loop3A_265, %parallel_loop3A_266] {strides = array<i32>} : memref<64x128xf32, #tpu.memory_space<vmem>>, vector<1x16xf32>,
        %parallel_loop3A_268 = vector.shape_cast %parallel_loop3A_267 : vector<1x16xf32> to vector<16xf32>
        %parallel_loop3A_269 = arith.addf %parallel_loop3A_268, %parallel_loop3A_260 : vector<16xf32>
        %parallel_loop3A_270 = arith.constant 0.000000e+00 : f32
        %parallel_loop3A_271 = vector.broadcast %parallel_loop3A_270 : f32 to vector<16xf32>
        %parallel_loop3A_272 = arith.maximumf %parallel_loop3A_269, %parallel_loop3A_271 : vector<16xf32>
        %parallel_loop3A_273 = arith.index_cast %parallel_loop3A_210 : i32 to index
        %parallel_loop3A_274 = arith.constant 16 : index
        %parallel_loop3A_275 = tpu.vector_load %arg14[%parallel_loop3A_273, %parallel_loop3A_274] {strides = array<i32>} : memref<64x128xf32, #tpu.memory_space<vmem>>, vector<1x16xf32>,
        %parallel_loop3A_276 = vector.shape_cast %parallel_loop3A_275 : vector<1x16xf32> to vector<16xf32>
        %parallel_loop3A_277 = vector.shape_cast %parallel_loop3A_272 : vector<16xf32> to vector<1x16xf32>
        tpu.vector_store %arg14[%parallel_loop3A_273, %parallel_loop3A_274], %parallel_loop3A_277 {strides = array<i32>} : memref<64x128xf32, #tpu.memory_space<vmem>>, vector<1x16xf32>,
        %parallel_loop3A_278 = arith.index_cast %parallel_loop3A_214 : i32 to index
        %parallel_loop3A_279 = arith.constant 16 : index
        %parallel_loop3A_280 = tpu.vector_load %arg10[%parallel_loop3A_278, %parallel_loop3A_279] {strides = array<i32>} : memref<64x128xf32, #tpu.memory_space<vmem>>, vector<1x16xf32>,
        %parallel_loop3A_281 = vector.shape_cast %parallel_loop3A_280 : vector<1x16xf32> to vector<16xf32>
        %parallel_loop3A_282 = arith.addf %parallel_loop3A_281, %parallel_loop3A_264 : vector<16xf32>
        %parallel_loop3A_283 = arith.constant 0.000000e+00 : f32
        %parallel_loop3A_284 = vector.broadcast %parallel_loop3A_283 : f32 to vector<16xf32>
        %parallel_loop3A_285 = arith.maximumf %parallel_loop3A_282, %parallel_loop3A_284 : vector<16xf32>
        %parallel_loop3A_286 = arith.index_cast %parallel_loop3A_214 : i32 to index
        %parallel_loop3A_287 = arith.constant 16 : index
        %parallel_loop3A_288 = tpu.vector_load %arg14[%parallel_loop3A_286, %parallel_loop3A_287] {strides = array<i32>} : memref<64x128xf32, #tpu.memory_space<vmem>>, vector<1x16xf32>,
        %parallel_loop3A_289 = vector.shape_cast %parallel_loop3A_288 : vector<1x16xf32> to vector<16xf32>
        %parallel_loop3A_290 = vector.shape_cast %parallel_loop3A_285 : vector<16xf32> to vector<1x16xf32>
        tpu.vector_store %arg14[%parallel_loop3A_286, %parallel_loop3A_287], %parallel_loop3A_290 {strides = array<i32>} : memref<64x128xf32, #tpu.memory_space<vmem>>, vector<1x16xf32>,
        %parallel_loop3A_291 = arith.index_cast %parallel_loop3A_208 : i32 to index
        %parallel_loop3A_292 = arith.constant 32 : index
        %parallel_loop3A_293 = tpu.vector_load %arg12[%parallel_loop3A_291, %parallel_loop3A_292] {strides = array<i32>} : memref<32x128xi32, #tpu.memory_space<vmem>>, vector<1x16xi32>,
        %parallel_loop3A_294 = vector.shape_cast %parallel_loop3A_293 : vector<1x16xi32> to vector<16xi32>
        %parallel_loop3A_295 = arith.constant 16 : i32
        %parallel_loop3A_296 = vector.broadcast %parallel_loop3A_295 : i32 to vector<16xi32>
        %parallel_loop3A_297 = arith.shli %parallel_loop3A_294, %parallel_loop3A_296 : vector<16xi32>
        %parallel_loop3A_298 = tpu.bitcast %parallel_loop3A_297 : vector<16xi32> -> vector<16xf32>
        %parallel_loop3A_299 = arith.constant -65536 : i32
        %parallel_loop3A_300 = vector.broadcast %parallel_loop3A_299 : i32 to vector<16xi32>
        %parallel_loop3A_301 = arith.andi %parallel_loop3A_294, %parallel_loop3A_300 : vector<16xi32>
        %parallel_loop3A_302 = tpu.bitcast %parallel_loop3A_301 : vector<16xi32> -> vector<16xf32>
        %parallel_loop3A_303 = arith.index_cast %parallel_loop3A_210 : i32 to index
        %parallel_loop3A_304 = arith.constant 32 : index
        %parallel_loop3A_305 = tpu.vector_load %arg10[%parallel_loop3A_303, %parallel_loop3A_304] {strides = array<i32>} : memref<64x128xf32, #tpu.memory_space<vmem>>, vector<1x16xf32>,
        %parallel_loop3A_306 = vector.shape_cast %parallel_loop3A_305 : vector<1x16xf32> to vector<16xf32>
        %parallel_loop3A_307 = arith.addf %parallel_loop3A_306, %parallel_loop3A_298 : vector<16xf32>
        %parallel_loop3A_308 = arith.constant 0.000000e+00 : f32
        %parallel_loop3A_309 = vector.broadcast %parallel_loop3A_308 : f32 to vector<16xf32>
        %parallel_loop3A_310 = arith.maximumf %parallel_loop3A_307, %parallel_loop3A_309 : vector<16xf32>
        %parallel_loop3A_311 = arith.index_cast %parallel_loop3A_210 : i32 to index
        %parallel_loop3A_312 = arith.constant 32 : index
        %parallel_loop3A_313 = tpu.vector_load %arg14[%parallel_loop3A_311, %parallel_loop3A_312] {strides = array<i32>} : memref<64x128xf32, #tpu.memory_space<vmem>>, vector<1x16xf32>,
        %parallel_loop3A_314 = vector.shape_cast %parallel_loop3A_313 : vector<1x16xf32> to vector<16xf32>
        %parallel_loop3A_315 = vector.shape_cast %parallel_loop3A_310 : vector<16xf32> to vector<1x16xf32>
        tpu.vector_store %arg14[%parallel_loop3A_311, %parallel_loop3A_312], %parallel_loop3A_315 {strides = array<i32>} : memref<64x128xf32, #tpu.memory_space<vmem>>, vector<1x16xf32>,
        %parallel_loop3A_316 = arith.index_cast %parallel_loop3A_214 : i32 to index
        %parallel_loop3A_317 = arith.constant 32 : index
        %parallel_loop3A_318 = tpu.vector_load %arg10[%parallel_loop3A_316, %parallel_loop3A_317] {strides = array<i32>} : memref<64x128xf32, #tpu.memory_space<vmem>>, vector<1x16xf32>,
        %parallel_loop3A_319 = vector.shape_cast %parallel_loop3A_318 : vector<1x16xf32> to vector<16xf32>
        %parallel_loop3A_320 = arith.addf %parallel_loop3A_319, %parallel_loop3A_302 : vector<16xf32>
        %parallel_loop3A_321 = arith.constant 0.000000e+00 : f32
        %parallel_loop3A_322 = vector.broadcast %parallel_loop3A_321 : f32 to vector<16xf32>
        %parallel_loop3A_323 = arith.maximumf %parallel_loop3A_320, %parallel_loop3A_322 : vector<16xf32>
        %parallel_loop3A_324 = arith.index_cast %parallel_loop3A_214 : i32 to index
        %parallel_loop3A_325 = arith.constant 32 : index
        %parallel_loop3A_326 = tpu.vector_load %arg14[%parallel_loop3A_324, %parallel_loop3A_325] {strides = array<i32>} : memref<64x128xf32, #tpu.memory_space<vmem>>, vector<1x16xf32>,
        %parallel_loop3A_327 = vector.shape_cast %parallel_loop3A_326 : vector<1x16xf32> to vector<16xf32>
        %parallel_loop3A_328 = vector.shape_cast %parallel_loop3A_323 : vector<16xf32> to vector<1x16xf32>
        tpu.vector_store %arg14[%parallel_loop3A_324, %parallel_loop3A_325], %parallel_loop3A_328 {strides = array<i32>} : memref<64x128xf32, #tpu.memory_space<vmem>>, vector<1x16xf32>,
        %parallel_loop3A_329 = arith.index_cast %parallel_loop3A_208 : i32 to index
        %parallel_loop3A_330 = arith.constant 48 : index
        %parallel_loop3A_331 = tpu.vector_load %arg12[%parallel_loop3A_329, %parallel_loop3A_330] {strides = array<i32>} : memref<32x128xi32, #tpu.memory_space<vmem>>, vector<1x16xi32>,
        %parallel_loop3A_332 = vector.shape_cast %parallel_loop3A_331 : vector<1x16xi32> to vector<16xi32>
        %parallel_loop3A_333 = arith.constant 16 : i32
        %parallel_loop3A_334 = vector.broadcast %parallel_loop3A_333 : i32 to vector<16xi32>
        %parallel_loop3A_335 = arith.shli %parallel_loop3A_332, %parallel_loop3A_334 : vector<16xi32>
        %parallel_loop3A_336 = tpu.bitcast %parallel_loop3A_335 : vector<16xi32> -> vector<16xf32>
        %parallel_loop3A_337 = arith.constant -65536 : i32
        %parallel_loop3A_338 = vector.broadcast %parallel_loop3A_337 : i32 to vector<16xi32>
        %parallel_loop3A_339 = arith.andi %parallel_loop3A_332, %parallel_loop3A_338 : vector<16xi32>
        %parallel_loop3A_340 = tpu.bitcast %parallel_loop3A_339 : vector<16xi32> -> vector<16xf32>
        %parallel_loop3A_341 = arith.index_cast %parallel_loop3A_210 : i32 to index
        %parallel_loop3A_342 = arith.constant 48 : index
        %parallel_loop3A_343 = tpu.vector_load %arg10[%parallel_loop3A_341, %parallel_loop3A_342] {strides = array<i32>} : memref<64x128xf32, #tpu.memory_space<vmem>>, vector<1x16xf32>,
        %parallel_loop3A_344 = vector.shape_cast %parallel_loop3A_343 : vector<1x16xf32> to vector<16xf32>
        %parallel_loop3A_345 = arith.addf %parallel_loop3A_344, %parallel_loop3A_336 : vector<16xf32>
        %parallel_loop3A_346 = arith.constant 0.000000e+00 : f32
        %parallel_loop3A_347 = vector.broadcast %parallel_loop3A_346 : f32 to vector<16xf32>
        %parallel_loop3A_348 = arith.maximumf %parallel_loop3A_345, %parallel_loop3A_347 : vector<16xf32>
        %parallel_loop3A_349 = arith.index_cast %parallel_loop3A_210 : i32 to index
        %parallel_loop3A_350 = arith.constant 48 : index
        %parallel_loop3A_351 = tpu.vector_load %arg14[%parallel_loop3A_349, %parallel_loop3A_350] {strides = array<i32>} : memref<64x128xf32, #tpu.memory_space<vmem>>, vector<1x16xf32>,
        %parallel_loop3A_352 = vector.shape_cast %parallel_loop3A_351 : vector<1x16xf32> to vector<16xf32>
        %parallel_loop3A_353 = vector.shape_cast %parallel_loop3A_348 : vector<16xf32> to vector<1x16xf32>
        tpu.vector_store %arg14[%parallel_loop3A_349, %parallel_loop3A_350], %parallel_loop3A_353 {strides = array<i32>} : memref<64x128xf32, #tpu.memory_space<vmem>>, vector<1x16xf32>,
        %parallel_loop3A_354 = arith.index_cast %parallel_loop3A_214 : i32 to index
        %parallel_loop3A_355 = arith.constant 48 : index
        %parallel_loop3A_356 = tpu.vector_load %arg10[%parallel_loop3A_354, %parallel_loop3A_355] {strides = array<i32>} : memref<64x128xf32, #tpu.memory_space<vmem>>, vector<1x16xf32>,
        %parallel_loop3A_357 = vector.shape_cast %parallel_loop3A_356 : vector<1x16xf32> to vector<16xf32>
        %parallel_loop3A_358 = arith.addf %parallel_loop3A_357, %parallel_loop3A_340 : vector<16xf32>
        %parallel_loop3A_359 = arith.constant 0.000000e+00 : f32
        %parallel_loop3A_360 = vector.broadcast %parallel_loop3A_359 : f32 to vector<16xf32>
        %parallel_loop3A_361 = arith.maximumf %parallel_loop3A_358, %parallel_loop3A_360 : vector<16xf32>
        %parallel_loop3A_362 = arith.index_cast %parallel_loop3A_214 : i32 to index
        %parallel_loop3A_363 = arith.constant 48 : index
        %parallel_loop3A_364 = tpu.vector_load %arg14[%parallel_loop3A_362, %parallel_loop3A_363] {strides = array<i32>} : memref<64x128xf32, #tpu.memory_space<vmem>>, vector<1x16xf32>,
        %parallel_loop3A_365 = vector.shape_cast %parallel_loop3A_364 : vector<1x16xf32> to vector<16xf32>
        %parallel_loop3A_366 = vector.shape_cast %parallel_loop3A_361 : vector<16xf32> to vector<1x16xf32>
        tpu.vector_store %arg14[%parallel_loop3A_362, %parallel_loop3A_363], %parallel_loop3A_366 {strides = array<i32>} : memref<64x128xf32, #tpu.memory_space<vmem>>, vector<1x16xf32>,
        %parallel_loop3A_367 = arith.index_cast %parallel_loop3A_208 : i32 to index
        %parallel_loop3A_368 = arith.constant 64 : index
        %parallel_loop3A_369 = tpu.vector_load %arg12[%parallel_loop3A_367, %parallel_loop3A_368] {strides = array<i32>} : memref<32x128xi32, #tpu.memory_space<vmem>>, vector<1x16xi32>,
        %parallel_loop3A_370 = vector.shape_cast %parallel_loop3A_369 : vector<1x16xi32> to vector<16xi32>
        %parallel_loop3A_371 = arith.constant 16 : i32
        %parallel_loop3A_372 = vector.broadcast %parallel_loop3A_371 : i32 to vector<16xi32>
        %parallel_loop3A_373 = arith.shli %parallel_loop3A_370, %parallel_loop3A_372 : vector<16xi32>
        %parallel_loop3A_374 = tpu.bitcast %parallel_loop3A_373 : vector<16xi32> -> vector<16xf32>
        %parallel_loop3A_375 = arith.constant -65536 : i32
        %parallel_loop3A_376 = vector.broadcast %parallel_loop3A_375 : i32 to vector<16xi32>
        %parallel_loop3A_377 = arith.andi %parallel_loop3A_370, %parallel_loop3A_376 : vector<16xi32>
        %parallel_loop3A_378 = tpu.bitcast %parallel_loop3A_377 : vector<16xi32> -> vector<16xf32>
        %parallel_loop3A_379 = arith.index_cast %parallel_loop3A_210 : i32 to index
        %parallel_loop3A_380 = arith.constant 64 : index
        %parallel_loop3A_381 = tpu.vector_load %arg10[%parallel_loop3A_379, %parallel_loop3A_380] {strides = array<i32>} : memref<64x128xf32, #tpu.memory_space<vmem>>, vector<1x16xf32>,
        %parallel_loop3A_382 = vector.shape_cast %parallel_loop3A_381 : vector<1x16xf32> to vector<16xf32>
        %parallel_loop3A_383 = arith.addf %parallel_loop3A_382, %parallel_loop3A_374 : vector<16xf32>
        %parallel_loop3A_384 = arith.constant 0.000000e+00 : f32
        %parallel_loop3A_385 = vector.broadcast %parallel_loop3A_384 : f32 to vector<16xf32>
        %parallel_loop3A_386 = arith.maximumf %parallel_loop3A_383, %parallel_loop3A_385 : vector<16xf32>
        %parallel_loop3A_387 = arith.index_cast %parallel_loop3A_210 : i32 to index
        %parallel_loop3A_388 = arith.constant 64 : index
        %parallel_loop3A_389 = tpu.vector_load %arg14[%parallel_loop3A_387, %parallel_loop3A_388] {strides = array<i32>} : memref<64x128xf32, #tpu.memory_space<vmem>>, vector<1x16xf32>,
        %parallel_loop3A_390 = vector.shape_cast %parallel_loop3A_389 : vector<1x16xf32> to vector<16xf32>
        %parallel_loop3A_391 = vector.shape_cast %parallel_loop3A_386 : vector<16xf32> to vector<1x16xf32>
        tpu.vector_store %arg14[%parallel_loop3A_387, %parallel_loop3A_388], %parallel_loop3A_391 {strides = array<i32>} : memref<64x128xf32, #tpu.memory_space<vmem>>, vector<1x16xf32>,
        %parallel_loop3A_392 = arith.index_cast %parallel_loop3A_214 : i32 to index
        %parallel_loop3A_393 = arith.constant 64 : index
        %parallel_loop3A_394 = tpu.vector_load %arg10[%parallel_loop3A_392, %parallel_loop3A_393] {strides = array<i32>} : memref<64x128xf32, #tpu.memory_space<vmem>>, vector<1x16xf32>,
        %parallel_loop3A_395 = vector.shape_cast %parallel_loop3A_394 : vector<1x16xf32> to vector<16xf32>
        %parallel_loop3A_396 = arith.addf %parallel_loop3A_395, %parallel_loop3A_378 : vector<16xf32>
        %parallel_loop3A_397 = arith.constant 0.000000e+00 : f32
        %parallel_loop3A_398 = vector.broadcast %parallel_loop3A_397 : f32 to vector<16xf32>
        %parallel_loop3A_399 = arith.maximumf %parallel_loop3A_396, %parallel_loop3A_398 : vector<16xf32>
        %parallel_loop3A_400 = arith.index_cast %parallel_loop3A_214 : i32 to index
        %parallel_loop3A_401 = arith.constant 64 : index
        %parallel_loop3A_402 = tpu.vector_load %arg14[%parallel_loop3A_400, %parallel_loop3A_401] {strides = array<i32>} : memref<64x128xf32, #tpu.memory_space<vmem>>, vector<1x16xf32>,
        %parallel_loop3A_403 = vector.shape_cast %parallel_loop3A_402 : vector<1x16xf32> to vector<16xf32>
        %parallel_loop3A_404 = vector.shape_cast %parallel_loop3A_399 : vector<16xf32> to vector<1x16xf32>
        tpu.vector_store %arg14[%parallel_loop3A_400, %parallel_loop3A_401], %parallel_loop3A_404 {strides = array<i32>} : memref<64x128xf32, #tpu.memory_space<vmem>>, vector<1x16xf32>,
        %parallel_loop3A_405 = arith.index_cast %parallel_loop3A_208 : i32 to index
        %parallel_loop3A_406 = arith.constant 80 : index
        %parallel_loop3A_407 = tpu.vector_load %arg12[%parallel_loop3A_405, %parallel_loop3A_406] {strides = array<i32>} : memref<32x128xi32, #tpu.memory_space<vmem>>, vector<1x16xi32>,
        %parallel_loop3A_408 = vector.shape_cast %parallel_loop3A_407 : vector<1x16xi32> to vector<16xi32>
        %parallel_loop3A_409 = arith.constant 16 : i32
        %parallel_loop3A_410 = vector.broadcast %parallel_loop3A_409 : i32 to vector<16xi32>
        %parallel_loop3A_411 = arith.shli %parallel_loop3A_408, %parallel_loop3A_410 : vector<16xi32>
        %parallel_loop3A_412 = tpu.bitcast %parallel_loop3A_411 : vector<16xi32> -> vector<16xf32>
        %parallel_loop3A_413 = arith.constant -65536 : i32
        %parallel_loop3A_414 = vector.broadcast %parallel_loop3A_413 : i32 to vector<16xi32>
        %parallel_loop3A_415 = arith.andi %parallel_loop3A_408, %parallel_loop3A_414 : vector<16xi32>
        %parallel_loop3A_416 = tpu.bitcast %parallel_loop3A_415 : vector<16xi32> -> vector<16xf32>
        %parallel_loop3A_417 = arith.index_cast %parallel_loop3A_210 : i32 to index
        %parallel_loop3A_418 = arith.constant 80 : index
        %parallel_loop3A_419 = tpu.vector_load %arg10[%parallel_loop3A_417, %parallel_loop3A_418] {strides = array<i32>} : memref<64x128xf32, #tpu.memory_space<vmem>>, vector<1x16xf32>,
        %parallel_loop3A_420 = vector.shape_cast %parallel_loop3A_419 : vector<1x16xf32> to vector<16xf32>
        %parallel_loop3A_421 = arith.addf %parallel_loop3A_420, %parallel_loop3A_412 : vector<16xf32>
        %parallel_loop3A_422 = arith.constant 0.000000e+00 : f32
        %parallel_loop3A_423 = vector.broadcast %parallel_loop3A_422 : f32 to vector<16xf32>
        %parallel_loop3A_424 = arith.maximumf %parallel_loop3A_421, %parallel_loop3A_423 : vector<16xf32>
        %parallel_loop3A_425 = arith.index_cast %parallel_loop3A_210 : i32 to index
        %parallel_loop3A_426 = arith.constant 80 : index
        %parallel_loop3A_427 = tpu.vector_load %arg14[%parallel_loop3A_425, %parallel_loop3A_426] {strides = array<i32>} : memref<64x128xf32, #tpu.memory_space<vmem>>, vector<1x16xf32>,
        %parallel_loop3A_428 = vector.shape_cast %parallel_loop3A_427 : vector<1x16xf32> to vector<16xf32>
        %parallel_loop3A_429 = vector.shape_cast %parallel_loop3A_424 : vector<16xf32> to vector<1x16xf32>
        tpu.vector_store %arg14[%parallel_loop3A_425, %parallel_loop3A_426], %parallel_loop3A_429 {strides = array<i32>} : memref<64x128xf32, #tpu.memory_space<vmem>>, vector<1x16xf32>,
        %parallel_loop3A_430 = arith.index_cast %parallel_loop3A_214 : i32 to index
        %parallel_loop3A_431 = arith.constant 80 : index
        %parallel_loop3A_432 = tpu.vector_load %arg10[%parallel_loop3A_430, %parallel_loop3A_431] {strides = array<i32>} : memref<64x128xf32, #tpu.memory_space<vmem>>, vector<1x16xf32>,
        %parallel_loop3A_433 = vector.shape_cast %parallel_loop3A_432 : vector<1x16xf32> to vector<16xf32>
        %parallel_loop3A_434 = arith.addf %parallel_loop3A_433, %parallel_loop3A_416 : vector<16xf32>
        %parallel_loop3A_435 = arith.constant 0.000000e+00 : f32
        %parallel_loop3A_436 = vector.broadcast %parallel_loop3A_435 : f32 to vector<16xf32>
        %parallel_loop3A_437 = arith.maximumf %parallel_loop3A_434, %parallel_loop3A_436 : vector<16xf32>
        %parallel_loop3A_438 = arith.index_cast %parallel_loop3A_214 : i32 to index
        %parallel_loop3A_439 = arith.constant 80 : index
        %parallel_loop3A_440 = tpu.vector_load %arg14[%parallel_loop3A_438, %parallel_loop3A_439] {strides = array<i32>} : memref<64x128xf32, #tpu.memory_space<vmem>>, vector<1x16xf32>,
        %parallel_loop3A_441 = vector.shape_cast %parallel_loop3A_440 : vector<1x16xf32> to vector<16xf32>
        %parallel_loop3A_442 = vector.shape_cast %parallel_loop3A_437 : vector<16xf32> to vector<1x16xf32>
        tpu.vector_store %arg14[%parallel_loop3A_438, %parallel_loop3A_439], %parallel_loop3A_442 {strides = array<i32>} : memref<64x128xf32, #tpu.memory_space<vmem>>, vector<1x16xf32>,
        %parallel_loop3A_443 = arith.index_cast %parallel_loop3A_208 : i32 to index
        %parallel_loop3A_444 = arith.constant 96 : index
        %parallel_loop3A_445 = tpu.vector_load %arg12[%parallel_loop3A_443, %parallel_loop3A_444] {strides = array<i32>} : memref<32x128xi32, #tpu.memory_space<vmem>>, vector<1x16xi32>,
        %parallel_loop3A_446 = vector.shape_cast %parallel_loop3A_445 : vector<1x16xi32> to vector<16xi32>
        %parallel_loop3A_447 = arith.constant 16 : i32
        %parallel_loop3A_448 = vector.broadcast %parallel_loop3A_447 : i32 to vector<16xi32>
        %parallel_loop3A_449 = arith.shli %parallel_loop3A_446, %parallel_loop3A_448 : vector<16xi32>
        %parallel_loop3A_450 = tpu.bitcast %parallel_loop3A_449 : vector<16xi32> -> vector<16xf32>
        %parallel_loop3A_451 = arith.constant -65536 : i32
        %parallel_loop3A_452 = vector.broadcast %parallel_loop3A_451 : i32 to vector<16xi32>
        %parallel_loop3A_453 = arith.andi %parallel_loop3A_446, %parallel_loop3A_452 : vector<16xi32>
        %parallel_loop3A_454 = tpu.bitcast %parallel_loop3A_453 : vector<16xi32> -> vector<16xf32>
        %parallel_loop3A_455 = arith.index_cast %parallel_loop3A_210 : i32 to index
        %parallel_loop3A_456 = arith.constant 96 : index
        %parallel_loop3A_457 = tpu.vector_load %arg10[%parallel_loop3A_455, %parallel_loop3A_456] {strides = array<i32>} : memref<64x128xf32, #tpu.memory_space<vmem>>, vector<1x16xf32>,
        %parallel_loop3A_458 = vector.shape_cast %parallel_loop3A_457 : vector<1x16xf32> to vector<16xf32>
        %parallel_loop3A_459 = arith.addf %parallel_loop3A_458, %parallel_loop3A_450 : vector<16xf32>
        %parallel_loop3A_460 = arith.constant 0.000000e+00 : f32
        %parallel_loop3A_461 = vector.broadcast %parallel_loop3A_460 : f32 to vector<16xf32>
        %parallel_loop3A_462 = arith.maximumf %parallel_loop3A_459, %parallel_loop3A_461 : vector<16xf32>
        %parallel_loop3A_463 = arith.index_cast %parallel_loop3A_210 : i32 to index
        %parallel_loop3A_464 = arith.constant 96 : index
        %parallel_loop3A_465 = tpu.vector_load %arg14[%parallel_loop3A_463, %parallel_loop3A_464] {strides = array<i32>} : memref<64x128xf32, #tpu.memory_space<vmem>>, vector<1x16xf32>,
        %parallel_loop3A_466 = vector.shape_cast %parallel_loop3A_465 : vector<1x16xf32> to vector<16xf32>
        %parallel_loop3A_467 = vector.shape_cast %parallel_loop3A_462 : vector<16xf32> to vector<1x16xf32>
        tpu.vector_store %arg14[%parallel_loop3A_463, %parallel_loop3A_464], %parallel_loop3A_467 {strides = array<i32>} : memref<64x128xf32, #tpu.memory_space<vmem>>, vector<1x16xf32>,
        %parallel_loop3A_468 = arith.index_cast %parallel_loop3A_214 : i32 to index
        %parallel_loop3A_469 = arith.constant 96 : index
        %parallel_loop3A_470 = tpu.vector_load %arg10[%parallel_loop3A_468, %parallel_loop3A_469] {strides = array<i32>} : memref<64x128xf32, #tpu.memory_space<vmem>>, vector<1x16xf32>,
        %parallel_loop3A_471 = vector.shape_cast %parallel_loop3A_470 : vector<1x16xf32> to vector<16xf32>
        %parallel_loop3A_472 = arith.addf %parallel_loop3A_471, %parallel_loop3A_454 : vector<16xf32>
        %parallel_loop3A_473 = arith.constant 0.000000e+00 : f32
        %parallel_loop3A_474 = vector.broadcast %parallel_loop3A_473 : f32 to vector<16xf32>
        %parallel_loop3A_475 = arith.maximumf %parallel_loop3A_472, %parallel_loop3A_474 : vector<16xf32>
        %parallel_loop3A_476 = arith.index_cast %parallel_loop3A_214 : i32 to index
        %parallel_loop3A_477 = arith.constant 96 : index
        %parallel_loop3A_478 = tpu.vector_load %arg14[%parallel_loop3A_476, %parallel_loop3A_477] {strides = array<i32>} : memref<64x128xf32, #tpu.memory_space<vmem>>, vector<1x16xf32>,
        %parallel_loop3A_479 = vector.shape_cast %parallel_loop3A_478 : vector<1x16xf32> to vector<16xf32>
        %parallel_loop3A_480 = vector.shape_cast %parallel_loop3A_475 : vector<16xf32> to vector<1x16xf32>
        tpu.vector_store %arg14[%parallel_loop3A_476, %parallel_loop3A_477], %parallel_loop3A_480 {strides = array<i32>} : memref<64x128xf32, #tpu.memory_space<vmem>>, vector<1x16xf32>,
        %parallel_loop3A_481 = arith.index_cast %parallel_loop3A_208 : i32 to index
        %parallel_loop3A_482 = arith.constant 112 : index
        %parallel_loop3A_483 = tpu.vector_load %arg12[%parallel_loop3A_481, %parallel_loop3A_482] {strides = array<i32>} : memref<32x128xi32, #tpu.memory_space<vmem>>, vector<1x16xi32>,
        %parallel_loop3A_484 = vector.shape_cast %parallel_loop3A_483 : vector<1x16xi32> to vector<16xi32>
        %parallel_loop3A_485 = arith.constant 16 : i32
        %parallel_loop3A_486 = vector.broadcast %parallel_loop3A_485 : i32 to vector<16xi32>
        %parallel_loop3A_487 = arith.shli %parallel_loop3A_484, %parallel_loop3A_486 : vector<16xi32>
        %parallel_loop3A_488 = tpu.bitcast %parallel_loop3A_487 : vector<16xi32> -> vector<16xf32>
        %parallel_loop3A_489 = arith.constant -65536 : i32
        %parallel_loop3A_490 = vector.broadcast %parallel_loop3A_489 : i32 to vector<16xi32>
        %parallel_loop3A_491 = arith.andi %parallel_loop3A_484, %parallel_loop3A_490 : vector<16xi32>
        %parallel_loop3A_492 = tpu.bitcast %parallel_loop3A_491 : vector<16xi32> -> vector<16xf32>
        %parallel_loop3A_493 = arith.index_cast %parallel_loop3A_210 : i32 to index
        %parallel_loop3A_494 = arith.constant 112 : index
        %parallel_loop3A_495 = tpu.vector_load %arg10[%parallel_loop3A_493, %parallel_loop3A_494] {strides = array<i32>} : memref<64x128xf32, #tpu.memory_space<vmem>>, vector<1x16xf32>,
        %parallel_loop3A_496 = vector.shape_cast %parallel_loop3A_495 : vector<1x16xf32> to vector<16xf32>
        %parallel_loop3A_497 = arith.addf %parallel_loop3A_496, %parallel_loop3A_488 : vector<16xf32>
        %parallel_loop3A_498 = arith.constant 0.000000e+00 : f32
        %parallel_loop3A_499 = vector.broadcast %parallel_loop3A_498 : f32 to vector<16xf32>
        %parallel_loop3A_500 = arith.maximumf %parallel_loop3A_497, %parallel_loop3A_499 : vector<16xf32>
        %parallel_loop3A_501 = arith.index_cast %parallel_loop3A_210 : i32 to index
        %parallel_loop3A_502 = arith.constant 112 : index
        %parallel_loop3A_503 = tpu.vector_load %arg14[%parallel_loop3A_501, %parallel_loop3A_502] {strides = array<i32>} : memref<64x128xf32, #tpu.memory_space<vmem>>, vector<1x16xf32>,
        %parallel_loop3A_504 = vector.shape_cast %parallel_loop3A_503 : vector<1x16xf32> to vector<16xf32>
        %parallel_loop3A_505 = vector.shape_cast %parallel_loop3A_500 : vector<16xf32> to vector<1x16xf32>
        tpu.vector_store %arg14[%parallel_loop3A_501, %parallel_loop3A_502], %parallel_loop3A_505 {strides = array<i32>} : memref<64x128xf32, #tpu.memory_space<vmem>>, vector<1x16xf32>,
        %parallel_loop3A_506 = arith.index_cast %parallel_loop3A_214 : i32 to index
        %parallel_loop3A_507 = arith.constant 112 : index
        %parallel_loop3A_508 = tpu.vector_load %arg10[%parallel_loop3A_506, %parallel_loop3A_507] {strides = array<i32>} : memref<64x128xf32, #tpu.memory_space<vmem>>, vector<1x16xf32>,
        %parallel_loop3A_509 = vector.shape_cast %parallel_loop3A_508 : vector<1x16xf32> to vector<16xf32>
        %parallel_loop3A_510 = arith.addf %parallel_loop3A_509, %parallel_loop3A_492 : vector<16xf32>
        %parallel_loop3A_511 = arith.constant 0.000000e+00 : f32
        %parallel_loop3A_512 = vector.broadcast %parallel_loop3A_511 : f32 to vector<16xf32>
        %parallel_loop3A_513 = arith.maximumf %parallel_loop3A_510, %parallel_loop3A_512 : vector<16xf32>
        %parallel_loop3A_514 = arith.index_cast %parallel_loop3A_214 : i32 to index
        %parallel_loop3A_515 = arith.constant 112 : index
        %parallel_loop3A_516 = tpu.vector_load %arg14[%parallel_loop3A_514, %parallel_loop3A_515] {strides = array<i32>} : memref<64x128xf32, #tpu.memory_space<vmem>>, vector<1x16xf32>,
        %parallel_loop3A_517 = vector.shape_cast %parallel_loop3A_516 : vector<1x16xf32> to vector<16xf32>
        %parallel_loop3A_518 = vector.shape_cast %parallel_loop3A_513 : vector<16xf32> to vector<1x16xf32>
        tpu.vector_store %arg14[%parallel_loop3A_514, %parallel_loop3A_515], %parallel_loop3A_518 {strides = array<i32>} : memref<64x128xf32, #tpu.memory_space<vmem>>, vector<1x16xf32>,
      } {sc.loop_unroll_factor = 2 : i64, sc.parallel_access}
      %get3A_170 = arith.constant 64 : index
      %get3A_171 = tpu.vector_load %arg8[%get3A_170] {strides = array<i32>} : memref<128xi32, #tpu.memory_space<vmem>>, vector<16xi32>,
      %get3A_172 = vector.shape_cast %get3A_171 : vector<16xi32> to vector<16xi32>
      %swap3A_173 = arith.constant 0 : index
      %swap3A_174 = tpu.vector_load %arg16[%swap3A_173] {strides = array<i32>} : memref<64xi32, #tpu.memory_space<vmem>>, vector<16xi32>,
      %swap3A_175 = vector.shape_cast %swap3A_174 : vector<16xi32> to vector<16xi32>
      %swap3A_176 = vector.shape_cast %get3A_172 : vector<16xi32> to vector<16xi32>
      tpu.vector_store %arg16[%swap3A_173], %swap3A_176 {strides = array<i32>} : memref<64xi32, #tpu.memory_space<vmem>>, vector<16xi32>,
      %get3A_177 = arith.constant 80 : index
      %get3A_178 = tpu.vector_load %arg8[%get3A_177] {strides = array<i32>} : memref<128xi32, #tpu.memory_space<vmem>>, vector<16xi32>,
      %get3A_179 = vector.shape_cast %get3A_178 : vector<16xi32> to vector<16xi32>
      %swap3A_180 = arith.constant 16 : index
      %swap3A_181 = tpu.vector_load %arg16[%swap3A_180] {strides = array<i32>} : memref<64xi32, #tpu.memory_space<vmem>>, vector<16xi32>,
      %swap3A_182 = vector.shape_cast %swap3A_181 : vector<16xi32> to vector<16xi32>
      %swap3A_183 = vector.shape_cast %get3A_179 : vector<16xi32> to vector<16xi32>
      tpu.vector_store %arg16[%swap3A_180], %swap3A_183 {strides = array<i32>} : memref<64xi32, #tpu.memory_space<vmem>>, vector<16xi32>,
      %get3A_184 = arith.constant 96 : index
      %get3A_185 = tpu.vector_load %arg8[%get3A_184] {strides = array<i32>} : memref<128xi32, #tpu.memory_space<vmem>>, vector<16xi32>,
      %get3A_186 = vector.shape_cast %get3A_185 : vector<16xi32> to vector<16xi32>
      %swap3A_187 = arith.constant 32 : index
      %swap3A_188 = tpu.vector_load %arg16[%swap3A_187] {strides = array<i32>} : memref<64xi32, #tpu.memory_space<vmem>>, vector<16xi32>,
      %swap3A_189 = vector.shape_cast %swap3A_188 : vector<16xi32> to vector<16xi32>
      %swap3A_190 = vector.shape_cast %get3A_186 : vector<16xi32> to vector<16xi32>
      tpu.vector_store %arg16[%swap3A_187], %swap3A_190 {strides = array<i32>} : memref<64xi32, #tpu.memory_space<vmem>>, vector<16xi32>,
      %get3A_191 = arith.constant 112 : index
      %get3A_192 = tpu.vector_load %arg8[%get3A_191] {strides = array<i32>} : memref<128xi32, #tpu.memory_space<vmem>>, vector<16xi32>,
      %get3A_193 = vector.shape_cast %get3A_192 : vector<16xi32> to vector<16xi32>
      %swap3A_194 = arith.constant 48 : index
      %swap3A_195 = tpu.vector_load %arg16[%swap3A_194] {strides = array<i32>} : memref<64xi32, #tpu.memory_space<vmem>>, vector<16xi32>,
      %swap3A_196 = vector.shape_cast %swap3A_195 : vector<16xi32> to vector<16xi32>
      %swap3A_197 = vector.shape_cast %get3A_193 : vector<16xi32> to vector<16xi32>
      tpu.vector_store %arg16[%swap3A_194], %swap3A_197 {strides = array<i32>} : memref<64xi32, #tpu.memory_space<vmem>>, vector<16xi32>,
      %dma_start3A_198 = arith.constant 0 : i32
      %dma_start3A_199 = arith.constant 0 : i32
      %dma_start3A_200 = tpu.memref_slice %arg17[%dma_start3A_198, %dma_start3A_199] : memref<10112x128xf32, #tpu.memory_space<vmem_shared>> -> memref<10112x128xf32, #tpu.memory_space<vmem_shared>>
      tpu.enqueue_indirect_dma source(%arg14 : memref<64x128xf32, #tpu.memory_space<vmem>>) target(%dma_start3A_200 : memref<10112x128xf32, #tpu.memory_space<vmem_shared>>) offsets(%arg16 : memref<64xi32, #tpu.memory_space<vmem>>) semaphore(%arg25 : memref<!tpu.dma_semaphore, #tpu.memory_space<semaphore_mem>>) {add = true}
      %add3A_201 = arith.constant 2 : i32
      %add3A_202 = arith.addi %add3A_144, %add3A_201 : i32
      %lt3A_203 = arith.cmpi slt, %add3A_202, %sub3A_1 : i32
      %convert_element_type3A_204 = arith.extui %lt3A_203 : i1 to i32
      %cond3A_205 = arith.constant 0 : i32
      %cond3A_206 = arith.cmpi ne, %convert_element_type3A_204, %cond3A_205 : i32
      scf.if %cond3A_206 {
        %add3A_208 = arith.constant 2 : i32
        %add3A_209 = arith.addi %add3A_144, %add3A_208 : i32
        %add3A_210 = arith.addi %add3A, %add3A_209 : i32
        %dma_start3A_211 = arith.constant 0 : i32
        %dma_start3A_212 = tpu.memref_slice %arg4[%add3A_210, %dma_start3A_211] : memref<5056x128xi32, #tpu.memory_space<hbm>> -> memref<1x128xi32, #tpu.memory_space<hbm>>
        %dma_start3A_213 = tpu.memref_squeeze %dma_start3A_212 : memref<1x128xi32, #tpu.memory_space<hbm>> -> memref<128xi32, #tpu.memory_space<hbm>>
        %dma_start3A_214 = arith.constant 0 : i32
        %dma_start3A_215 = tpu.memref_slice %arg4[%add3A_210, %dma_start3A_214] : memref<5056x128xi32, #tpu.memory_space<hbm>> -> memref<1x128xi32, #tpu.memory_space<hbm>>
        %dma_start3A_216 = tpu.memref_squeeze %dma_start3A_215 : memref<1x128xi32, #tpu.memory_space<hbm>> -> memref<128xi32, #tpu.memory_space<hbm>>
        tpu.enqueue_dma source(%dma_start3A_216 : memref<128xi32, #tpu.memory_space<hbm>>) target(%arg8 : memref<128xi32, #tpu.memory_space<vmem>>) target_semaphore(%arg19 : memref<!tpu.dma_semaphore, #tpu.memory_space<semaphore_mem>>)
      } else {
      }
      %while3A_207 = arith.constant 0 : i32
      scf.yield %while3A_207 : i32
    }
    %dma_wait3A_71 = arith.constant 0 : i32
    %dma_wait3A_72 = arith.constant 0 : i32
    %dma_wait3A_73 = tpu.memref_slice %arg17[%dma_wait3A_71, %dma_wait3A_72] : memref<10112x128xf32, #tpu.memory_space<vmem_shared>> -> memref<10112x128xf32, #tpu.memory_space<vmem_shared>>
    tpu.wait_indirect_dma semaphore(%arg24 : memref<!tpu.dma_semaphore, #tpu.memory_space<semaphore_mem>>) src(%arg13 : memref<64x128xf32, #tpu.memory_space<vmem>>) dst(%dma_wait3A_73 : memref<10112x128xf32, #tpu.memory_space<vmem_shared>>)
    %dma_wait3A_74 = arith.constant 0 : i32
    %dma_wait3A_75 = arith.constant 0 : i32
    %dma_wait3A_76 = tpu.memref_slice %arg17[%dma_wait3A_74, %dma_wait3A_75] : memref<10112x128xf32, #tpu.memory_space<vmem_shared>> -> memref<10112x128xf32, #tpu.memory_space<vmem_shared>>
    tpu.wait_indirect_dma semaphore(%arg25 : memref<!tpu.dma_semaphore, #tpu.memory_space<semaphore_mem>>) src(%arg14 : memref<64x128xf32, #tpu.memory_space<vmem>>) dst(%dma_wait3A_76 : memref<10112x128xf32, #tpu.memory_space<vmem_shared>>)
    %barrier3A_77 = arith.constant 0 : index
    tpu.barrier barrier_id(%barrier3A_77)
    %mul3A_78 = arith.constant 632 : i32
    %mul3A_79 = arith.muli %arg1, %mul3A_78 : i32
    %mul3A_80 = arith.constant 632 : i32
    %mul3A_81 = arith.muli %arg1, %mul3A_80 : i32
    "tpu.region"() ({
      %run_scoped3A = tpu.sem_alloc : memref<!tpu.dma_semaphore, #tpu.memory_space<semaphore_mem>>
      %dma_start3A_82 = arith.constant 0 : i32
      %dma_start3A_83 = tpu.memref_slice %arg6[%arg0, %mul3A_81, %dma_start3A_82] : memref<2x10112x128xf32, #tpu.memory_space<hbm>> -> memref<1x632x128xf32, #tpu.memory_space<hbm>>
      %dma_start3A_84 = tpu.memref_squeeze %dma_start3A_83 : memref<1x632x128xf32, #tpu.memory_space<hbm>> -> memref<632x128xf32, #tpu.memory_space<hbm>>
      %dma_start3A_85 = arith.constant 0 : i32
      %dma_start3A_86 = tpu.memref_slice %arg17[%mul3A_79, %dma_start3A_85] : memref<10112x128xf32, #tpu.memory_space<vmem_shared>> -> memref<632x128xf32, #tpu.memory_space<vmem_shared>>
      tpu.enqueue_dma source(%dma_start3A_86 : memref<632x128xf32, #tpu.memory_space<vmem_shared>>) target(%dma_start3A_84 : memref<632x128xf32, #tpu.memory_space<hbm>>) target_semaphore(%run_scoped3A : memref<!tpu.dma_semaphore, #tpu.memory_space<semaphore_mem>>)
      %dma_wait3A_87 = arith.constant 0 : i32
      %dma_wait3A_88 = tpu.memref_slice %arg6[%arg0, %mul3A_81, %dma_wait3A_87] : memref<2x10112x128xf32, #tpu.memory_space<hbm>> -> memref<1x632x128xf32, #tpu.memory_space<hbm>>
      %dma_wait3A_89 = tpu.memref_squeeze %dma_wait3A_88 : memref<1x632x128xf32, #tpu.memory_space<hbm>> -> memref<632x128xf32, #tpu.memory_space<hbm>>
      %dma_wait3A_90 = arith.constant 0 : i32
      %dma_wait3A_91 = tpu.memref_slice %arg17[%mul3A_79, %dma_wait3A_90] : memref<10112x128xf32, #tpu.memory_space<vmem_shared>> -> memref<632x128xf32, #tpu.memory_space<vmem_shared>>
      tpu.wait_dma2 semaphore(%run_scoped3A : memref<!tpu.dma_semaphore, #tpu.memory_space<semaphore_mem>>) src(%dma_wait3A_91 : memref<632x128xf32, #tpu.memory_space<vmem_shared>>) dst(%dma_wait3A_89 : memref<632x128xf32, #tpu.memory_space<hbm>>)
      tpu.yield
    }) : () -> ()
    return
  }
}

module attributes {stable_mosaic.version = 14 : i64} {
  func.func @_x1_body(%arg0: i32, %arg1: memref<1000x128xf32, #tpu.memory_space<vmem>>, %arg2: memref<128x128xf32, #tpu.memory_space<vmem>>, %arg3: memref<1000x128xf32, #tpu.memory_space<vmem>>) attributes {dimension_semantics = [#tpu.dimension_semantics<arbitrary>], iteration_bounds = array<i64: 10>, scalar_prefetch = 0 : i64, scratch_operands = 0 : i64, tpu.core_type = #tpu.core_type<tc>, window_params = [{transform_indices = @transform_0, window_bounds = array<i64: 1000, 128>}, {pipeline_mode = #tpu.pipeline_mode<synchronous>, transform_indices = @transform_1, window_bounds = array<i64: 128, 128>}, {transform_indices = @transform_2, window_bounds = array<i64: 1000, 128>}]} {
    %get3A = arith.constant 0 : index
    %get3A_0 = arith.constant 0 : index
    %get3A_1 = vector.load %arg1[%get3A, %get3A_0] : memref<1000x128xf32, #tpu.memory_space<vmem>>, vector<1000x128xf32>
    %get3A_2 = arith.constant 0 : index
    %get3A_3 = arith.constant 0 : index
    %get3A_4 = vector.load %arg2[%get3A_2, %get3A_3] : memref<128x128xf32, #tpu.memory_space<vmem>>, vector<128x128xf32>
    %dot_general3A = arith.constant dense<0.000000e+00> : vector<1000x128xf32>
    %dot_general3A_5 = tpu.matmul %get3A_1, %get3A_4, %dot_general3A {dimension_numbers = #tpu.dot_dimension_numbers<[1], [0], [0], [1], [0, 0, 1, 1], [], []>, transpose_lhs_hint = false} : vector<1000x128xf32>, vector<128x128xf32>, vector<1000x128xf32> -> vector<1000x128xf32>
    %swap3A = arith.constant 0 : index
    %swap3A_6 = arith.constant 0 : index
    %swap3A_7 = vector.load %arg3[%swap3A, %swap3A_6] : memref<1000x128xf32, #tpu.memory_space<vmem>>, vector<1000x128xf32>
    tpu.vector_store %arg3[%swap3A, %swap3A_6], %dot_general3A_5 {strides = array<i32>} : memref<1000x128xf32, #tpu.memory_space<vmem>>, vector<1000x128xf32>,
    return
  }
  func.func @transform_0(%arg0: i32) -> (i32, i32) {
    %c0_i32 = arith.constant 0 : i32
    %c0_i32_0 = arith.constant 0 : i32
    return %arg0, %c0_i32 : i32, i32
  }
  func.func @transform_1(%arg0: i32) -> (i32, i32) {
    %c0_i32 = arith.constant 0 : i32
    %c0_i32_0 = arith.constant 0 : i32
    %c0_i32_1 = arith.constant 0 : i32
    return %c0_i32, %c0_i32_0 : i32, i32
  }
  func.func @transform_2(%arg0: i32) -> (i32, i32) {
    %c0_i32 = arith.constant 0 : i32
    %c0_i32_0 = arith.constant 0 : i32
    return %arg0, %c0_i32 : i32, i32
  }
}

module attributes {stable_mosaic.version = 14 : i64} {
  func.func @_e2_body(%arg0: i32, %arg1: memref<16000x16xf32, #tpu.memory_space<vmem>>, %arg2: memref<16x128xbf16, #tpu.memory_space<vmem>>, %arg3: memref<1x128xf32, #tpu.memory_space<vmem>>, %arg4: memref<8000x128xi32, #tpu.memory_space<vmem>>) attributes {dimension_semantics = [#tpu.dimension_semantics<arbitrary>], iteration_bounds = array<i64: 20>, scalar_prefetch = 0 : i64, scratch_operands = 0 : i64, tpu.core_type = #tpu.core_type<tc>, window_params = [{transform_indices = @transform_0, window_bounds = array<i64: 16000, 16>}, {pipeline_mode = #tpu.pipeline_mode<synchronous>, transform_indices = @transform_1, window_bounds = array<i64: 16, 128>}, {pipeline_mode = #tpu.pipeline_mode<synchronous>, transform_indices = @transform_2, window_bounds = array<i64: 1, 128>}, {transform_indices = @transform_3, window_bounds = array<i64: 8000, 128>}]} {
    %get3A = arith.constant 0 : index
    %get3A_0 = arith.constant 0 : index
    %get3A_1 = vector.load %arg1[%get3A, %get3A_0] : memref<16000x16xf32, #tpu.memory_space<vmem>>, vector<16000x16xf32>
    %convert_element_type3A = arith.truncf %get3A_1 : vector<16000x16xf32> to vector<16000x16xbf16>
    %get3A_2 = arith.constant 0 : index
    %get3A_3 = arith.constant 0 : index
    %get3A_4 = vector.load %arg2[%get3A_2, %get3A_3] : memref<16x128xbf16, #tpu.memory_space<vmem>>, vector<16x128xbf16>
    %dot_general3A = arith.constant dense<0.000000e+00> : vector<16000x128xf32>
    %dot_general3A_5 = tpu.matmul %convert_element_type3A, %get3A_4, %dot_general3A {dimension_numbers = #tpu.dot_dimension_numbers<[1], [0], [0], [1], [0, 0, 1, 1], [], []>, transpose_lhs_hint = false} : vector<16000x16xbf16>, vector<16x128xbf16>, vector<16000x128xf32> -> vector<16000x128xf32>
    %get3A_6 = arith.constant 0 : index
    %get3A_7 = arith.constant 0 : index
    %get3A_8 = vector.load %arg3[%get3A_6, %get3A_7] : memref<1x128xf32, #tpu.memory_space<vmem>>, vector<1x128xf32>
    %add3A = vector.broadcast %get3A_8 : vector<1x128xf32> to vector<16000x128xf32>
    %add3A_9 = arith.addf %dot_general3A_5, %add3A : vector<16000x128xf32>
    %convert_element_type3A_10 = arith.truncf %add3A_9 : vector<16000x128xf32> to vector<16000x128xbf16>
    %bitcast3A = tpu.bitcast %convert_element_type3A_10 : vector<16000x128xbf16> -> vector<8000x128xi32>
    %swap3A = arith.constant 0 : index
    %swap3A_11 = arith.constant 0 : index
    %swap3A_12 = vector.load %arg4[%swap3A, %swap3A_11] : memref<8000x128xi32, #tpu.memory_space<vmem>>, vector<8000x128xi32>
    tpu.vector_store %arg4[%swap3A, %swap3A_11], %bitcast3A {strides = array<i32>} : memref<8000x128xi32, #tpu.memory_space<vmem>>, vector<8000x128xi32>,
    return
  }
  func.func @transform_0(%arg0: i32) -> (i32, i32) {
    %c0_i32 = arith.constant 0 : i32
    %c0_i32_0 = arith.constant 0 : i32
    return %arg0, %c0_i32 : i32, i32
  }
  func.func @transform_1(%arg0: i32) -> (i32, i32) {
    %c0_i32 = arith.constant 0 : i32
    %c0_i32_0 = arith.constant 0 : i32
    %c0_i32_1 = arith.constant 0 : i32
    return %c0_i32, %c0_i32_0 : i32, i32
  }
  func.func @transform_2(%arg0: i32) -> (i32, i32) {
    %c0_i32 = arith.constant 0 : i32
    %c0_i32_0 = arith.constant 0 : i32
    %c0_i32_1 = arith.constant 0 : i32
    return %c0_i32, %c0_i32_0 : i32, i32
  }
  func.func @transform_3(%arg0: i32) -> (i32, i32) {
    %c0_i32 = arith.constant 0 : i32
    %c0_i32_0 = arith.constant 0 : i32
    return %arg0, %c0_i32 : i32, i32
  }
}

module attributes {stable_mosaic.version = 14 : i64} {
  func.func @_apply_body(%arg0: i32, %arg1: memref<1000x128xf32, #tpu.memory_space<vmem>>, %arg2: memref<1x1000x128xf32, #tpu.memory_space<vmem>>, %arg3: memref<1x1000x128xf32, #tpu.memory_space<vmem>>, %arg4: memref<128x128xf32, #tpu.memory_space<vmem>>, %arg5: memref<128x128xf32, #tpu.memory_space<vmem>>, %arg6: memref<1x128xf32, #tpu.memory_space<vmem>>, %arg7: memref<1000x128xf32, #tpu.memory_space<vmem>>) attributes {dimension_semantics = [#tpu.dimension_semantics<arbitrary>], iteration_bounds = array<i64: 10>, scalar_prefetch = 0 : i64, scratch_operands = 0 : i64, tpu.core_type = #tpu.core_type<tc>, window_params = [{transform_indices = @transform_0, window_bounds = array<i64: 1000, 128>}, {transform_indices = @transform_1, window_bounds = array<i64: 1, 1000, 128>}, {transform_indices = @transform_2, window_bounds = array<i64: 1, 1000, 128>}, {pipeline_mode = #tpu.pipeline_mode<synchronous>, transform_indices = @transform_3, window_bounds = array<i64: 128, 128>}, {pipeline_mode = #tpu.pipeline_mode<synchronous>, transform_indices = @transform_4, window_bounds = array<i64: 128, 128>}, {pipeline_mode = #tpu.pipeline_mode<synchronous>, transform_indices = @transform_5, window_bounds = array<i64: 1, 128>}, {transform_indices = @transform_6, window_bounds = array<i64: 1000, 128>}]} {
    %get3A = arith.constant 0 : index
    %get3A_0 = arith.constant 0 : index
    %get3A_1 = vector.load %arg1[%get3A, %get3A_0] : memref<1000x128xf32, #tpu.memory_space<vmem>>, vector<1000x128xf32>
    %get3A_2 = arith.constant 0 : index
    %get3A_3 = arith.constant 0 : index
    %get3A_4 = vector.load %arg4[%get3A_2, %get3A_3] : memref<128x128xf32, #tpu.memory_space<vmem>>, vector<128x128xf32>
    %dot_general3A = arith.constant dense<0.000000e+00> : vector<1000x128xf32>
    %dot_general3A_5 = tpu.matmul %get3A_1, %get3A_4, %dot_general3A {dimension_numbers = #tpu.dot_dimension_numbers<[1], [0], [0], [1], [0, 0, 1, 1], [], []>, transpose_lhs_hint = false} : vector<1000x128xf32>, vector<128x128xf32>, vector<1000x128xf32> -> vector<1000x128xf32>
    %get3A_6 = arith.constant 0 : index
    %get3A_7 = arith.constant 0 : index
    %get3A_8 = arith.constant 0 : index
    %get3A_9 = vector.load %arg2[%get3A_6, %get3A_7, %get3A_8] : memref<1x1000x128xf32, #tpu.memory_space<vmem>>, vector<1x1000x128xf32>
    %get3A_10 = vector.shape_cast %get3A_9 : vector<1x1000x128xf32> to vector<1000x128xf32>
    %get3A_11 = arith.constant 0 : index
    %get3A_12 = arith.constant 0 : index
    %get3A_13 = arith.constant 0 : index
    %get3A_14 = vector.load %arg3[%get3A_11, %get3A_12, %get3A_13] : memref<1x1000x128xf32, #tpu.memory_space<vmem>>, vector<1x1000x128xf32>
    %get3A_15 = vector.shape_cast %get3A_14 : vector<1x1000x128xf32> to vector<1000x128xf32>
    %add3A = arith.addf %get3A_10, %get3A_15 : vector<1000x128xf32>
    %get3A_16 = arith.constant 0 : index
    %get3A_17 = arith.constant 0 : index
    %get3A_18 = vector.load %arg5[%get3A_16, %get3A_17] : memref<128x128xf32, #tpu.memory_space<vmem>>, vector<128x128xf32>
    %dot_general3A_19 = arith.constant dense<0.000000e+00> : vector<1000x128xf32>
    %dot_general3A_20 = tpu.matmul %add3A, %get3A_18, %dot_general3A_19 {dimension_numbers = #tpu.dot_dimension_numbers<[1], [0], [0], [1], [0, 0, 1, 1], [], []>, transpose_lhs_hint = false} : vector<1000x128xf32>, vector<128x128xf32>, vector<1000x128xf32> -> vector<1000x128xf32>
    %add3A_21 = arith.addf %dot_general3A_5, %dot_general3A_20 : vector<1000x128xf32>
    %get3A_22 = arith.constant 0 : index
    %get3A_23 = arith.constant 0 : index
    %get3A_24 = vector.load %arg6[%get3A_22, %get3A_23] : memref<1x128xf32, #tpu.memory_space<vmem>>, vector<1x128xf32>
    %add3A_25 = vector.broadcast %get3A_24 : vector<1x128xf32> to vector<1000x128xf32>
    %add3A_26 = arith.addf %add3A_21, %add3A_25 : vector<1000x128xf32>
    %max3A = arith.constant 0.000000e+00 : f32
    %max3A_27 = vector.broadcast %max3A : f32 to vector<1000x128xf32>
    %max3A_28 = arith.maximumf %add3A_26, %max3A_27 : vector<1000x128xf32>
    %swap3A = arith.constant 0 : index
    %swap3A_29 = arith.constant 0 : index
    %swap3A_30 = vector.load %arg7[%swap3A, %swap3A_29] : memref<1000x128xf32, #tpu.memory_space<vmem>>, vector<1000x128xf32>
    tpu.vector_store %arg7[%swap3A, %swap3A_29], %max3A_28 {strides = array<i32>} : memref<1000x128xf32, #tpu.memory_space<vmem>>, vector<1000x128xf32>,
    return
  }
  func.func @transform_0(%arg0: i32) -> (i32, i32) {
    %c0_i32 = arith.constant 0 : i32
    %c0_i32_0 = arith.constant 0 : i32
    return %arg0, %c0_i32 : i32, i32
  }
  func.func @transform_1(%arg0: i32) -> (i32, i32, i32) {
    %c0_i32 = arith.constant 0 : i32
    %c0_i32_0 = arith.constant 0 : i32
    %c0_i32_1 = arith.constant 0 : i32
    return %c0_i32, %arg0, %c0_i32_0 : i32, i32, i32
  }
  func.func @transform_2(%arg0: i32) -> (i32, i32, i32) {
    %c1_i32 = arith.constant 1 : i32
    %c0_i32 = arith.constant 0 : i32
    %c0_i32_0 = arith.constant 0 : i32
    return %c1_i32, %arg0, %c0_i32 : i32, i32, i32
  }
  func.func @transform_3(%arg0: i32) -> (i32, i32) {
    %c0_i32 = arith.constant 0 : i32
    %c0_i32_0 = arith.constant 0 : i32
    %c0_i32_1 = arith.constant 0 : i32
    return %c0_i32, %c0_i32_0 : i32, i32
  }
  func.func @transform_4(%arg0: i32) -> (i32, i32) {
    %c0_i32 = arith.constant 0 : i32
    %c0_i32_0 = arith.constant 0 : i32
    %c0_i32_1 = arith.constant 0 : i32
    return %c0_i32, %c0_i32_0 : i32, i32
  }
  func.func @transform_5(%arg0: i32) -> (i32, i32) {
    %c0_i32 = arith.constant 0 : i32
    %c0_i32_0 = arith.constant 0 : i32
    %c0_i32_1 = arith.constant 0 : i32
    return %c0_i32, %c0_i32_0 : i32, i32
  }
  func.func @transform_6(%arg0: i32) -> (i32, i32) {
    %c0_i32 = arith.constant 0 : i32
    %c0_i32_0 = arith.constant 0 : i32
    return %arg0, %c0_i32 : i32, i32
  }
}

</mosaic_0001>

<sc_bundles>
// kernel: kernel.6.cloned.1.call-start
scs
__scs_entry_jumppad:
0x0: {  	(pc) =	sbr.rel $0x88, $3  }
0x1: {  	(tag) =	ssettag $0x0;
	lr =	simm.s32 $0x1  }
0x2: {  	[smem:$0x3F9A] =	sst lr;
	_ =	strace $0xD0000000  }
0x3: {  	_ = 	snop  }
0x4: {  	_ = 	snop  }
0x5: {  	_ = 	snop  }
0x6: {  	_ = 	snop  }
0x7: {  	_ = 	snop  }
__scs_overlays_trampoline_lowered:
0x8: {  	[smem:$0x3FA9] =	sst s0  }
0x9: {  	[smem:$0x3FAA] =	sst s1  }
0xa: {  	[smem:$0x3FAB] =	sst s2  }
0xb: {  	[smem:$0x3FAC] =	sst s3  }
0xc: {  	[smem:$0x3FAD] =	sst s4  }
0xd: {  	[smem:$0x3FAE] =	sst s5  }
0xe: {  	[smem:$0x3FAF] =	sst s6  }
0xf: {  	[smem:$0x3FB0] =	sst s7  }
0x10: {  	[smem:$0x3FB1] =	sst s8  }
0x11: {  	[smem:$0x3FB2] =	sst s9;
	s0 =	simm.s32 @!p0 $0x0  }
0x12: {  	s1 =	sld [smem:$0x3F98];
	s0 =	simm.s32 @p0 $0x1  }
0x13: {  	[smem:$0x3FB3] =	sst s0;
	s0 =	simm.s32 @!p1 $0x0  }
0x14: {  	s2 =	sld [smem:$0x3F97];
	s0 =	simm.s32 @p1 $0x1  }
0x15: {  	[smem:$0x3FB4] =	sst s0;
	s0 =	simm.s32 @!p2 $0x0  }
0x16: {  	s3 =	sld [smem:$0x3FDB];
	s0 =	simm.s32 @p2 $0x1  }
0x17: {  	s4 =	simm.s32 $0x1BF5;
	[smem:$0x3FB6] =	sst s0  }
0x18: {  	s0 =	sld [smem:$0x3F99];
	_ =	swait.ge [sflag:s4], $0x0  }
0x19: {  	s7 =	sld [smem:$0x3F9A]  }
0x1a: {  	s8 =	sadd.s32 $0xFFFFE003, lr  }
0x1b: {  	s9 =	sadd.s32 $0xFFFFFEF7, lr;
	s5 =	simm.s32 $0xFFFFFFFF;
	p2 =	slt.u32 s8, $0xFFFFF086  }
0x1c: {  	p1 =	slt.u32 s9, $0xF7A;
	s5 =	simm.s32 @!p2 $0x0  }
0x1d: {  	s5 =	simm.s32 @p1 $0x1;
	p0 =	seq.s32 s7, s2  }
0x1e: {  	s7 =	smul.u32 @!p0 $0xF7A, s2;
	p2 =	seq.s32 @!p0 s5, $0x0  }
0x1f: {  	s9 =	smul.u32 $0xF7A, s1;
	s8 =	simm.s32 @!p0 $0x1BF5;
	p2 =	por !p2, p0  }
0x20: {  	[sflag:s8] =	ssyncset.s32 @!p0 $0xFFFFF086;
	s6 =	sadd.s32 @!p0 s3, s7;
	s7 =	simm.s32 @!p0 $0x108  }
0x21: {  	s3 =	sadd.s32 s3, s9;
	s6 =	sadd.s32 @!p0 $0x88, s6;
	s7 =	simm.s32 @p2 $0x1082  }
0x22: {  	[simem:s7], [sflag:s8] =	dma.local @!p0 [hbm:s6], $0xF7A  }
0x23: {  	s9 =	sor.u32 $0xD0000000, s2;
	s6 =	simm.s32 $0x108;
	_ =	swait.ge @!p0 [sflag:s8], $0x0  }
0x24: {  	s3 =	sadd.s32 $0x88, s3;
	s6 =	simm.s32 @!p1 $0x1082;
	[sflag:s4] =	ssyncset.s32 $0xFFFFF086  }
0x25: {  	[simem:s6], [sflag:s4] =	dma.local [hbm:s3], $0xF7A  }
0x26: {  	[smem:$0x3F9A] =	sst s1;
	(tag) =	ssettag s2;
	_ =	strace s9  }
0x27: {  	s1 =	sld [smem:$0x3FAA]  }
0x28: {  	s2 =	sld [smem:$0x3FAB]  }
0x29: {  	s4 =	sld [smem:$0x3FAD]  }
0x2a: {  	p0 =	seq.s32 s5, $0x0;
	s5 =	sld [smem:$0x3FAE]  }
0x2b: {  	s6 =	sld [smem:$0x3FAF]  }
0x2c: {  	s7 =	sld [smem:$0x3FB0]  }
0x2d: {  	s3 =	simm.s32 $0x108;
	s8 =	sld [smem:$0x3FB1]  }
0x2e: {  	s3 =	simm.s32 @!p0 $0x1082;
	s9 =	sld [smem:$0x3FB2]  }
0x2f: {  	lr =	sadd.s32 s0, s3;
	s0 =	sld [smem:$0x3FA9]  }
0x30: {  	s3 =	sld [smem:$0x3FAC]  }
0x31: {  	[smem:$0x3FB5] =	sst s10  }
0x32: {  	s10 =	sld [smem:$0x3FB3];
	_ =	sdelay $0x3  }
0x33: {  	p0 =	seq.s32 s10, $0x1;
	s10 =	sld [smem:$0x3FB5];
	_ =	sdelay $0x3  }
0x34: {  	[smem:$0x3FB5] =	sst s10  }
0x35: {  	s10 =	sld [smem:$0x3FB4];
	_ =	sdelay $0x3  }
0x36: {  	p1 =	seq.s32 s10, $0x1;
	s10 =	sld [smem:$0x3FB5];
	_ =	sdelay $0x3  }
0x37: {  	[smem:$0x3FB5] =	sst s10  }
0x38: {  	s10 =	sld [smem:$0x3FB6]  }
0x39: {  	_ = 	snop;
	(pc) =	sbr.ind lr, $3  }
0x3a: {  	_ = 	snop  }
0x3b: {  	_ = 	snop  }
0x3c: {  	p2 =	seq.s32 s10, $0x1;
	s10 =	sld [smem:$0x3FB5]  }
0x3d: {  	_ =	shalt  }
0x3e: {  	_ =	shalt  }
0x3f: {  	_ =	shalt  }
0x40: {  	_ =	shalt  }
0x41: {  	_ =	shalt  }
0x42: {  	_ =	shalt  }
0x43: {  	_ =	shalt  }
0x44: {  	_ =	shalt  }
0x45: {  	_ =	shalt  }
0x46: {  	_ =	shalt  }
0x47: {  	_ =	shalt  }
0x48: {  	_ =	shalt  }
0x49: {  	_ =	shalt  }
0x4a: {  	_ =	shalt  }
0x4b: {  	_ =	shalt  }
0x4c: {  	_ =	shalt  }
0x4d: {  	_ =	shalt  }
0x4e: {  	_ =	shalt  }
0x4f: {  	_ =	shalt  }
0x50: {  	_ =	shalt  }
0x51: {  	_ =	shalt  }
0x52: {  	_ =	shalt  }
0x53: {  	_ =	shalt  }
0x54: {  	_ =	shalt  }
0x55: {  	_ =	shalt  }
0x56: {  	_ =	shalt  }
0x57: {  	_ =	shalt  }
0x58: {  	_ =	shalt  }
0x59: {  	_ =	shalt  }
0x5a: {  	_ =	shalt  }
0x5b: {  	_ =	shalt  }
0x5c: {  	_ =	shalt  }
0x5d: {  	_ =	shalt  }
0x5e: {  	_ =	shalt  }
0x5f: {  	_ =	shalt  }
0x60: {  	_ =	shalt  }
0x61: {  	_ =	shalt  }
0x62: {  	_ =	shalt  }
0x63: {  	_ =	shalt  }
0x64: {  	_ =	shalt  }
0x65: {  	_ =	shalt  }
0x66: {  	_ =	shalt  }
0x67: {  	_ =	shalt  }
0x68: {  	_ =	shalt  }
0x69: {  	_ =	shalt  }
0x6a: {  	_ =	shalt  }
0x6b: {  	_ =	shalt  }
0x6c: {  	_ =	shalt  }
0x6d: {  	_ =	shalt  }
0x6e: {  	_ =	shalt  }
0x6f: {  	_ =	shalt  }
0x70: {  	_ =	shalt  }
0x71: {  	_ =	shalt  }
0x72: {  	_ =	shalt  }
0x73: {  	_ =	shalt  }
0x74: {  	_ =	shalt  }
0x75: {  	_ =	shalt  }
0x76: {  	_ =	shalt  }
0x77: {  	_ =	shalt  }
0x78: {  	_ =	shalt  }
0x79: {  	_ =	shalt  }
0x7a: {  	_ =	shalt  }
0x7b: {  	_ =	shalt  }
0x7c: {  	_ =	shalt  }
0x7d: {  	_ =	shalt  }
0x7e: {  	_ =	shalt  }
0x7f: {  	_ =	shalt  }
0x80: {  	_ =	shalt  }
0x81: {  	_ =	shalt  }
0x82: {  	_ =	shalt  }
0x83: {  	_ =	shalt  }
0x84: {  	_ =	shalt  }
0x85: {  	_ =	shalt  }
0x86: {  	_ =	shalt  }
0x87: {  	_ =	shalt  }
.Lfunc_end0:
.L_simem_size_0:
called_computation_lowered:
.L_overlay_start_0:
0x88: {  	s2 =	sld [smem:$0x3FD9]  }
0x89: {  	s3 =	sld [smem:$0x3FFE];
	_ =	sdelay $0x1  }
0x8a: {  	s1 =	srdreg.scid  }
0x8b: {  	s0 =	sand.u32 $0x1, s1  }
0x8c: {  	s17 =	sshll.u32 s0, $0xA;
	s2 =	sadd.s32 s3, s2  }
0x8d: {  	s2 =	sadd.s32 s2, s17  }
0x8e: {  	[smem:$0x3FC1] =	sst s2  }
0x8f: {  	_ = 	snop  }
0x90: {  	s2 =	sld [smem:$0x3FD0];
	(tm) =	ssettm $0x1  }
0x91: {  	s18 =	sld [smem:$0x3FFB];
	_ =	sdelay $0x3  }
0x92: {  	_ =	strace s18  }
0x93: {  	s3 =	sld [smem:$0x3FFC];
	_ =	sdelay $0x3  }
0x94: {  	_ =	strace s3  }
0x95: {  	s3 =	sld [smem:$0x3FFD];
	_ =	sdelay $0x3  }
0x96: {  	_ =	strace s3  }
0x97: {  	_ =	strace $0x8FFFFFFF  }
0x98: {  	s19 =	sld [smem:$0x3FDB];
	_ =	sdelay $0x1  }
0x99: {  	s4 =	simm.s32 $_scs_section_size  }
0x9a: {  	s5 =	simm.s32 $_size__tile_overlayer_lowered;
	s6 =	simm.s32 $_tile_overlayer_lowered  }
0x9b: {  	s22 =	simm.s32 $0x1BFF;
	s21 =	sshll.u32 s6, $0x1;
	s3 =	sadd.s32 s4, s19  }
0x9c: {  	s7 =	simm.s32 $0x0;
	s20 =	sshll.u32 s5, $0x1;
	s5 =	sadd.s32 s21, s3  }
0x9d: {  	[timem:s7], [sflag:s22] =	dma.local [hbm:s5], s20  }
0x9e: {  	_ =	swait.ge [sflag:s22], s20  }
0x9f: {  	s4 =	ssub.s32 $0x0, s20;
	[sflag:s22] =	ssyncset.done $0x0  }
0xa0: {  	[sflag:s22] =	ssyncadd.s32 s4;
	_ =	sdelay $0x1  }
0xa1: {  	s23 =	simm.s32 $0x1B8B  }
0xa2: {  	_ =	swait.ge [sflag:s23], $0x1  }
0xa3: {  	[sflag:s23] =	ssyncset.done $0x0  }
0xa4: {  	s25 =	simm.s32 $0x1B8E;
	s24 =	sld [smem:$0x3FFE];
	[sflag:s23] =	ssyncadd.s32 $0xFFFFFFFF  }
0xa5: {  	s26 =	simm.s32 $execute0_lowered;
	[smem:$0x3FD2] =	sst s25  }
0xa6: {  	s5 =	sshll.u32 s26, $0x1;
	_ =	strace $0x80000046;
	[dreg:$0x1] =	wrdreg $0xFFFFFFFF  }
0xa7: {  	s28 =	simm.s32 $_size_execute0_lowered;
	s3 =	sadd.s32 s3, s5;
	[dreg:$0x0] =	wrdreg $0x0  }
0xa8: {  	s5 =	sshll.u32 s28, $0x1;
	[dreg:$0x2] =	wrdreg s3  }
0xa9: {  	[dreg:$0x3] =	wrdreg s5  }
0xaa: {  	[dreg:$0x4] =	wrdreg $0xC0  }
0xab: {  	_ =	task [dreg:s7], $0x5FFFF  }
0xac: {  	[dreg:$0x1] =	wrdreg $0xFFFFFFFF  }
0xad: {  	[dreg:$0x0] =	wrdreg $0x60  }
0xae: {  	[dreg:$0x2] =	wrdreg s2  }
0xaf: {  	[dreg:$0x3] =	wrdreg s24  }
0xb0: {  	[dreg:$0x4] =	wrdreg $0xA2000  }
0xb1: {  	[dreg:$0x5] =	wrdreg $0x9  }
0xb2: {  	_ =	task.clear_ibuf [dreg:s7], $0x6FFFF;
	_ =	strace $0x90000046  }
0xb3: {  	s29 =	simm.s32 $0x9;
	_ =	strace $0x80000048  }
0xb4: {  	_ =	swait.ge [sflag:s29], $0x1  }
0xb5: {  	[sflag:s29] =	ssyncadd.s32 $0xFFFFFFFF  }
0xb6: {  	_ =	strace $0x90000048  }
0xb7: {  	_ =	sfence  }
0xb8: {  	s30 =	sld [smem:$0x0];
	_ =	sdelay $0x2  }
0xb9: {  	s31 =	sshll.u32 s1, $0xD;
	s1 =	sshrl.u32 s1, $0x2  }
0xba: {  	s3 =	sand.u32 $0x4000, s31;
	s1 =	sadd.s32 s1, s30  }
0xbb: {  	s0 =	sor.u32 s3, s0;
	s1 =	sshll.u32 s1, $0x11  }
0xbc: {  	s0 =	sor.u32 s1, s0  }
0xbd: {  	s0 =	sadd.s32 $0x8F2B, s0  }
0xbe: {  	[sflag:s0] =	ssyncadd.remote.s32 $0x1  }
0xbf: {  	_ =	sfence.sel $0xFFFF  }
0xc0: {  	[dreg:$0x0] =	wrdreg $0xFFFFFFFF;
	(pc) =	sbr.abs _section_cstart, $3  }
0xc1: {  	[dreg:$0x1] =	wrdreg $0xFFFFFFFF  }
0xc2: {  	_ =	task.clear_ibuf [dreg:s7], $0x2FFFF;
	_ =	strace $0x9FFFFFFF  }
0xc3: {  	(tm) =	ssettm $0x7FFFFFFF  }
tec
execute0_lowered:
.L_overlay_start_1:
0x0: {  	(tag) =	ssettag $0x1  }
0x1: {  	s2 =	rddreg [dreg:$0x0]  }
0x2: {  	s0 =	rddreg [dreg:$0x1]  }
0x3: {  	s3 =	rddreg [dreg:$0x2]  }
0x4: {  	s13 =	stileid.u32;
	s1 =	srdreg.scid  }
0x5: {  	s5 =	simm.s32 $0x0;
	s18 =	simm.s32 $0x9;
	s28 =	simm.s32 $0x6100  }
0x6: {  	s29 =	simm.s32 $0x6;
	s30 =	simm.s32 $0xA180;
	s4 =	smul.u32 $0x13C00, s13  }
0x7: {  	s31 =	simm.s32 $0x8100;
	s1 =	sand.u32 $0x1, s1;
	s21 =	smul.u32 $0x4F000, s13  }
0x8: {  	s19 =	simm.s32 $0x0;
	[smem:$0x7FF] =	sst s5;
	s6 =	smul.u32 $0xFFFFFF94, s1  }
0x9: {  	s5 =	sadd.s32 $0x4F7600, s0;
	s23 =	sshll.u32 s13, $0x6;
	s7 =	smul.u32 $0x13C000, s1  }
0xa: {  	_ =	strace $0x80000047;
	s8 =	smul.u32 $0xD40, s1;
	s1 =	ssub.s32 $0x2, s1  }
0xb: {  	s9 =	sshrl.u32 s4, $0x3;
	s12 =	sshrl.u32 s1, $0x1;
	s6 =	sadd.s32 $0xD4, s6  }
0xc: {  	s4 =	sadd.s32 s4, s7;
	s7 =	sadd.s32 $0x4E3A00, s0;
	s9 =	sadd.s32 s9, s0  }
0xd: {  	s1 =	ssub.s32 s1, s12;
	s10 =	smul.u32 s13, s6;
	s4 =	sshrl.u32 s4, $0x3  }
0xe: {  	s9 =	sadd.s32 $0x1A00, s9;
	s14 =	sshrl.u32 s6, $0x1;
	s26 =	smax.u32 s1, $0x1  }
0xf: {  	s0 =	sadd.s32 s4, s0;
	s4 =	sshrl.u32 s21, $0x2;
	[dreg:$0x4] =	wrdreg s9  }
0x10: {  	[dreg:$0xa] =	wrdreg s26;
	s8 =	sadd.s32 s8, s10;
	s10 =	sshll.u32 s10, $0x7  }
0x11: {  	s4 =	sadd.s32 s4, s3;
	s0 =	sadd.s32 $0x29200, s0;
	s11 =	sshll.u32 s8, $0x7  }
0x12: {  	s10 =	sand.u32 $0x200, s10;
	s25 =	sshll.u32 s8, $0x9;
	[dreg:$0x9] =	wrdreg s0  }
0x13: {  	s1 =	sshrl.u32 s4, $0x3;
	s11 =	sand.u32 $0x7FFFFC00, s11;
	s9 =	sand.u32 $0x1FFFF800, s25  }
0x14: {  	[dreg:$0xb] =	wrdreg s1;
	s10 =	sor.u32 s10, s11;
	s9 =	sadd.s32 s5, s9  }
0x15: {  	s22 =	sshrl.u32 s10, $0x3;
	s10 =	sor.u32 $0x1C09, s23;
	[dreg:$0x8] =	wrdreg s9  }
0x16: {  	s21 =	simm.s32 $0x40;
	s24 =	sadd.s32 s7, s22;
	[dreg:$0x6] =	wrdreg s10  }
0x17: {  	s26 =	simm.s32 $0xA100;
	[dreg:$0x5] =	wrdreg s24;
	s11 =	sadd.s32 $0x10, s24  }
0x18: {  	s25 =	simm.s32 $0x5;
	s24 =	simm.s32 $0x3;
	[dreg:$0x7] =	wrdreg s11  }
.LBB2_1:
0x19: {  	s0 =	rddreg [dreg:$0x4]  }
0x1a: {  	[spmem:s1], [sflag:s10] =	dma.local [hbm:s0], $0x2780  }
0x1b: {  	_ =	swait.ge [sflag:s18], $0x2780  }
0x1c: {  	[sflag:s18] =	ssyncset.done $0x0  }
0x1d: {  	[sflag:s18] =	ssyncadd.s32 $0xFFFFD880  }
0x1e: {  	[bflag:$0x0] =	sbarrier.arrive $0xFFFF  }
0x1f: {  	s13 =	simm.s32 $0x0;
	s15 =	rddreg [dreg:$0x5]  }
0x20: {  	[tilespmem:s13], [sflag:$0x1] =	stream.linear.gather [hbm4b:s15+s13], $0x80, $0x38;
	[tilespmem:$0x1DE00] =	vst v63  }
0x21: {  	s4 =	simm.s32 $0x80;
	s17 =	simm.s32 $0x1;
	s16 =	rddreg [dreg:$0x7]  }
0x22: {  	[tilespmem:s4], [sflag:$0x2] =	stream.linear.gather [hbm4b:s16+s13], $0x80, $0x38;
	[tilespmem:$0x1DE00] =	vst v63  }
0x23: {  	_ =	swait.ge [sflag:s17], $0x80  }
0x24: {  	[sflag:s17] =	ssyncset.done $0x0  }
0x25: {  	s20 =	simm.s32 $0x100;
	[sflag:s17] =	ssyncadd.s32 $0xFFFFFF80  }
0x26: {  	[tilespmem:s20], [sflag:$0x3] =	stream.indirect.gather [hbm4b:s2+s21], $0x80, s13, s21, $0xb8;
	[tilespmem:$0x1DE00] =	vst v63  }
0x27: {  	s23 =	simm.s32 $0x4100;
	s22 =	rddreg [dreg:$0x8]  }
0x28: {  	[tilespmem:s23], [sflag:$0x5] =	stream.linear.gather [hbm4b:s22+s13], $0x1000, $0x38;
	[tilespmem:$0x1DE00] =	vst v63  }
0x29: {  	s22 =	simm.s32 $0x0  }
.LBB2_2:
0x2a: {  	_ =	swait.ge [sflag:s24], $0x2000;
	s0 =	sshllo.u32 s22, $0x1  }
0x2b: {  	[sflag:s24] =	ssyncset.done $0x0;
	p0 =	sge.s32 s0, s6  }
0x2c: {  	[sflag:s24] =	ssyncadd.s32 $0xFFFFE000;
	s1 =	simm.s32 @!p0 $0x2  }
0x2d: {  	s4 =	simm.s32 @!p0 $0x80;
	s0 =	sadd.s32 @!p0 s8, s0;
	_ =	swait.ge @!p0 [sflag:s1], $0x80  }
0x2e: {  	s9 =	simm.s32 @!p0 $0x2100;
	s0 =	sshll.u32 @!p0 s0, $0x9;
	[sflag:s1] =	ssyncset.done @!p0 $0x0  }
0x2f: {  	s0 =	sand.u32 @!p0 $0x1FFFFE00, s0;
	[sflag:s1] =	ssyncadd.s32 @!p0 $0xFFFFFF80;
	s1 =	simm.s32 @!p0 $0x40  }
0x30: {  	[tilespmem:s9], [sflag:$0x4] =	stream.indirect.gather @!p0 [hbm4b:s2+s1], $0x80, s4, s1, $0xb8;
	[tilespmem:$0x1DE00] =	vst v63  }
0x31: {  	s0 =	sadd.s32 @!p0 s5, s0;
	s1 =	simm.s32 @!p0 $0x0;
	s4 =	simm.s32 @!p0 $0x5100  }
0x32: {  	[tilespmem:s4], [sflag:$0x6] =	stream.linear.gather @!p0 [hbm4b:s0+s1], $0x1000, $0x38;
	[tilespmem:$0x1DE00] =	vst v63  }
0x33: {  	s23 =	sshll.u32 s22, $0x1;
	_ =	swait.ge [sflag:s25], $0x1000  }
0x34: {  	p0 =	slt.s32 s23, $0x2;
	[sflag:s25] =	ssyncset.done $0x0  }
0x35: {  	s0 =	simm.s32 @!p0 $0x7;
	[sflag:s25] =	ssyncadd.s32 $0xFFFFF000  }
0x36: {  	_ =	swait.ge @!p0 [sflag:s0], $0x2000  }
0x37: {  	[sflag:s0] =	ssyncset.done @!p0 $0x0  }
0x38: {  	s20 =	simm.s32 $0x4180;
	[sflag:s0] =	ssyncadd.s32 @!p0 $0xFFFFE000  }
0x39: {  	s12 =	simm.s32 $0x200;
	v0 =	vld [tilespmem:s20+$0x0]  }
0x3a: {  	v1 =	vld [tilespmem:s12+$0x0];
	_ =	sdelay $0x3  }
0x3b: {  	v2 =	vld [tilespmem:s20+$0xFFFFFF80];
	v3 =	vshll.u32 v0, $0x10  }
0x3c: {  	v4 =	vld [tilespmem:s12+$0xFFFFFF00];
	v1 =	vadd.f32 v3, v1;
	_ =	sdelay $0x1  }
0x3d: {  	s9 =	simm.s32 $0x6200;
	v1 =	vmax.f32 v1, $0.0e+00  }
0x3e: {  	[tilespmem:s9+$0x0] =	vst v1  }
0x3f: {  	v1 =	vshll.u32 v2, $0x10;
	v3 =	vld [tilespmem:s12+$0x80]  }
0x40: {  	v1 =	vadd.f32 v1, v4;
	_ =	sdelay $0x1  }
0x41: {  	v1 =	vmax.f32 v1, $0.0e+00  }
0x42: {  	v0 =	vand.u32 $0xFFFF0000, v0;
	[tilespmem:s9+$0xFFFFFF00] =	vst v1  }
0x43: {  	v1 =	vld [tilespmem:s12+$0xFFFFFF80];
	v0 =	vadd.f32 v0, v3;
	_ =	sdelay $0x1  }
0x44: {  	v0 =	vmax.f32 v0, $0.0e+00  }
0x45: {  	[tilespmem:s9+$0x80] =	vst v0  }
0x46: {  	v0 =	vand.u32 $0xFFFF0000, v2;
	v2 =	vld [tilespmem:s20+$0x10]  }
0x47: {  	v0 =	vadd.f32 v0, v1;
	v1 =	vld [tilespmem:s12+$0x10];
	_ =	sdelay $0x1  }
0x48: {  	v0 =	vmax.f32 v0, $0.0e+00  }
0x49: {  	[tilespmem:s9+$0xFFFFFF80] =	vst v0  }
0x4a: {  	v0 =	vld [tilespmem:s20+$0xFFFFFF90];
	v3 =	vshll.u32 v2, $0x10  }
0x4b: {  	v4 =	vld [tilespmem:s12+$0xFFFFFF10];
	v1 =	vadd.f32 v3, v1;
	_ =	sdelay $0x1  }
0x4c: {  	v1 =	vmax.f32 v1, $0.0e+00  }
0x4d: {  	[tilespmem:s9+$0x10] =	vst v1  }
0x4e: {  	v1 =	vshll.u32 v0, $0x10;
	v3 =	vld [tilespmem:s12+$0x90]  }
0x4f: {  	v1 =	vadd.f32 v1, v4;
	_ =	sdelay $0x1  }
0x50: {  	v1 =	vmax.f32 v1, $0.0e+00  }
0x51: {  	[tilespmem:s9+$0xFFFFFF10] =	vst v1;
	v1 =	vand.u32 $0xFFFF0000, v2  }
0x52: {  	v2 =	vld [tilespmem:s12+$0xFFFFFF90];
	v1 =	vadd.f32 v1, v3;
	_ =	sdelay $0x1  }
0x53: {  	v1 =	vmax.f32 v1, $0.0e+00  }
0x54: {  	[tilespmem:s9+$0x90] =	vst v1  }
0x55: {  	v0 =	vand.u32 $0xFFFF0000, v0;
	v1 =	vld [tilespmem:s20+$0x20]  }
0x56: {  	v3 =	vld [tilespmem:s12+$0x20];
	v0 =	vadd.f32 v0, v2;
	_ =	sdelay $0x1  }
0x57: {  	v0 =	vmax.f32 v0, $0.0e+00  }
0x58: {  	[tilespmem:s9+$0xFFFFFF90] =	vst v0  }
0x59: {  	v0 =	vld [tilespmem:s20+$0xFFFFFFA0];
	v2 =	vshll.u32 v1, $0x10  }
0x5a: {  	v4 =	vld [tilespmem:s12+$0xFFFFFF20];
	v2 =	vadd.f32 v2, v3  }
0x5b: {  	s16 =	simm.s32 $0x4280  }
0x5c: {  	s15 =	simm.s32 $0x400;
	v3 =	vld [tilespmem:s16+$0x0];
	v2 =	vmax.f32 v2, $0.0e+00  }
0x5d: {  	v5 =	vld [tilespmem:s15+$0x0];
	[tilespmem:s9+$0x20] =	vst v2  }
0x5e: {  	v2 =	vshll.u32 v0, $0x10;
	v6 =	vld [tilespmem:s12+$0xA0]  }
0x5f: {  	v2 =	vadd.f32 v2, v4;
	_ =	sdelay $0x1  }
0x60: {  	v4 =	vld [tilespmem:s16+$0xFFFFFF80];
	v7 =	vshll.u32 v3, $0x10;
	v2 =	vmax.f32 v2, $0.0e+00  }
0x61: {  	v1 =	vand.u32 $0xFFFF0000, v1;
	v5 =	vadd.f32 v7, v5;
	[tilespmem:s9+$0xFFFFFF20] =	vst v2;
	v2 =	vld [tilespmem:s15+$0xFFFFFF00]  }
0x62: {  	v7 =	vld [tilespmem:s12+$0xFFFFFFA0];
	v1 =	vadd.f32 v1, v6  }
0x63: {  	s13 =	simm.s32 $0x6400;
	v5 =	vmax.f32 v5, $0.0e+00  }
0x64: {  	[tilespmem:s13+$0x0] =	vst v5;
	v1 =	vmax.f32 v1, $0.0e+00  }
0x65: {  	v5 =	vshll.u32 v4, $0x10;
	v6 =	vld [tilespmem:s15+$0x80];
	[tilespmem:s9+$0xA0] =	vst v1  }
0x66: {  	v0 =	vand.u32 $0xFFFF0000, v0;
	v1 =	vadd.f32 v5, v2;
	v2 =	vld [tilespmem:s20+$0x30]  }
0x67: {  	v0 =	vadd.f32 v0, v7;
	v5 =	vld [tilespmem:s12+$0x30]  }
0x68: {  	v1 =	vmax.f32 v1, $0.0e+00  }
0x69: {  	[tilespmem:s13+$0xFFFFFF00] =	vst v1;
	v1 =	vand.u32 $0xFFFF0000, v3;
	v0 =	vmax.f32 v0, $0.0e+00  }
0x6a: {  	v3 =	vld [tilespmem:s15+$0xFFFFFF80];
	v1 =	vadd.f32 v1, v6;
	[tilespmem:s9+$0xFFFFFFA0] =	vst v0  }
0x6b: {  	v0 =	vld [tilespmem:s20+$0xFFFFFFB0];
	v6 =	vshll.u32 v2, $0x10  }
0x6c: {  	v7 =	vld [tilespmem:s12+$0xFFFFFF30];
	v1 =	vmax.f32 v1, $0.0e+00;
	v5 =	vadd.f32 v6, v5  }
0x6d: {  	[tilespmem:s13+$0x80] =	vst v1  }
0x6e: {  	v1 =	vand.u32 $0xFFFF0000, v4;
	v4 =	vld [tilespmem:s16+$0x10];
	v5 =	vmax.f32 v5, $0.0e+00  }
0x6f: {  	v1 =	vadd.f32 v1, v3;
	v3 =	vld [tilespmem:s15+$0x10];
	[tilespmem:s9+$0x30] =	vst v5  }
0x70: {  	v5 =	vshll.u32 v0, $0x10;
	v6 =	vld [tilespmem:s12+$0xB0]  }
0x71: {  	v1 =	vmax.f32 v1, $0.0e+00;
	v5 =	vadd.f32 v5, v7  }
0x72: {  	[tilespmem:s13+$0xFFFFFF80] =	vst v1  }
0x73: {  	v1 =	vld [tilespmem:s16+$0xFFFFFF90];
	v7 =	vshll.u32 v4, $0x10;
	v5 =	vmax.f32 v5, $0.0e+00  }
0x74: {  	v2 =	vand.u32 $0xFFFF0000, v2;
	v8 =	vld [tilespmem:s15+$0xFFFFFF10];
	v3 =	vadd.f32 v7, v3;
	[tilespmem:s9+$0xFFFFFF30] =	vst v5  }
0x75: {  	v5 =	vld [tilespmem:s12+$0xFFFFFFB0];
	v2 =	vadd.f32 v2, v6  }
0x76: {  	v3 =	vmax.f32 v3, $0.0e+00  }
0x77: {  	[tilespmem:s13+$0x10] =	vst v3;
	v2 =	vmax.f32 v2, $0.0e+00  }
0x78: {  	v3 =	vshll.u32 v1, $0x10;
	v6 =	vld [tilespmem:s15+$0x90];
	[tilespmem:s9+$0xB0] =	vst v2  }
0x79: {  	v0 =	vand.u32 $0xFFFF0000, v0;
	v2 =	vadd.f32 v3, v8;
	v3 =	vld [tilespmem:s20+$0x40]  }
0x7a: {  	v0 =	vadd.f32 v0, v5;
	v5 =	vld [tilespmem:s12+$0x40]  }
0x7b: {  	v2 =	vmax.f32 v2, $0.0e+00  }
0x7c: {  	[tilespmem:s13+$0xFFFFFF10] =	vst v2;
	v2 =	vand.u32 $0xFFFF0000, v4;
	v0 =	vmax.f32 v0, $0.0e+00  }
0x7d: {  	v4 =	vld [tilespmem:s15+$0xFFFFFF90];
	v2 =	vadd.f32 v2, v6;
	[tilespmem:s9+$0xFFFFFFB0] =	vst v0  }
0x7e: {  	v0 =	vld [tilespmem:s20+$0xFFFFFFC0];
	v6 =	vshll.u32 v3, $0x10  }
0x7f: {  	v7 =	vld [tilespmem:s12+$0xFFFFFF40];
	v2 =	vmax.f32 v2, $0.0e+00;
	v5 =	vadd.f32 v6, v5  }
0x80: {  	[tilespmem:s13+$0x90] =	vst v2  }
0x81: {  	v1 =	vand.u32 $0xFFFF0000, v1;
	v2 =	vmax.f32 v5, $0.0e+00;
	v5 =	vld [tilespmem:s16+$0x20]  }
0x82: {  	v6 =	vld [tilespmem:s15+$0x20];
	v1 =	vadd.f32 v1, v4;
	[tilespmem:s9+$0x40] =	vst v2  }
0x83: {  	v2 =	vshll.u32 v0, $0x10;
	v4 =	vld [tilespmem:s12+$0xC0]  }
0x84: {  	v1 =	vmax.f32 v1, $0.0e+00;
	v2 =	vadd.f32 v2, v7  }
0x85: {  	[tilespmem:s13+$0xFFFFFF90] =	vst v1  }
0x86: {  	v1 =	vld [tilespmem:s16+$0xFFFFFFA0];
	v2 =	vmax.f32 v2, $0.0e+00;
	v7 =	vshll.u32 v5, $0x10  }
0x87: {  	v3 =	vand.u32 $0xFFFF0000, v3;
	v8 =	vld [tilespmem:s15+$0xFFFFFF20];
	[tilespmem:s9+$0xFFFFFF40] =	vst v2;
	v2 =	vadd.f32 v7, v6  }
0x88: {  	s0 =	simm.s32 $0x4380;
	v6 =	vld [tilespmem:s12+$0xFFFFFFC0];
	v3 =	vadd.f32 v3, v4  }
0x89: {  	s10 =	simm.s32 $0x600;
	v4 =	vld [tilespmem:s0+$0x0];
	v2 =	vmax.f32 v2, $0.0e+00  }
0x8a: {  	v7 =	vld [tilespmem:s10+$0x0];
	[tilespmem:s13+$0x20] =	vst v2;
	v2 =	vmax.f32 v3, $0.0e+00  }
0x8b: {  	v3 =	vshll.u32 v1, $0x10;
	v9 =	vld [tilespmem:s15+$0xA0];
	[tilespmem:s9+$0xC0] =	vst v2  }
0x8c: {  	v0 =	vand.u32 $0xFFFF0000, v0;
	v2 =	vadd.f32 v3, v8;
	v3 =	vld [tilespmem:s20+$0x50]  }
0x8d: {  	v0 =	vadd.f32 v0, v6;
	v6 =	vld [tilespmem:s12+$0x50]  }
0x8e: {  	v8 =	vld [tilespmem:s0+$0xFFFFFF80];
	v2 =	vmax.f32 v2, $0.0e+00;
	v10 =	vshll.u32 v4, $0x10  }
0x8f: {  	v5 =	vand.u32 $0xFFFF0000, v5;
	[tilespmem:s13+$0xFFFFFF20] =	vst v2;
	v0 =	vmax.f32 v0, $0.0e+00;
	v2 =	vld [tilespmem:s10+$0xFFFFFF00];
	v7 =	vadd.f32 v10, v7  }
0x90: {  	[tilespmem:s9+$0xFFFFFFC0] =	vst v0;
	v0 =	vld [tilespmem:s15+$0xFFFFFFA0];
	v5 =	vadd.f32 v5, v9  }
0x91: {  	s4 =	simm.s32 $0x6600;
	v7 =	vmax.f32 v7, $0.0e+00;
	v9 =	vld [tilespmem:s20+$0xFFFFFFD0];
	v10 =	vshll.u32 v3, $0x10  }
0x92: {  	[tilespmem:s4+$0x0] =	vst v7;
	v7 =	vld [tilespmem:s12+$0xFFFFFF50];
	v5 =	vmax.f32 v5, $0.0e+00;
	v6 =	vadd.f32 v10, v6  }
0x93: {  	v10 =	vshll.u32 v8, $0x10;
	v11 =	vld [tilespmem:s10+$0x80];
	[tilespmem:s13+$0xA0] =	vst v5  }
0x94: {  	v1 =	vand.u32 $0xFFFF0000, v1;
	v2 =	vadd.f32 v10, v2;
	v5 =	vld [tilespmem:s16+$0x30];
	v6 =	vmax.f32 v6, $0.0e+00  }
0x95: {  	v0 =	vadd.f32 v1, v0;
	v1 =	vld [tilespmem:s15+$0x30];
	[tilespmem:s9+$0x50] =	vst v6  }
0x96: {  	v2 =	vmax.f32 v2, $0.0e+00;
	v6 =	vshll.u32 v9, $0x10;
	v10 =	vld [tilespmem:s12+$0xD0]  }
0x97: {  	[tilespmem:s4+$0xFFFFFF00] =	vst v2;
	v2 =	vand.u32 $0xFFFF0000, v4;
	v0 =	vmax.f32 v0, $0.0e+00;
	v4 =	vadd.f32 v6, v7  }
0x98: {  	v6 =	vld [tilespmem:s10+$0xFFFFFF80];
	v2 =	vadd.f32 v2, v11;
	[tilespmem:s13+$0xFFFFFFA0] =	vst v0  }
0x99: {  	v0 =	vld [tilespmem:s16+$0xFFFFFFB0];
	v4 =	vmax.f32 v4, $0.0e+00;
	v7 =	vshll.u32 v5, $0x10  }
0x9a: {  	v3 =	vand.u32 $0xFFFF0000, v3;
	v11 =	vld [tilespmem:s15+$0xFFFFFF30];
	v2 =	vmax.f32 v2, $0.0e+00;
	[tilespmem:s9+$0xFFFFFF50] =	vst v4;
	v1 =	vadd.f32 v7, v1  }
0x9b: {  	[tilespmem:s4+$0x80] =	vst v2;
	v2 =	vld [tilespmem:s12+$0xFFFFFFD0];
	v3 =	vadd.f32 v3, v10  }
0x9c: {  	v4 =	vand.u32 $0xFFFF0000, v8;
	v7 =	vld [tilespmem:s0+$0x10];
	v1 =	vmax.f32 v1, $0.0e+00  }
0x9d: {  	v4 =	vadd.f32 v4, v6;
	v6 =	vld [tilespmem:s10+$0x10];
	[tilespmem:s13+$0x30] =	vst v1;
	v1 =	vmax.f32 v3, $0.0e+00  }
0x9e: {  	v3 =	vshll.u32 v0, $0x10;
	v8 =	vld [tilespmem:s15+$0xB0];
	[tilespmem:s9+$0xD0] =	vst v1  }
0x9f: {  	v1 =	vand.u32 $0xFFFF0000, v9;
	v4 =	vmax.f32 v4, $0.0e+00;
	v3 =	vadd.f32 v3, v11;
	v9 =	vld [tilespmem:s20+$0x60]  }
0xa0: {  	[tilespmem:s4+$0xFFFFFF80] =	vst v4;
	v1 =	vadd.f32 v1, v2;
	v2 =	vld [tilespmem:s12+$0x60]  }
0xa1: {  	v4 =	vld [tilespmem:s0+$0xFFFFFF90];
	v10 =	vshll.u32 v7, $0x10;
	v3 =	vmax.f32 v3, $0.0e+00  }
0xa2: {  	v11 =	vld [tilespmem:s10+$0xFFFFFF10];
	v6 =	vadd.f32 v10, v6;
	[tilespmem:s13+$0xFFFFFF30] =	vst v3;
	v3 =	vand.u32 $0xFFFF0000, v5;
	v1 =	vmax.f32 v1, $0.0e+00  }
0xa3: {  	v5 =	vld [tilespmem:s15+$0xFFFFFFB0];
	[tilespmem:s9+$0xFFFFFFD0] =	vst v1;
	v3 =	vadd.f32 v3, v8  }
0xa4: {  	v1 =	vmax.f32 v6, $0.0e+00;
	v6 =	vld [tilespmem:s20+$0xFFFFFFE0];
	v8 =	vshll.u32 v9, $0x10  }
0xa5: {  	[tilespmem:s4+$0x10] =	vst v1;
	v1 =	vmax.f32 v3, $0.0e+00;
	v3 =	vld [tilespmem:s12+$0xFFFFFF60];
	v2 =	vadd.f32 v8, v2  }
0xa6: {  	v8 =	vshll.u32 v4, $0x10;
	v10 =	vld [tilespmem:s10+$0x90];
	[tilespmem:s13+$0xB0] =	vst v1  }
0xa7: {  	v0 =	vand.u32 $0xFFFF0000, v0;
	v1 =	vadd.f32 v8, v11;
	v11 =	vld [tilespmem:s16+$0x40];
	v2 =	vmax.f32 v2, $0.0e+00  }
0xa8: {  	v0 =	vadd.f32 v0, v5;
	v5 =	vld [tilespmem:s15+$0x40];
	[tilespmem:s9+$0x60] =	vst v2  }
0xa9: {  	v1 =	vmax.f32 v1, $0.0e+00;
	v2 =	vshll.u32 v6, $0x10;
	v8 =	vld [tilespmem:s12+$0xE0]  }
0xaa: {  	[tilespmem:s4+$0xFFFFFF10] =	vst v1;
	v1 =	vand.u32 $0xFFFF0000, v7;
	v0 =	vmax.f32 v0, $0.0e+00;
	v2 =	vadd.f32 v2, v3  }
0xab: {  	v3 =	vld [tilespmem:s10+$0xFFFFFF90];
	v1 =	vadd.f32 v1, v10;
	[tilespmem:s13+$0xFFFFFFB0] =	vst v0  }
0xac: {  	v7 =	vld [tilespmem:s16+$0xFFFFFFC0];
	v0 =	vshll.u32 v11, $0x10;
	v2 =	vmax.f32 v2, $0.0e+00  }
0xad: {  	v10 =	vld [tilespmem:s15+$0xFFFFFF40];
	v1 =	vmax.f32 v1, $0.0e+00;
	v0 =	vadd.f32 v0, v5;
	[tilespmem:s9+$0xFFFFFF60] =	vst v2;
	v2 =	vand.u32 $0xFFFF0000, v9  }
0xae: {  	[tilespmem:s4+$0x90] =	vst v1;
	v1 =	vld [tilespmem:s12+$0xFFFFFFE0];
	v2 =	vadd.f32 v2, v8  }
0xaf: {  	v4 =	vand.u32 $0xFFFF0000, v4;
	v12 =	vld [tilespmem:s10+$0x20];
	v0 =	vmax.f32 v0, $0.0e+00  }
0xb0: {  	v5 =	vld [tilespmem:s0+$0x20];
	v3 =	vadd.f32 v4, v3;
	[tilespmem:s13+$0x40] =	vst v0;
	v0 =	vmax.f32 v2, $0.0e+00  }
0xb1: {  	v2 =	vshll.u32 v7, $0x10;
	v13 =	vld [tilespmem:s15+$0xC0];
	[tilespmem:s9+$0xE0] =	vst v0  }
0xb2: {  	v4 =	vand.u32 $0xFFFF0000, v6;
	v3 =	vmax.f32 v3, $0.0e+00;
	v6 =	vadd.f32 v2, v10;
	v0 =	vld [tilespmem:s20+$0x70]  }
0xb3: {  	[tilespmem:s4+$0xFFFFFF90] =	vst v3;
	v2 =	vld [tilespmem:s12+$0x70];
	v1 =	vadd.f32 v4, v1  }
0xb4: {  	v8 =	vld [tilespmem:s0+$0xFFFFFFA0];
	v3 =	vmax.f32 v6, $0.0e+00  }
0xb5: {  	v9 =	vld [tilespmem:s10+$0xFFFFFF20];
	[tilespmem:s13+$0xFFFFFF40] =	vst v3;
	v3 =	vshll.u32 v5, $0x10;
	v1 =	vmax.f32 v1, $0.0e+00  }
0xb6: {  	s11 =	simm.s32 $0x4;
	v4 =	vand.u32 $0xFFFF0000, v7;
	v7 =	vand.u32 $0xFFFF0000, v11;
	v6 =	vld [tilespmem:s15+$0xFFFFFFC0];
	v10 =	vadd.f32 v3, v12;
	[tilespmem:s9+$0xFFFFFFE0] =	vst v1  }
0xb7: {  	s17 =	simm.s32 $0x800;
	s1 =	simm.s32 $0x4380;
	v7 =	vadd.f32 v7, v13;
	v1 =	vld [tilespmem:s20+$0xFFFFFFF0];
	v3 =	vshll.u32 v0, $0x10;
	s20 =	simm.s32 $0x6600  }
.LBB2_3:
0xb8: {  	v11 =	vld [tilespmem:s17+$0x0];
	v10 =	vmax.f32 v10, $0.0e+00;
	s0 =	sadd.s32 $0x100, s0;
	v2 =	vadd.f32 v3, v2  }
0xb9: {  	v3 =	vld [tilespmem:s0+$0x0];
	v12 =	vshll.u32 v8, $0x10;
	v8 =	vand.u32 $0xFFFF0000, v8;
	[tilespmem:s4+$0x20] =	vst v10;
	v7 =	vmax.f32 v7, $0.0e+00  }
0xba: {  	v9 =	vadd.f32 v12, v9;
	v10 =	vld [tilespmem:s10+$0xA0];
	[tilespmem:s13+$0xC0] =	vst v7;
	v2 =	vmax.f32 v2, $0.0e+00  }
0xbb: {  	v4 =	vadd.f32 v4, v6;
	v6 =	vld [tilespmem:s16+$0x50];
	[tilespmem:s9+$0x70] =	vst v2  }
0xbc: {  	v2 =	vmax.f32 v9, $0.0e+00;
	v7 =	vshll.u32 v1, $0x10;
	v1 =	vand.u32 $0xFFFF0000, v1;
	v9 =	vld [tilespmem:s12+$0xF0]  }
0xbd: {  	s11 =	sadd.s32 $0x2, s11;
	[tilespmem:s4+$0xFFFFFF20] =	vst v2;
	v2 =	vmax.f32 v4, $0.0e+00;
	v4 =	vld [tilespmem:s15+$0x50]  }
0xbe: {  	p0 =	slt.u32 s11, $0x1E;
	v12 =	vld [tilespmem:s0+$0xFFFFFF80];
	v13 =	vshll.u32 v3, $0x10;
	[tilespmem:s13+$0xFFFFFFC0] =	vst v2  }
0xbf: {  	v5 =	vand.u32 $0xFFFF0000, v5;
	v2 =	vld [tilespmem:s17+$0xFFFFFF00];
	v11 =	vadd.f32 v13, v11  }
0xc0: {  	v0 =	vand.u32 $0xFFFF0000, v0;
	v5 =	vadd.f32 v5, v10;
	v13 =	vld [tilespmem:s10+$0xFFFFFFA0]  }
0xc1: {  	s4 =	sadd.s32 $0x200, s4;
	v14 =	vshll.u32 v6, $0x10;
	v10 =	vmax.f32 v11, $0.0e+00;
	v11 =	vld [tilespmem:s16+$0xFFFFFFD0];
	v0 =	vadd.f32 v0, v9  }
0xc2: {  	v5 =	vmax.f32 v5, $0.0e+00;
	[tilespmem:s4+$0x0] =	vst v10;
	v9 =	vld [tilespmem:s15+$0xFFFFFF50];
	v4 =	vadd.f32 v14, v4  }
0xc3: {  	v10 =	vshll.u32 v12, $0x10;
	v12 =	vand.u32 $0xFFFF0000, v12;
	v14 =	vld [tilespmem:s17+$0x80];
	[tilespmem:s20+$0xA0] =	vst v5;
	v0 =	vmax.f32 v0, $0.0e+00  }
0xc4: {  	v2 =	vadd.f32 v10, v2;
	v5 =	vld [tilespmem:s1+$0x30];
	v4 =	vmax.f32 v4, $0.0e+00;
	[tilespmem:s9+$0xF0] =	vst v0  }
0xc5: {  	v0 =	vadd.f32 v8, v13;
	v8 =	vld [tilespmem:s10+$0x30];
	[tilespmem:s13+$0x50] =	vst v4  }
0xc6: {  	v2 =	vmax.f32 v2, $0.0e+00;
	v4 =	vshll.u32 v11, $0x10;
	v10 =	vand.u32 $0xFFFF0000, v11;
	v11 =	vld [tilespmem:s15+$0xD0]  }
0xc7: {  	[tilespmem:s4+$0xFFFFFF00] =	vst v2;
	v2 =	vand.u32 $0xFFFF0000, v3;
	v0 =	vmax.f32 v0, $0.0e+00;
	v3 =	vadd.f32 v4, v9;
	v4 =	vld [tilespmem:s12+$0xFFFFFF70]  }
0xc8: {  	v9 =	vld [tilespmem:s17+$0xFFFFFF80];
	v2 =	vadd.f32 v2, v14;
	[tilespmem:s20+$0xFFFFFFA0] =	vst v0  }
0xc9: {  	v0 =	vld [tilespmem:s1+$0xFFFFFFB0];
	v13 =	vshll.u32 v5, $0x10;
	v3 =	vmax.f32 v3, $0.0e+00  }
0xca: {  	v2 =	vmax.f32 v2, $0.0e+00;
	v14 =	vld [tilespmem:s10+$0xFFFFFF30];
	v8 =	vadd.f32 v13, v8;
	[tilespmem:s13+$0xFFFFFF50] =	vst v3;
	v3 =	vand.u32 $0xFFFF0000, v6  }
0xcb: {  	[tilespmem:s4+$0x80] =	vst v2;
	v2 =	vld [tilespmem:s15+$0xFFFFFFD0];
	v3 =	vadd.f32 v3, v11  }
0xcc: {  	v6 =	vld [tilespmem:s0+$0x10];
	v8 =	vmax.f32 v8, $0.0e+00;
	v4 =	vadd.f32 v7, v4  }
0xcd: {  	v7 =	vadd.f32 v12, v9;
	v9 =	vld [tilespmem:s17+$0x10];
	[tilespmem:s20+$0x30] =	vst v8;
	v3 =	vmax.f32 v3, $0.0e+00  }
0xce: {  	v8 =	vshll.u32 v0, $0x10;
	v0 =	vand.u32 $0xFFFF0000, v0;
	v11 =	vld [tilespmem:s10+$0xB0];
	[tilespmem:s13+$0xD0] =	vst v3;
	v3 =	vmax.f32 v4, $0.0e+00  }
0xcf: {  	v4 =	vmax.f32 v7, $0.0e+00;
	v7 =	vadd.f32 v8, v14;
	v8 =	vld [tilespmem:s16+$0x60];
	[tilespmem:s9+$0xFFFFFF70] =	vst v3  }
0xd0: {  	[tilespmem:s4+$0xFFFFFF80] =	vst v4;
	v2 =	vadd.f32 v10, v2;
	v3 =	vld [tilespmem:s15+$0x60]  }
0xd1: {  	v4 =	vld [tilespmem:s0+$0xFFFFFF90];
	v10 =	vshll.u32 v6, $0x10;
	v7 =	vmax.f32 v7, $0.0e+00  }
0xd2: {  	v5 =	vand.u32 $0xFFFF0000, v5;
	v12 =	vld [tilespmem:s17+$0xFFFFFF10];
	v9 =	vadd.f32 v10, v9;
	[tilespmem:s20+$0xFFFFFF30] =	vst v7;
	v2 =	vmax.f32 v2, $0.0e+00  }
0xd3: {  	v7 =	vld [tilespmem:s10+$0xFFFFFFB0];
	v5 =	vadd.f32 v5, v11;
	[tilespmem:s13+$0xFFFFFFD0] =	vst v2  }
0xd4: {  	v2 =	vmax.f32 v9, $0.0e+00;
	v9 =	vld [tilespmem:s16+$0xFFFFFFE0];
	v10 =	vshll.u32 v8, $0x10  }
0xd5: {  	[tilespmem:s4+$0x10] =	vst v2;
	v2 =	vmax.f32 v5, $0.0e+00;
	v5 =	vld [tilespmem:s15+$0xFFFFFF60];
	v3 =	vadd.f32 v10, v3  }
0xd6: {  	v10 =	vshll.u32 v4, $0x10;
	v4 =	vand.u32 $0xFFFF0000, v4;
	v11 =	vld [tilespmem:s17+$0x90];
	[tilespmem:s20+$0xB0] =	vst v2  }
0xd7: {  	v2 =	vadd.f32 v10, v12;
	v12 =	vld [tilespmem:s1+$0x40];
	v3 =	vmax.f32 v3, $0.0e+00  }
0xd8: {  	v0 =	vadd.f32 v0, v7;
	v7 =	vld [tilespmem:s10+$0x40];
	[tilespmem:s13+$0x60] =	vst v3  }
0xd9: {  	v2 =	vmax.f32 v2, $0.0e+00;
	v3 =	vshll.u32 v9, $0x10;
	v9 =	vand.u32 $0xFFFF0000, v9;
	v10 =	vld [tilespmem:s15+$0xE0]  }
0xda: {  	[tilespmem:s4+$0xFFFFFF10] =	vst v2;
	v2 =	vand.u32 $0xFFFF0000, v6;
	v0 =	vmax.f32 v0, $0.0e+00;
	v3 =	vadd.f32 v3, v5;
	v5 =	vld [tilespmem:s12+$0xFFFFFFF0];
	s12 =	smov.u32 s15;
	s15 =	smov.u32 s10;
	s10 =	smov.u32 s17  }
0xdb: {  	v6 =	vld [tilespmem:s17+$0xFFFFFF90];
	v2 =	vadd.f32 v2, v11;
	[tilespmem:s20+$0xFFFFFFB0] =	vst v0  }
0xdc: {  	v0 =	vld [tilespmem:s1+$0xFFFFFFC0];
	v11 =	vshll.u32 v12, $0x10;
	v3 =	vmax.f32 v3, $0.0e+00  }
0xdd: {  	v2 =	vmax.f32 v2, $0.0e+00;
	v13 =	vld [tilespmem:s15+$0xFFFFFF40];
	v7 =	vadd.f32 v11, v7;
	[tilespmem:s13+$0xFFFFFF60] =	vst v3;
	v3 =	vand.u32 $0xFFFF0000, v8  }
0xde: {  	[tilespmem:s4+$0x90] =	vst v2;
	v2 =	vld [tilespmem:s12+$0xFFFFFFE0];
	v3 =	vadd.f32 v3, v10  }
0xdf: {  	v10 =	vld [tilespmem:s17+$0x20];
	v7 =	vmax.f32 v7, $0.0e+00;
	v1 =	vadd.f32 v1, v5  }
0xe0: {  	v6 =	vadd.f32 v4, v6;
	v5 =	vld [tilespmem:s0+$0x20];
	[tilespmem:s20+$0x40] =	vst v7;
	v3 =	vmax.f32 v3, $0.0e+00  }
0xe1: {  	v7 =	vshll.u32 v0, $0x10;
	v4 =	vand.u32 $0xFFFF0000, v0;
	v11 =	vld [tilespmem:s15+$0xC0];
	[tilespmem:s13+$0xE0] =	vst v3;
	v1 =	vmax.f32 v1, $0.0e+00  }
0xe2: {  	v3 =	vmax.f32 v6, $0.0e+00;
	v6 =	vadd.f32 v7, v13;
	v0 =	vld [tilespmem:s16+$0x70];
	[tilespmem:s9+$0xFFFFFFF0] =	vst v1;
	s9 =	smov.u32 s13;
	s13 =	smov.u32 s20;
	s20 =	smov.u32 s4  }
.Ltmp0:
0xe3: {  	[tilespmem:s4+$0xFFFFFF90] =	vst v3;
	v1 =	vadd.f32 v9, v2;
	v2 =	vld [tilespmem:s12+$0x70];
	(pc) =	sbr.rel @p0 .LBB2_3-.Ltmp0, $4  }
0xe4: {  	v8 =	vld [tilespmem:s0+$0xFFFFFFA0];
	v3 =	vmax.f32 v6, $0.0e+00  }
0xe5: {  	v9 =	vld [tilespmem:s17+$0xFFFFFF20];
	v6 =	vshll.u32 v5, $0x10;
	[tilespmem:s13+$0xFFFFFF40] =	vst v3;
	v1 =	vmax.f32 v1, $0.0e+00  }
0xe6: {  	v3 =	vand.u32 $0xFFFF0000, v12;
	v10 =	vadd.f32 v6, v10;
	v6 =	vld [tilespmem:s15+$0xFFFFFFC0];
	[tilespmem:s9+$0xFFFFFFE0] =	vst v1  }
0xe7: {  	s17 =	sadd.s32 $0x200, s17;
	v7 =	vadd.f32 v3, v11;
	v1 =	vld [tilespmem:s16+$0xFFFFFFF0];
	v3 =	vshll.u32 v0, $0x10;
	s16 =	smov.u32 s1;
	s1 =	smov.u32 s0  }
0xe8: {  	_ = 	snop  }
0xe9: {  	v11 =	vshll.u32 v8, $0x10  }
0xea: {  	v10 =	vmax.f32 v10, $0.0e+00;
	v9 =	vadd.f32 v11, v9  }
0xeb: {  	[tilespmem:s4+$0x20] =	vst v10  }
0xec: {  	v10 =	vld [tilespmem:s10+$0xA0];
	v9 =	vmax.f32 v9, $0.0e+00  }
0xed: {  	[tilespmem:s4+$0xFFFFFF20] =	vst v9  }
0xee: {  	v9 =	vld [tilespmem:s10+$0xFFFFFFA0];
	_ =	sdelay $0x1  }
0xef: {  	v5 =	vand.u32 $0xFFFF0000, v5  }
0xf0: {  	v5 =	vadd.f32 v5, v10  }
0xf1: {  	v8 =	vand.u32 $0xFFFF0000, v8  }
0xf2: {  	v5 =	vmax.f32 v5, $0.0e+00;
	v8 =	vadd.f32 v8, v9  }
0xf3: {  	[tilespmem:s20+$0xA0] =	vst v5  }
0xf4: {  	v5 =	vld [tilespmem:s1+$0x30];
	v8 =	vmax.f32 v8, $0.0e+00  }
0xf5: {  	v9 =	vld [tilespmem:s10+$0x30];
	[tilespmem:s20+$0xFFFFFFA0] =	vst v8  }
0xf6: {  	v8 =	vld [tilespmem:s1+$0xFFFFFFB0]  }
0xf7: {  	v10 =	vld [tilespmem:s10+$0xFFFFFF30];
	_ =	sdelay $0x1  }
0xf8: {  	v11 =	vshll.u32 v5, $0x10  }
0xf9: {  	v9 =	vadd.f32 v11, v9  }
0xfa: {  	v11 =	vshll.u32 v8, $0x10  }
0xfb: {  	v9 =	vmax.f32 v9, $0.0e+00;
	v10 =	vadd.f32 v11, v10  }
0xfc: {  	[tilespmem:s20+$0x30] =	vst v9  }
0xfd: {  	v9 =	vld [tilespmem:s10+$0xB0];
	v10 =	vmax.f32 v10, $0.0e+00  }
0xfe: {  	[tilespmem:s20+$0xFFFFFF30] =	vst v10  }
0xff: {  	v10 =	vld [tilespmem:s10+$0xFFFFFFB0];
	_ =	sdelay $0x1  }
0x100: {  	v5 =	vand.u32 $0xFFFF0000, v5  }
0x101: {  	v5 =	vadd.f32 v5, v9  }
0x102: {  	v8 =	vand.u32 $0xFFFF0000, v8  }
0x103: {  	v5 =	vmax.f32 v5, $0.0e+00;
	v8 =	vadd.f32 v8, v10  }
0x104: {  	[tilespmem:s20+$0xB0] =	vst v5  }
0x105: {  	v5 =	vld [tilespmem:s1+$0x40];
	v8 =	vmax.f32 v8, $0.0e+00  }
0x106: {  	v9 =	vld [tilespmem:s10+$0x40];
	[tilespmem:s20+$0xFFFFFFB0] =	vst v8  }
0x107: {  	v8 =	vld [tilespmem:s1+$0xFFFFFFC0]  }
0x108: {  	v10 =	vld [tilespmem:s10+$0xFFFFFF40];
	_ =	sdelay $0x1  }
0x109: {  	v11 =	vshll.u32 v5, $0x10  }
0x10a: {  	v9 =	vadd.f32 v11, v9  }
0x10b: {  	v11 =	vshll.u32 v8, $0x10  }
0x10c: {  	v9 =	vmax.f32 v9, $0.0e+00;
	v10 =	vadd.f32 v11, v10  }
0x10d: {  	[tilespmem:s20+$0x40] =	vst v9  }
0x10e: {  	v9 =	vld [tilespmem:s10+$0xC0];
	v10 =	vmax.f32 v10, $0.0e+00  }
0x10f: {  	[tilespmem:s20+$0xFFFFFF40] =	vst v10  }
0x110: {  	v10 =	vld [tilespmem:s10+$0xFFFFFFC0]  }
0x111: {  	v7 =	vmax.f32 v7, $0.0e+00;
	v4 =	vadd.f32 v4, v6  }
0x112: {  	[tilespmem:s13+$0xC0] =	vst v7;
	v5 =	vand.u32 $0xFFFF0000, v5  }
0x113: {  	v6 =	vld [tilespmem:s16+$0x50];
	v4 =	vmax.f32 v4, $0.0e+00;
	v5 =	vadd.f32 v5, v9  }
0x114: {  	v7 =	vld [tilespmem:s15+$0x50];
	[tilespmem:s13+$0xFFFFFFC0] =	vst v4;
	v4 =	vand.u32 $0xFFFF0000, v8  }
0x115: {  	v8 =	vld [tilespmem:s16+$0xFFFFFFD0];
	v5 =	vmax.f32 v5, $0.0e+00;
	v4 =	vadd.f32 v4, v10  }
0x116: {  	v9 =	vld [tilespmem:s15+$0xFFFFFF50];
	[tilespmem:s20+$0xC0] =	vst v5  }
0x117: {  	v5 =	vld [tilespmem:s1+$0x50];
	v4 =	vmax.f32 v4, $0.0e+00  }
0x118: {  	v10 =	vshll.u32 v6, $0x10;
	v11 =	vld [tilespmem:s10+$0x50];
	[tilespmem:s20+$0xFFFFFFC0] =	vst v4  }
0x119: {  	v4 =	vadd.f32 v10, v7;
	v7 =	vld [tilespmem:s1+$0xFFFFFFD0]  }
0x11a: {  	v10 =	vshll.u32 v8, $0x10;
	v12 =	vld [tilespmem:s10+$0xFFFFFF50]  }
0x11b: {  	v9 =	vadd.f32 v10, v9;
	v4 =	vmax.f32 v4, $0.0e+00  }
0x11c: {  	[tilespmem:s13+$0x50] =	vst v4;
	v4 =	vshll.u32 v5, $0x10  }
0x11d: {  	v9 =	vmax.f32 v9, $0.0e+00;
	v10 =	vld [tilespmem:s15+$0xD0];
	v4 =	vadd.f32 v4, v11  }
0x11e: {  	[tilespmem:s13+$0xFFFFFF50] =	vst v9;
	v9 =	vshll.u32 v7, $0x10  }
0x11f: {  	v11 =	vld [tilespmem:s15+$0xFFFFFFD0];
	v4 =	vmax.f32 v4, $0.0e+00;
	v9 =	vadd.f32 v9, v12  }
0x120: {  	[tilespmem:s20+$0x50] =	vst v4  }
0x121: {  	v4 =	vand.u32 $0xFFFF0000, v6;
	v6 =	vld [tilespmem:s10+$0xD0];
	v9 =	vmax.f32 v9, $0.0e+00  }
0x122: {  	v4 =	vadd.f32 v4, v10;
	[tilespmem:s20+$0xFFFFFF50] =	vst v9  }
0x123: {  	v8 =	vand.u32 $0xFFFF0000, v8;
	v9 =	vld [tilespmem:s10+$0xFFFFFFD0]  }
0x124: {  	v8 =	vadd.f32 v8, v11;
	v4 =	vmax.f32 v4, $0.0e+00  }
0x125: {  	[tilespmem:s13+$0xD0] =	vst v4;
	v4 =	vand.u32 $0xFFFF0000, v5  }
0x126: {  	v8 =	vmax.f32 v8, $0.0e+00;
	v5 =	vld [tilespmem:s16+$0x60];
	v4 =	vadd.f32 v4, v6  }
0x127: {  	v7 =	vand.u32 $0xFFFF0000, v7;
	v6 =	vld [tilespmem:s15+$0x60];
	[tilespmem:s13+$0xFFFFFFD0] =	vst v8  }
0x128: {  	v8 =	vld [tilespmem:s16+$0xFFFFFFE0];
	v4 =	vmax.f32 v4, $0.0e+00;
	v7 =	vadd.f32 v7, v9  }
0x129: {  	v9 =	vld [tilespmem:s15+$0xFFFFFF60];
	[tilespmem:s20+$0xD0] =	vst v4  }
0x12a: {  	v4 =	vld [tilespmem:s1+$0x60];
	v7 =	vmax.f32 v7, $0.0e+00  }
0x12b: {  	v11 =	vld [tilespmem:s10+$0x60];
	v10 =	vshll.u32 v5, $0x10;
	[tilespmem:s20+$0xFFFFFFD0] =	vst v7  }
0x12c: {  	v6 =	vadd.f32 v10, v6;
	v7 =	vld [tilespmem:s1+$0xFFFFFFE0]  }
0x12d: {  	v10 =	vshll.u32 v8, $0x10;
	v61 =	vld [tilespmem:s10+$0xFFFFFF60]  }
0x12e: {  	v6 =	vmax.f32 v6, $0.0e+00;
	v9 =	vadd.f32 v10, v9  }
0x12f: {  	[tilespmem:s13+$0x60] =	vst v6;
	v6 =	vshll.u32 v4, $0x10  }
0x130: {  	v10 =	vld [tilespmem:s15+$0xE0];
	v9 =	vmax.f32 v9, $0.0e+00;
	v6 =	vadd.f32 v6, v11  }
0x131: {  	[tilespmem:s13+$0xFFFFFF60] =	vst v9;
	v9 =	vshll.u32 v7, $0x10  }
0x132: {  	v11 =	vld [tilespmem:s15+$0xFFFFFFE0];
	v6 =	vmax.f32 v6, $0.0e+00;
	v9 =	vadd.f32 v9, v61  }
0x133: {  	[tilespmem:s20+$0x60] =	vst v6  }
0x134: {  	v5 =	vand.u32 $0xFFFF0000, v5;
	v6 =	vld [tilespmem:s10+$0xE0];
	v9 =	vmax.f32 v9, $0.0e+00  }
0x135: {  	v5 =	vadd.f32 v5, v10;
	[tilespmem:s20+$0xFFFFFF60] =	vst v9  }
0x136: {  	v8 =	vand.u32 $0xFFFF0000, v8;
	v9 =	vld [tilespmem:s10+$0xFFFFFFE0]  }
0x137: {  	v5 =	vmax.f32 v5, $0.0e+00;
	v8 =	vadd.f32 v8, v11  }
0x138: {  	v4 =	vand.u32 $0xFFFF0000, v4;
	v10 =	vld [tilespmem:s12+$0xFFFFFF70];
	[tilespmem:s13+$0xE0] =	vst v5  }
0x139: {  	v5 =	vld [tilespmem:s16+$0x70];
	v8 =	vmax.f32 v8, $0.0e+00;
	v4 =	vadd.f32 v4, v6  }
0x13a: {  	v7 =	vand.u32 $0xFFFF0000, v7;
	v6 =	vld [tilespmem:s15+$0x70];
	[tilespmem:s13+$0xFFFFFFE0] =	vst v8  }
0x13b: {  	v8 =	vld [tilespmem:s16+$0xFFFFFFF0];
	v4 =	vmax.f32 v4, $0.0e+00;
	v7 =	vadd.f32 v7, v9  }
0x13c: {  	v9 =	vld [tilespmem:s15+$0xFFFFFF70];
	[tilespmem:s20+$0xE0] =	vst v4  }
0x13d: {  	v4 =	vld [tilespmem:s1+$0x70];
	v7 =	vmax.f32 v7, $0.0e+00  }
0x13e: {  	v11 =	vld [tilespmem:s10+$0x70];
	[tilespmem:s20+$0xFFFFFFE0] =	vst v7  }
0x13f: {  	v7 =	vld [tilespmem:s1+$0xFFFFFFF0]  }
0x140: {  	v2 =	vadd.f32 v3, v2;
	v3 =	vshll.u32 v1, $0x10;
	v62 =	vld [tilespmem:s10+$0xFFFFFF70]  }
0x141: {  	v3 =	vadd.f32 v3, v10;
	v10 =	vshll.u32 v5, $0x10  }
0x142: {  	v2 =	vmax.f32 v2, $0.0e+00;
	v6 =	vadd.f32 v10, v6;
	v10 =	vshll.u32 v8, $0x10  }
0x143: {  	[tilespmem:s9+$0x70] =	vst v2;
	v2 =	vmax.f32 v3, $0.0e+00;
	v3 =	vadd.f32 v10, v9;
	v9 =	vshll.u32 v4, $0x10  }
0x144: {  	[tilespmem:s9+$0xFFFFFF70] =	vst v2;
	v2 =	vld [tilespmem:s12+$0xF0];
	v6 =	vmax.f32 v6, $0.0e+00;
	v9 =	vadd.f32 v9, v11;
	v10 =	vshll.u32 v7, $0x10  }
0x145: {  	[tilespmem:s13+$0x70] =	vst v6;
	v6 =	vld [tilespmem:s12+$0xFFFFFFF0];
	v3 =	vmax.f32 v3, $0.0e+00;
	v10 =	vadd.f32 v10, v62  }
0x146: {  	v11 =	vld [tilespmem:s15+$0xF0];
	[tilespmem:s13+$0xFFFFFF70] =	vst v3;
	v3 =	vmax.f32 v9, $0.0e+00  }
0x147: {  	v9 =	vld [tilespmem:s15+$0xFFFFFFF0];
	[tilespmem:s20+$0x70] =	vst v3;
	v3 =	vmax.f32 v10, $0.0e+00  }
0x148: {  	v0 =	vand.u32 $0xFFFF0000, v0;
	v10 =	vld [tilespmem:s10+$0xF0];
	[tilespmem:s20+$0xFFFFFF70] =	vst v3  }
0x149: {  	v1 =	vand.u32 $0xFFFF0000, v1;
	v0 =	vadd.f32 v0, v2;
	v2 =	vld [tilespmem:s10+$0xFFFFFFF0]  }
0x14a: {  	v1 =	vadd.f32 v1, v6;
	v3 =	vand.u32 $0xFFFF0000, v5  }
0x14b: {  	v0 =	vmax.f32 v0, $0.0e+00;
	v5 =	vand.u32 $0xFFFF0000, v8;
	v3 =	vadd.f32 v3, v11  }
0x14c: {  	v4 =	vand.u32 $0xFFFF0000, v4;
	[tilespmem:s9+$0xF0] =	vst v0;
	v0 =	vmax.f32 v1, $0.0e+00;
	v1 =	vadd.f32 v5, v9  }
0x14d: {  	[tilespmem:s9+$0xFFFFFFF0] =	vst v0;
	v0 =	vmax.f32 v3, $0.0e+00;
	v3 =	vand.u32 $0xFFFF0000, v7;
	v4 =	vadd.f32 v4, v10  }
0x14e: {  	[tilespmem:s13+$0xF0] =	vst v0;
	v0 =	vmax.f32 v1, $0.0e+00;
	v1 =	vadd.f32 v3, v2  }
0x14f: {  	[tilespmem:s13+$0xFFFFFFF0] =	vst v0;
	v0 =	vmax.f32 v4, $0.0e+00  }
0x150: {  	[tilespmem:s20+$0xF0] =	vst v0;
	v0 =	vmax.f32 v1, $0.0e+00  }
0x151: {  	[tilespmem:s20+$0xFFFFFFF0] =	vst v0  }
0x152: {  	v0 =	vld [tilespmem:$0x40]  }
0x153: {  	v1 =	vld [tilespmem:$0x50]  }
0x154: {  	v2 =	vld [tilespmem:$0x60]  }
0x155: {  	v3 =	vld [tilespmem:$0x70];
	_ =	sdelay $0x1  }
0x156: {  	[tilespmem:$0xA100] =	vst v0  }
0x157: {  	s0 =	sadd.s32 $0x2, s23;
	[tilespmem:$0xA110] =	vst v1  }
0x158: {  	p0 =	sge.s32 s0, s6;
	[tilespmem:$0xA120] =	vst v2  }
0x159: {  	s0 =	sadd.s32 @!p0 s8, s0;
	s1 =	simm.s32 @p0 $0x4;
	[tilespmem:$0xA130] =	vst v3  }
0x15a: {  	[spmem:s3] =	stream.indirect.scatter.add.f32 [tilespmem:s28], [sflag:$0x7], $0x80, s26, s21, $0xb8;
	[tilespmem:$0x1DE00] =	vst v63  }
0x15b: {  	s4 =	sshll.u32 @!p0 s0, $0x4;
	_ =	swait.ge @p0 [sflag:s1], $0x2000  }
0x15c: {  	s4 =	sand.u32 @!p0 $0x1FFFFFE0, s4;
	[sflag:s1] =	ssyncset.done @p0 $0x0  }
0x15d: {  	[sflag:s1] =	ssyncadd.s32 @p0 $0xFFFFE000;
	s1 =	sadd.s32 @!p0 s7, s4;
	s4 =	simm.s32 @!p0 $0x0  }
0x15e: {  	[tilespmem:s4], [sflag:$0x1] =	stream.linear.gather @!p0 [hbm4b:s1+s4], $0x80, $0x38;
	[tilespmem:$0x1DE00] =	vst v63  }
0x15f: {  	s1 =	simm.s32 @!p0 $0x4  }
0x160: {  	_ =	swait.ge @!p0 [sflag:s1], $0x2000  }
0x161: {  	[sflag:s1] =	ssyncset.done @!p0 $0x0  }
0x162: {  	[sflag:s1] =	ssyncadd.s32 @!p0 $0xFFFFE000;
	s1 =	simm.s32 @!p0 $0x1  }
0x163: {  	s0 =	sshll.u32 @!p0 s0, $0x9;
	_ =	swait.ge @!p0 [sflag:s1], $0x80  }
0x164: {  	s0 =	sand.u32 @!p0 $0x1FFFFE00, s0;
	[sflag:s1] =	ssyncset.done @!p0 $0x0  }
0x165: {  	s9 =	simm.s32 @!p0 $0x100;
	[sflag:s1] =	ssyncadd.s32 @!p0 $0xFFFFFF80;
	s1 =	simm.s32 @!p0 $0x40  }
0x166: {  	[tilespmem:s9], [sflag:$0x3] =	stream.indirect.gather @!p0 [hbm4b:s2+s1], $0x80, s4, s1, $0xb8;
	[tilespmem:$0x1DE00] =	vst v63  }
0x167: {  	s0 =	sadd.s32 @!p0 s5, s0;
	s1 =	simm.s32 @!p0 $0x4100  }
0x168: {  	[tilespmem:s1], [sflag:$0x5] =	stream.linear.gather @!p0 [hbm4b:s0+s4], $0x1000, $0x38;
	[tilespmem:$0x1DE00] =	vst v63  }
0x169: {  	_ =	swait.ge [sflag:s29], $0x1000  }
0x16a: {  	p0 =	slt.s32 s23, $0x1;
	[sflag:s29] =	ssyncset.done $0x0  }
0x16b: {  	s0 =	simm.s32 @!p0 $0x8;
	[sflag:s29] =	ssyncadd.s32 $0xFFFFF000  }
0x16c: {  	_ =	swait.ge @!p0 [sflag:s0], $0x2000  }
0x16d: {  	[sflag:s0] =	ssyncset.done @!p0 $0x0  }
0x16e: {  	s20 =	simm.s32 $0x5180;
	[sflag:s0] =	ssyncadd.s32 @!p0 $0xFFFFE000  }
0x16f: {  	s12 =	simm.s32 $0x2200;
	v0 =	vld [tilespmem:s20+$0x0]  }
0x170: {  	v1 =	vld [tilespmem:s12+$0x0];
	_ =	sdelay $0x3  }
0x171: {  	v2 =	vld [tilespmem:s20+$0xFFFFFF80];
	v3 =	vshll.u32 v0, $0x10  }
0x172: {  	v4 =	vld [tilespmem:s12+$0xFFFFFF00];
	v1 =	vadd.f32 v3, v1;
	_ =	sdelay $0x1  }
0x173: {  	s9 =	simm.s32 $0x8200;
	v1 =	vmax.f32 v1, $0.0e+00  }
0x174: {  	[tilespmem:s9+$0x0] =	vst v1  }
0x175: {  	v1 =	vshll.u32 v2, $0x10;
	v3 =	vld [tilespmem:s12+$0x80]  }
0x176: {  	v1 =	vadd.f32 v1, v4;
	_ =	sdelay $0x1  }
0x177: {  	v1 =	vmax.f32 v1, $0.0e+00  }
0x178: {  	v0 =	vand.u32 $0xFFFF0000, v0;
	[tilespmem:s9+$0xFFFFFF00] =	vst v1  }
0x179: {  	v1 =	vld [tilespmem:s12+$0xFFFFFF80];
	v0 =	vadd.f32 v0, v3;
	_ =	sdelay $0x1  }
0x17a: {  	v0 =	vmax.f32 v0, $0.0e+00  }
0x17b: {  	[tilespmem:s9+$0x80] =	vst v0  }
0x17c: {  	v0 =	vand.u32 $0xFFFF0000, v2;
	v2 =	vld [tilespmem:s20+$0x10]  }
0x17d: {  	v0 =	vadd.f32 v0, v1;
	v1 =	vld [tilespmem:s12+$0x10];
	_ =	sdelay $0x1  }
0x17e: {  	v0 =	vmax.f32 v0, $0.0e+00  }
0x17f: {  	[tilespmem:s9+$0xFFFFFF80] =	vst v0  }
0x180: {  	v0 =	vld [tilespmem:s20+$0xFFFFFF90];
	v3 =	vshll.u32 v2, $0x10  }
0x181: {  	v4 =	vld [tilespmem:s12+$0xFFFFFF10];
	v1 =	vadd.f32 v3, v1;
	_ =	sdelay $0x1  }
0x182: {  	v1 =	vmax.f32 v1, $0.0e+00  }
0x183: {  	[tilespmem:s9+$0x10] =	vst v1  }
0x184: {  	v1 =	vshll.u32 v0, $0x10;
	v3 =	vld [tilespmem:s12+$0x90]  }
0x185: {  	v1 =	vadd.f32 v1, v4;
	_ =	sdelay $0x1  }
0x186: {  	v1 =	vmax.f32 v1, $0.0e+00  }
0x187: {  	[tilespmem:s9+$0xFFFFFF10] =	vst v1;
	v1 =	vand.u32 $0xFFFF0000, v2  }
0x188: {  	v2 =	vld [tilespmem:s12+$0xFFFFFF90];
	v1 =	vadd.f32 v1, v3;
	_ =	sdelay $0x1  }
0x189: {  	v1 =	vmax.f32 v1, $0.0e+00  }
0x18a: {  	[tilespmem:s9+$0x90] =	vst v1  }
0x18b: {  	v0 =	vand.u32 $0xFFFF0000, v0;
	v1 =	vld [tilespmem:s20+$0x20]  }
0x18c: {  	v3 =	vld [tilespmem:s12+$0x20];
	v0 =	vadd.f32 v0, v2;
	_ =	sdelay $0x1  }
0x18d: {  	v0 =	vmax.f32 v0, $0.0e+00  }
0x18e: {  	[tilespmem:s9+$0xFFFFFF90] =	vst v0  }
0x18f: {  	v0 =	vld [tilespmem:s20+$0xFFFFFFA0];
	v2 =	vshll.u32 v1, $0x10  }
0x190: {  	v4 =	vld [tilespmem:s12+$0xFFFFFF20];
	v2 =	vadd.f32 v2, v3  }
0x191: {  	s16 =	simm.s32 $0x5280  }
0x192: {  	s15 =	simm.s32 $0x2400;
	v3 =	vld [tilespmem:s16+$0x0];
	v2 =	vmax.f32 v2, $0.0e+00  }
0x193: {  	v5 =	vld [tilespmem:s15+$0x0];
	[tilespmem:s9+$0x20] =	vst v2  }
0x194: {  	v2 =	vshll.u32 v0, $0x10;
	v6 =	vld [tilespmem:s12+$0xA0]  }
0x195: {  	v2 =	vadd.f32 v2, v4;
	_ =	sdelay $0x1  }
0x196: {  	v4 =	vld [tilespmem:s16+$0xFFFFFF80];
	v7 =	vshll.u32 v3, $0x10;
	v2 =	vmax.f32 v2, $0.0e+00  }
0x197: {  	v1 =	vand.u32 $0xFFFF0000, v1;
	v5 =	vadd.f32 v7, v5;
	[tilespmem:s9+$0xFFFFFF20] =	vst v2;
	v2 =	vld [tilespmem:s15+$0xFFFFFF00]  }
0x198: {  	v7 =	vld [tilespmem:s12+$0xFFFFFFA0];
	v1 =	vadd.f32 v1, v6  }
0x199: {  	s13 =	simm.s32 $0x8400;
	v5 =	vmax.f32 v5, $0.0e+00  }
0x19a: {  	[tilespmem:s13+$0x0] =	vst v5;
	v1 =	vmax.f32 v1, $0.0e+00  }
0x19b: {  	v5 =	vshll.u32 v4, $0x10;
	v6 =	vld [tilespmem:s15+$0x80];
	[tilespmem:s9+$0xA0] =	vst v1  }
0x19c: {  	v0 =	vand.u32 $0xFFFF0000, v0;
	v1 =	vadd.f32 v5, v2;
	v2 =	vld [tilespmem:s20+$0x30]  }
0x19d: {  	v0 =	vadd.f32 v0, v7;
	v5 =	vld [tilespmem:s12+$0x30]  }
0x19e: {  	v1 =	vmax.f32 v1, $0.0e+00  }
0x19f: {  	[tilespmem:s13+$0xFFFFFF00] =	vst v1;
	v1 =	vand.u32 $0xFFFF0000, v3;
	v0 =	vmax.f32 v0, $0.0e+00  }
0x1a0: {  	v3 =	vld [tilespmem:s15+$0xFFFFFF80];
	v1 =	vadd.f32 v1, v6;
	[tilespmem:s9+$0xFFFFFFA0] =	vst v0  }
0x1a1: {  	v0 =	vld [tilespmem:s20+$0xFFFFFFB0];
	v6 =	vshll.u32 v2, $0x10  }
0x1a2: {  	v7 =	vld [tilespmem:s12+$0xFFFFFF30];
	v1 =	vmax.f32 v1, $0.0e+00;
	v5 =	vadd.f32 v6, v5  }
0x1a3: {  	[tilespmem:s13+$0x80] =	vst v1  }
0x1a4: {  	v1 =	vand.u32 $0xFFFF0000, v4;
	v4 =	vld [tilespmem:s16+$0x10];
	v5 =	vmax.f32 v5, $0.0e+00  }
0x1a5: {  	v1 =	vadd.f32 v1, v3;
	v3 =	vld [tilespmem:s15+$0x10];
	[tilespmem:s9+$0x30] =	vst v5  }
0x1a6: {  	v5 =	vshll.u32 v0, $0x10;
	v6 =	vld [tilespmem:s12+$0xB0]  }
0x1a7: {  	v1 =	vmax.f32 v1, $0.0e+00;
	v5 =	vadd.f32 v5, v7  }
0x1a8: {  	[tilespmem:s13+$0xFFFFFF80] =	vst v1  }
0x1a9: {  	v1 =	vld [tilespmem:s16+$0xFFFFFF90];
	v7 =	vshll.u32 v4, $0x10;
	v5 =	vmax.f32 v5, $0.0e+00  }
0x1aa: {  	v2 =	vand.u32 $0xFFFF0000, v2;
	v8 =	vld [tilespmem:s15+$0xFFFFFF10];
	v3 =	vadd.f32 v7, v3;
	[tilespmem:s9+$0xFFFFFF30] =	vst v5  }
0x1ab: {  	v5 =	vld [tilespmem:s12+$0xFFFFFFB0];
	v2 =	vadd.f32 v2, v6  }
0x1ac: {  	v3 =	vmax.f32 v3, $0.0e+00  }
0x1ad: {  	[tilespmem:s13+$0x10] =	vst v3;
	v2 =	vmax.f32 v2, $0.0e+00  }
0x1ae: {  	v3 =	vshll.u32 v1, $0x10;
	v6 =	vld [tilespmem:s15+$0x90];
	[tilespmem:s9+$0xB0] =	vst v2  }
0x1af: {  	v0 =	vand.u32 $0xFFFF0000, v0;
	v2 =	vadd.f32 v3, v8;
	v3 =	vld [tilespmem:s20+$0x40]  }
0x1b0: {  	v0 =	vadd.f32 v0, v5;
	v5 =	vld [tilespmem:s12+$0x40]  }
0x1b1: {  	v2 =	vmax.f32 v2, $0.0e+00  }
0x1b2: {  	[tilespmem:s13+$0xFFFFFF10] =	vst v2;
	v2 =	vand.u32 $0xFFFF0000, v4;
	v0 =	vmax.f32 v0, $0.0e+00  }
0x1b3: {  	v4 =	vld [tilespmem:s15+$0xFFFFFF90];
	v2 =	vadd.f32 v2, v6;
	[tilespmem:s9+$0xFFFFFFB0] =	vst v0  }
0x1b4: {  	v0 =	vld [tilespmem:s20+$0xFFFFFFC0];
	v6 =	vshll.u32 v3, $0x10  }
0x1b5: {  	v7 =	vld [tilespmem:s12+$0xFFFFFF40];
	v2 =	vmax.f32 v2, $0.0e+00;
	v5 =	vadd.f32 v6, v5  }
0x1b6: {  	[tilespmem:s13+$0x90] =	vst v2  }
0x1b7: {  	v1 =	vand.u32 $0xFFFF0000, v1;
	v2 =	vmax.f32 v5, $0.0e+00;
	v5 =	vld [tilespmem:s16+$0x20]  }
0x1b8: {  	v6 =	vld [tilespmem:s15+$0x20];
	v1 =	vadd.f32 v1, v4;
	[tilespmem:s9+$0x40] =	vst v2  }
0x1b9: {  	v2 =	vshll.u32 v0, $0x10;
	v4 =	vld [tilespmem:s12+$0xC0]  }
0x1ba: {  	v1 =	vmax.f32 v1, $0.0e+00;
	v2 =	vadd.f32 v2, v7  }
0x1bb: {  	[tilespmem:s13+$0xFFFFFF90] =	vst v1  }
0x1bc: {  	v1 =	vld [tilespmem:s16+$0xFFFFFFA0];
	v2 =	vmax.f32 v2, $0.0e+00;
	v7 =	vshll.u32 v5, $0x10  }
0x1bd: {  	v3 =	vand.u32 $0xFFFF0000, v3;
	v8 =	vld [tilespmem:s15+$0xFFFFFF20];
	[tilespmem:s9+$0xFFFFFF40] =	vst v2;
	v2 =	vadd.f32 v7, v6  }
0x1be: {  	s0 =	simm.s32 $0x5380;
	v6 =	vld [tilespmem:s12+$0xFFFFFFC0];
	v3 =	vadd.f32 v3, v4  }
0x1bf: {  	s10 =	simm.s32 $0x2600;
	v4 =	vld [tilespmem:s0+$0x0];
	v2 =	vmax.f32 v2, $0.0e+00  }
0x1c0: {  	v7 =	vld [tilespmem:s10+$0x0];
	[tilespmem:s13+$0x20] =	vst v2;
	v2 =	vmax.f32 v3, $0.0e+00  }
0x1c1: {  	v3 =	vshll.u32 v1, $0x10;
	v9 =	vld [tilespmem:s15+$0xA0];
	[tilespmem:s9+$0xC0] =	vst v2  }
0x1c2: {  	v0 =	vand.u32 $0xFFFF0000, v0;
	v2 =	vadd.f32 v3, v8;
	v3 =	vld [tilespmem:s20+$0x50]  }
0x1c3: {  	v0 =	vadd.f32 v0, v6;
	v6 =	vld [tilespmem:s12+$0x50]  }
0x1c4: {  	v8 =	vld [tilespmem:s0+$0xFFFFFF80];
	v2 =	vmax.f32 v2, $0.0e+00;
	v10 =	vshll.u32 v4, $0x10  }
0x1c5: {  	v5 =	vand.u32 $0xFFFF0000, v5;
	[tilespmem:s13+$0xFFFFFF20] =	vst v2;
	v0 =	vmax.f32 v0, $0.0e+00;
	v2 =	vld [tilespmem:s10+$0xFFFFFF00];
	v7 =	vadd.f32 v10, v7  }
0x1c6: {  	[tilespmem:s9+$0xFFFFFFC0] =	vst v0;
	v0 =	vld [tilespmem:s15+$0xFFFFFFA0];
	v5 =	vadd.f32 v5, v9  }
0x1c7: {  	s4 =	simm.s32 $0x8600;
	v7 =	vmax.f32 v7, $0.0e+00;
	v9 =	vld [tilespmem:s20+$0xFFFFFFD0];
	v10 =	vshll.u32 v3, $0x10  }
0x1c8: {  	[tilespmem:s4+$0x0] =	vst v7;
	v7 =	vld [tilespmem:s12+$0xFFFFFF50];
	v5 =	vmax.f32 v5, $0.0e+00;
	v6 =	vadd.f32 v10, v6  }
0x1c9: {  	v10 =	vshll.u32 v8, $0x10;
	v11 =	vld [tilespmem:s10+$0x80];
	[tilespmem:s13+$0xA0] =	vst v5  }
0x1ca: {  	v1 =	vand.u32 $0xFFFF0000, v1;
	v2 =	vadd.f32 v10, v2;
	v5 =	vld [tilespmem:s16+$0x30];
	v6 =	vmax.f32 v6, $0.0e+00  }
0x1cb: {  	v0 =	vadd.f32 v1, v0;
	v1 =	vld [tilespmem:s15+$0x30];
	[tilespmem:s9+$0x50] =	vst v6  }
0x1cc: {  	v2 =	vmax.f32 v2, $0.0e+00;
	v6 =	vshll.u32 v9, $0x10;
	v10 =	vld [tilespmem:s12+$0xD0]  }
0x1cd: {  	[tilespmem:s4+$0xFFFFFF00] =	vst v2;
	v2 =	vand.u32 $0xFFFF0000, v4;
	v0 =	vmax.f32 v0, $0.0e+00;
	v4 =	vadd.f32 v6, v7  }
0x1ce: {  	v6 =	vld [tilespmem:s10+$0xFFFFFF80];
	v2 =	vadd.f32 v2, v11;
	[tilespmem:s13+$0xFFFFFFA0] =	vst v0  }
0x1cf: {  	v0 =	vld [tilespmem:s16+$0xFFFFFFB0];
	v4 =	vmax.f32 v4, $0.0e+00;
	v7 =	vshll.u32 v5, $0x10  }
0x1d0: {  	v3 =	vand.u32 $0xFFFF0000, v3;
	v11 =	vld [tilespmem:s15+$0xFFFFFF30];
	v2 =	vmax.f32 v2, $0.0e+00;
	[tilespmem:s9+$0xFFFFFF50] =	vst v4;
	v1 =	vadd.f32 v7, v1  }
0x1d1: {  	[tilespmem:s4+$0x80] =	vst v2;
	v2 =	vld [tilespmem:s12+$0xFFFFFFD0];
	v3 =	vadd.f32 v3, v10  }
0x1d2: {  	v4 =	vand.u32 $0xFFFF0000, v8;
	v7 =	vld [tilespmem:s0+$0x10];
	v1 =	vmax.f32 v1, $0.0e+00  }
0x1d3: {  	v4 =	vadd.f32 v4, v6;
	v6 =	vld [tilespmem:s10+$0x10];
	[tilespmem:s13+$0x30] =	vst v1;
	v1 =	vmax.f32 v3, $0.0e+00  }
0x1d4: {  	v3 =	vshll.u32 v0, $0x10;
	v8 =	vld [tilespmem:s15+$0xB0];
	[tilespmem:s9+$0xD0] =	vst v1  }
0x1d5: {  	v1 =	vand.u32 $0xFFFF0000, v9;
	v4 =	vmax.f32 v4, $0.0e+00;
	v3 =	vadd.f32 v3, v11;
	v9 =	vld [tilespmem:s20+$0x60]  }
0x1d6: {  	[tilespmem:s4+$0xFFFFFF80] =	vst v4;
	v1 =	vadd.f32 v1, v2;
	v2 =	vld [tilespmem:s12+$0x60]  }
0x1d7: {  	v4 =	vld [tilespmem:s0+$0xFFFFFF90];
	v10 =	vshll.u32 v7, $0x10;
	v3 =	vmax.f32 v3, $0.0e+00  }
0x1d8: {  	v11 =	vld [tilespmem:s10+$0xFFFFFF10];
	v6 =	vadd.f32 v10, v6;
	[tilespmem:s13+$0xFFFFFF30] =	vst v3;
	v3 =	vand.u32 $0xFFFF0000, v5;
	v1 =	vmax.f32 v1, $0.0e+00  }
0x1d9: {  	v5 =	vld [tilespmem:s15+$0xFFFFFFB0];
	[tilespmem:s9+$0xFFFFFFD0] =	vst v1;
	v3 =	vadd.f32 v3, v8  }
0x1da: {  	v1 =	vmax.f32 v6, $0.0e+00;
	v6 =	vld [tilespmem:s20+$0xFFFFFFE0];
	v8 =	vshll.u32 v9, $0x10  }
0x1db: {  	[tilespmem:s4+$0x10] =	vst v1;
	v1 =	vmax.f32 v3, $0.0e+00;
	v3 =	vld [tilespmem:s12+$0xFFFFFF60];
	v2 =	vadd.f32 v8, v2  }
0x1dc: {  	v8 =	vshll.u32 v4, $0x10;
	v10 =	vld [tilespmem:s10+$0x90];
	[tilespmem:s13+$0xB0] =	vst v1  }
0x1dd: {  	v0 =	vand.u32 $0xFFFF0000, v0;
	v1 =	vadd.f32 v8, v11;
	v11 =	vld [tilespmem:s16+$0x40];
	v2 =	vmax.f32 v2, $0.0e+00  }
0x1de: {  	v0 =	vadd.f32 v0, v5;
	v5 =	vld [tilespmem:s15+$0x40];
	[tilespmem:s9+$0x60] =	vst v2  }
0x1df: {  	v1 =	vmax.f32 v1, $0.0e+00;
	v2 =	vshll.u32 v6, $0x10;
	v8 =	vld [tilespmem:s12+$0xE0]  }
0x1e0: {  	[tilespmem:s4+$0xFFFFFF10] =	vst v1;
	v1 =	vand.u32 $0xFFFF0000, v7;
	v0 =	vmax.f32 v0, $0.0e+00;
	v2 =	vadd.f32 v2, v3  }
0x1e1: {  	v3 =	vld [tilespmem:s10+$0xFFFFFF90];
	v1 =	vadd.f32 v1, v10;
	[tilespmem:s13+$0xFFFFFFB0] =	vst v0  }
0x1e2: {  	v7 =	vld [tilespmem:s16+$0xFFFFFFC0];
	v0 =	vshll.u32 v11, $0x10;
	v2 =	vmax.f32 v2, $0.0e+00  }
0x1e3: {  	v10 =	vld [tilespmem:s15+$0xFFFFFF40];
	v1 =	vmax.f32 v1, $0.0e+00;
	v0 =	vadd.f32 v0, v5;
	[tilespmem:s9+$0xFFFFFF60] =	vst v2;
	v2 =	vand.u32 $0xFFFF0000, v9  }
0x1e4: {  	[tilespmem:s4+$0x90] =	vst v1;
	v1 =	vld [tilespmem:s12+$0xFFFFFFE0];
	v2 =	vadd.f32 v2, v8  }
0x1e5: {  	v4 =	vand.u32 $0xFFFF0000, v4;
	v63 =	vld [tilespmem:s10+$0x20];
	v0 =	vmax.f32 v0, $0.0e+00  }
0x1e6: {  	v5 =	vld [tilespmem:s0+$0x20];
	v3 =	vadd.f32 v4, v3;
	[tilespmem:s13+$0x40] =	vst v0;
	v0 =	vmax.f32 v2, $0.0e+00  }
0x1e7: {  	v2 =	vshll.u32 v7, $0x10;
	v13 =	vld [tilespmem:s15+$0xC0];
	[tilespmem:s9+$0xE0] =	vst v0  }
0x1e8: {  	v4 =	vand.u32 $0xFFFF0000, v6;
	v3 =	vmax.f32 v3, $0.0e+00;
	v6 =	vadd.f32 v2, v10;
	v0 =	vld [tilespmem:s20+$0x70]  }
0x1e9: {  	[tilespmem:s4+$0xFFFFFF90] =	vst v3;
	v2 =	vld [tilespmem:s12+$0x70];
	v1 =	vadd.f32 v4, v1  }
0x1ea: {  	v8 =	vld [tilespmem:s0+$0xFFFFFFA0];
	v3 =	vmax.f32 v6, $0.0e+00  }
0x1eb: {  	v9 =	vld [tilespmem:s10+$0xFFFFFF20];
	[tilespmem:s13+$0xFFFFFF40] =	vst v3;
	v3 =	vshll.u32 v5, $0x10;
	v1 =	vmax.f32 v1, $0.0e+00  }
0x1ec: {  	s11 =	simm.s32 $0x4;
	v4 =	vand.u32 $0xFFFF0000, v7;
	v7 =	vand.u32 $0xFFFF0000, v11;
	v6 =	vld [tilespmem:s15+$0xFFFFFFC0];
	v10 =	vadd.f32 v3, v63;
	[tilespmem:s9+$0xFFFFFFE0] =	vst v1  }
0x1ed: {  	s17 =	simm.s32 $0x2800;
	s1 =	simm.s32 $0x5380;
	v7 =	vadd.f32 v7, v13;
	v1 =	vld [tilespmem:s20+$0xFFFFFFF0];
	v3 =	vshll.u32 v0, $0x10;
	s20 =	simm.s32 $0x8600  }
.LBB2_5:
0x1ee: {  	v11 =	vld [tilespmem:s17+$0x0];
	v10 =	vmax.f32 v10, $0.0e+00;
	s0 =	sadd.s32 $0x100, s0;
	v2 =	vadd.f32 v3, v2  }
0x1ef: {  	v3 =	vld [tilespmem:s0+$0x0];
	v12 =	vshll.u32 v8, $0x10;
	v8 =	vand.u32 $0xFFFF0000, v8;
	[tilespmem:s4+$0x20] =	vst v10;
	v7 =	vmax.f32 v7, $0.0e+00  }
0x1f0: {  	v9 =	vadd.f32 v12, v9;
	v10 =	vld [tilespmem:s10+$0xA0];
	[tilespmem:s13+$0xC0] =	vst v7;
	v2 =	vmax.f32 v2, $0.0e+00  }
0x1f1: {  	v4 =	vadd.f32 v4, v6;
	v6 =	vld [tilespmem:s16+$0x50];
	[tilespmem:s9+$0x70] =	vst v2  }
0x1f2: {  	v2 =	vmax.f32 v9, $0.0e+00;
	v7 =	vshll.u32 v1, $0x10;
	v1 =	vand.u32 $0xFFFF0000, v1;
	v9 =	vld [tilespmem:s12+$0xF0]  }
0x1f3: {  	s11 =	sadd.s32 $0x2, s11;
	[tilespmem:s4+$0xFFFFFF20] =	vst v2;
	v2 =	vmax.f32 v4, $0.0e+00;
	v4 =	vld [tilespmem:s15+$0x50]  }
0x1f4: {  	p0 =	slt.u32 s11, $0x1E;
	v12 =	vld [tilespmem:s0+$0xFFFFFF80];
	v13 =	vshll.u32 v3, $0x10;
	[tilespmem:s13+$0xFFFFFFC0] =	vst v2  }
0x1f5: {  	v5 =	vand.u32 $0xFFFF0000, v5;
	v2 =	vld [tilespmem:s17+$0xFFFFFF00];
	v11 =	vadd.f32 v13, v11  }
0x1f6: {  	v0 =	vand.u32 $0xFFFF0000, v0;
	v5 =	vadd.f32 v5, v10;
	v13 =	vld [tilespmem:s10+$0xFFFFFFA0]  }
0x1f7: {  	s4 =	sadd.s32 $0x200, s4;
	v14 =	vshll.u32 v6, $0x10;
	v10 =	vmax.f32 v11, $0.0e+00;
	v11 =	vld [tilespmem:s16+$0xFFFFFFD0];
	v0 =	vadd.f32 v0, v9  }
0x1f8: {  	v5 =	vmax.f32 v5, $0.0e+00;
	[tilespmem:s4+$0x0] =	vst v10;
	v9 =	vld [tilespmem:s15+$0xFFFFFF50];
	v4 =	vadd.f32 v14, v4  }
0x1f9: {  	v10 =	vshll.u32 v12, $0x10;
	v12 =	vand.u32 $0xFFFF0000, v12;
	v14 =	vld [tilespmem:s17+$0x80];
	[tilespmem:s20+$0xA0] =	vst v5;
	v0 =	vmax.f32 v0, $0.0e+00  }
0x1fa: {  	v2 =	vadd.f32 v10, v2;
	v5 =	vld [tilespmem:s1+$0x30];
	v4 =	vmax.f32 v4, $0.0e+00;
	[tilespmem:s9+$0xF0] =	vst v0  }
0x1fb: {  	v0 =	vadd.f32 v8, v13;
	v8 =	vld [tilespmem:s10+$0x30];
	[tilespmem:s13+$0x50] =	vst v4  }
0x1fc: {  	v2 =	vmax.f32 v2, $0.0e+00;
	v4 =	vshll.u32 v11, $0x10;
	v10 =	vand.u32 $0xFFFF0000, v11;
	v11 =	vld [tilespmem:s15+$0xD0]  }
0x1fd: {  	[tilespmem:s4+$0xFFFFFF00] =	vst v2;
	v2 =	vand.u32 $0xFFFF0000, v3;
	v0 =	vmax.f32 v0, $0.0e+00;
	v3 =	vadd.f32 v4, v9;
	v4 =	vld [tilespmem:s12+$0xFFFFFF70]  }
0x1fe: {  	v9 =	vld [tilespmem:s17+$0xFFFFFF80];
	v2 =	vadd.f32 v2, v14;
	[tilespmem:s20+$0xFFFFFFA0] =	vst v0  }
0x1ff: {  	v0 =	vld [tilespmem:s1+$0xFFFFFFB0];
	v13 =	vshll.u32 v5, $0x10;
	v3 =	vmax.f32 v3, $0.0e+00  }
0x200: {  	v2 =	vmax.f32 v2, $0.0e+00;
	v14 =	vld [tilespmem:s10+$0xFFFFFF30];
	v8 =	vadd.f32 v13, v8;
	[tilespmem:s13+$0xFFFFFF50] =	vst v3;
	v3 =	vand.u32 $0xFFFF0000, v6  }
0x201: {  	[tilespmem:s4+$0x80] =	vst v2;
	v2 =	vld [tilespmem:s15+$0xFFFFFFD0];
	v3 =	vadd.f32 v3, v11  }
0x202: {  	v6 =	vld [tilespmem:s0+$0x10];
	v8 =	vmax.f32 v8, $0.0e+00;
	v4 =	vadd.f32 v7, v4  }
0x203: {  	v7 =	vadd.f32 v12, v9;
	v9 =	vld [tilespmem:s17+$0x10];
	[tilespmem:s20+$0x30] =	vst v8;
	v3 =	vmax.f32 v3, $0.0e+00  }
0x204: {  	v8 =	vshll.u32 v0, $0x10;
	v0 =	vand.u32 $0xFFFF0000, v0;
	v11 =	vld [tilespmem:s10+$0xB0];
	[tilespmem:s13+$0xD0] =	vst v3;
	v3 =	vmax.f32 v4, $0.0e+00  }
0x205: {  	v4 =	vmax.f32 v7, $0.0e+00;
	v7 =	vadd.f32 v8, v14;
	v8 =	vld [tilespmem:s16+$0x60];
	[tilespmem:s9+$0xFFFFFF70] =	vst v3  }
0x206: {  	[tilespmem:s4+$0xFFFFFF80] =	vst v4;
	v2 =	vadd.f32 v10, v2;
	v3 =	vld [tilespmem:s15+$0x60]  }
0x207: {  	v4 =	vld [tilespmem:s0+$0xFFFFFF90];
	v10 =	vshll.u32 v6, $0x10;
	v7 =	vmax.f32 v7, $0.0e+00  }
0x208: {  	v5 =	vand.u32 $0xFFFF0000, v5;
	v12 =	vld [tilespmem:s17+$0xFFFFFF10];
	v9 =	vadd.f32 v10, v9;
	[tilespmem:s20+$0xFFFFFF30] =	vst v7;
	v2 =	vmax.f32 v2, $0.0e+00  }
0x209: {  	v7 =	vld [tilespmem:s10+$0xFFFFFFB0];
	v5 =	vadd.f32 v5, v11;
	[tilespmem:s13+$0xFFFFFFD0] =	vst v2  }
0x20a: {  	v2 =	vmax.f32 v9, $0.0e+00;
	v9 =	vld [tilespmem:s16+$0xFFFFFFE0];
	v10 =	vshll.u32 v8, $0x10  }
0x20b: {  	[tilespmem:s4+$0x10] =	vst v2;
	v2 =	vmax.f32 v5, $0.0e+00;
	v5 =	vld [tilespmem:s15+$0xFFFFFF60];
	v3 =	vadd.f32 v10, v3  }
0x20c: {  	v10 =	vshll.u32 v4, $0x10;
	v4 =	vand.u32 $0xFFFF0000, v4;
	v11 =	vld [tilespmem:s17+$0x90];
	[tilespmem:s20+$0xB0] =	vst v2  }
0x20d: {  	v2 =	vadd.f32 v10, v12;
	v12 =	vld [tilespmem:s1+$0x40];
	v3 =	vmax.f32 v3, $0.0e+00  }
0x20e: {  	v0 =	vadd.f32 v0, v7;
	v7 =	vld [tilespmem:s10+$0x40];
	[tilespmem:s13+$0x60] =	vst v3  }
0x20f: {  	v2 =	vmax.f32 v2, $0.0e+00;
	v3 =	vshll.u32 v9, $0x10;
	v9 =	vand.u32 $0xFFFF0000, v9;
	v10 =	vld [tilespmem:s15+$0xE0]  }
0x210: {  	[tilespmem:s4+$0xFFFFFF10] =	vst v2;
	v2 =	vand.u32 $0xFFFF0000, v6;
	v0 =	vmax.f32 v0, $0.0e+00;
	v3 =	vadd.f32 v3, v5;
	v5 =	vld [tilespmem:s12+$0xFFFFFFF0];
	s12 =	smov.u32 s15;
	s15 =	smov.u32 s10;
	s10 =	smov.u32 s17  }
0x211: {  	v6 =	vld [tilespmem:s17+$0xFFFFFF90];
	v2 =	vadd.f32 v2, v11;
	[tilespmem:s20+$0xFFFFFFB0] =	vst v0  }
0x212: {  	v0 =	vld [tilespmem:s1+$0xFFFFFFC0];
	v11 =	vshll.u32 v12, $0x10;
	v3 =	vmax.f32 v3, $0.0e+00  }
0x213: {  	v2 =	vmax.f32 v2, $0.0e+00;
	v13 =	vld [tilespmem:s15+$0xFFFFFF40];
	v7 =	vadd.f32 v11, v7;
	[tilespmem:s13+$0xFFFFFF60] =	vst v3;
	v3 =	vand.u32 $0xFFFF0000, v8  }
0x214: {  	[tilespmem:s4+$0x90] =	vst v2;
	v2 =	vld [tilespmem:s12+$0xFFFFFFE0];
	v3 =	vadd.f32 v3, v10  }
0x215: {  	v10 =	vld [tilespmem:s17+$0x20];
	v7 =	vmax.f32 v7, $0.0e+00;
	v1 =	vadd.f32 v1, v5  }
0x216: {  	v6 =	vadd.f32 v4, v6;
	v5 =	vld [tilespmem:s0+$0x20];
	[tilespmem:s20+$0x40] =	vst v7;
	v3 =	vmax.f32 v3, $0.0e+00  }
0x217: {  	v7 =	vshll.u32 v0, $0x10;
	v4 =	vand.u32 $0xFFFF0000, v0;
	v11 =	vld [tilespmem:s15+$0xC0];
	[tilespmem:s13+$0xE0] =	vst v3;
	v1 =	vmax.f32 v1, $0.0e+00  }
0x218: {  	v3 =	vmax.f32 v6, $0.0e+00;
	v6 =	vadd.f32 v7, v13;
	v0 =	vld [tilespmem:s16+$0x70];
	[tilespmem:s9+$0xFFFFFFF0] =	vst v1;
	s9 =	smov.u32 s13;
	s13 =	smov.u32 s20;
	s20 =	smov.u32 s4  }
.Ltmp1:
0x219: {  	[tilespmem:s4+$0xFFFFFF90] =	vst v3;
	v1 =	vadd.f32 v9, v2;
	v2 =	vld [tilespmem:s12+$0x70];
	(pc) =	sbr.rel @p0 .LBB2_5-.Ltmp1, $4  }
0x21a: {  	v8 =	vld [tilespmem:s0+$0xFFFFFFA0];
	v3 =	vmax.f32 v6, $0.0e+00  }
0x21b: {  	v9 =	vld [tilespmem:s17+$0xFFFFFF20];
	v6 =	vshll.u32 v5, $0x10;
	[tilespmem:s13+$0xFFFFFF40] =	vst v3;
	v1 =	vmax.f32 v1, $0.0e+00  }
0x21c: {  	v3 =	vand.u32 $0xFFFF0000, v12;
	v10 =	vadd.f32 v6, v10;
	v6 =	vld [tilespmem:s15+$0xFFFFFFC0];
	[tilespmem:s9+$0xFFFFFFE0] =	vst v1  }
0x21d: {  	s17 =	sadd.s32 $0x200, s17;
	v7 =	vadd.f32 v3, v11;
	v1 =	vld [tilespmem:s16+$0xFFFFFFF0];
	v3 =	vshll.u32 v0, $0x10;
	s16 =	smov.u32 s1;
	s1 =	smov.u32 s0  }
0x21e: {  	_ = 	snop  }
0x21f: {  	v11 =	vshll.u32 v8, $0x10  }
0x220: {  	v10 =	vmax.f32 v10, $0.0e+00;
	v9 =	vadd.f32 v11, v9  }
0x221: {  	[tilespmem:s4+$0x20] =	vst v10  }
0x222: {  	v10 =	vld [tilespmem:s10+$0xA0];
	v9 =	vmax.f32 v9, $0.0e+00  }
0x223: {  	[tilespmem:s4+$0xFFFFFF20] =	vst v9  }
0x224: {  	v9 =	vld [tilespmem:s10+$0xFFFFFFA0];
	_ =	sdelay $0x1  }
0x225: {  	v5 =	vand.u32 $0xFFFF0000, v5  }
0x226: {  	v5 =	vadd.f32 v5, v10  }
0x227: {  	v45 =	vand.u32 $0xFFFF0000, v8  }
0x228: {  	v5 =	vmax.f32 v5, $0.0e+00;
	v8 =	vadd.f32 v45, v9  }
0x229: {  	[tilespmem:s20+$0xA0] =	vst v5  }
0x22a: {  	v5 =	vld [tilespmem:s1+$0x30];
	v8 =	vmax.f32 v8, $0.0e+00  }
0x22b: {  	v46 =	vld [tilespmem:s10+$0x30];
	[tilespmem:s20+$0xFFFFFFA0] =	vst v8  }
0x22c: {  	v8 =	vld [tilespmem:s1+$0xFFFFFFB0]  }
0x22d: {  	v47 =	vld [tilespmem:s10+$0xFFFFFF30];
	_ =	sdelay $0x1  }
0x22e: {  	v48 =	vshll.u32 v5, $0x10  }
0x22f: {  	v9 =	vadd.f32 v48, v46  }
0x230: {  	v49 =	vshll.u32 v8, $0x10  }
0x231: {  	v9 =	vmax.f32 v9, $0.0e+00;
	v10 =	vadd.f32 v49, v47  }
0x232: {  	[tilespmem:s20+$0x30] =	vst v9  }
0x233: {  	v9 =	vld [tilespmem:s10+$0xB0];
	v10 =	vmax.f32 v10, $0.0e+00  }
0x234: {  	[tilespmem:s20+$0xFFFFFF30] =	vst v10  }
0x235: {  	v10 =	vld [tilespmem:s10+$0xFFFFFFB0];
	_ =	sdelay $0x1  }
0x236: {  	v5 =	vand.u32 $0xFFFF0000, v5  }
0x237: {  	v5 =	vadd.f32 v5, v9  }
0x238: {  	v8 =	vand.u32 $0xFFFF0000, v8  }
0x239: {  	v5 =	vmax.f32 v5, $0.0e+00;
	v8 =	vadd.f32 v8, v10  }
0x23a: {  	[tilespmem:s20+$0xB0] =	vst v5  }
0x23b: {  	v5 =	vld [tilespmem:s1+$0x40];
	v8 =	vmax.f32 v8, $0.0e+00  }
0x23c: {  	v50 =	vld [tilespmem:s10+$0x40];
	[tilespmem:s20+$0xFFFFFFB0] =	vst v8  }
0x23d: {  	v8 =	vld [tilespmem:s1+$0xFFFFFFC0]  }
0x23e: {  	v51 =	vld [tilespmem:s10+$0xFFFFFF40];
	_ =	sdelay $0x1  }
0x23f: {  	v52 =	vshll.u32 v5, $0x10  }
0x240: {  	v9 =	vadd.f32 v52, v50  }
0x241: {  	v53 =	vshll.u32 v8, $0x10  }
0x242: {  	v9 =	vmax.f32 v9, $0.0e+00;
	v10 =	vadd.f32 v53, v51  }
0x243: {  	[tilespmem:s20+$0x40] =	vst v9  }
0x244: {  	v4 =	vadd.f32 v4, v6;
	v9 =	vld [tilespmem:s10+$0xC0];
	v10 =	vmax.f32 v10, $0.0e+00  }
0x245: {  	[tilespmem:s20+$0xFFFFFF40] =	vst v10  }
0x246: {  	v4 =	vmax.f32 v4, $0.0e+00;
	v10 =	vld [tilespmem:s10+$0xFFFFFFC0]  }
0x247: {  	[tilespmem:s13+$0xFFFFFFC0] =	vst v4  }
0x248: {  	v7 =	vmax.f32 v7, $0.0e+00;
	v56 =	vld [tilespmem:s16+$0xFFFFFFD0];
	v5 =	vand.u32 $0xFFFF0000, v5  }
0x249: {  	[tilespmem:s13+$0xC0] =	vst v7;
	v57 =	vld [tilespmem:s15+$0xFFFFFF50];
	v5 =	vadd.f32 v5, v9  }
0x24a: {  	v54 =	vld [tilespmem:s16+$0x50];
	v55 =	vand.u32 $0xFFFF0000, v8  }
0x24b: {  	v7 =	vld [tilespmem:s15+$0x50];
	v5 =	vmax.f32 v5, $0.0e+00;
	v4 =	vadd.f32 v55, v10  }
0x24c: {  	[tilespmem:s20+$0xC0] =	vst v5  }
0x24d: {  	v62 =	vshll.u32 v56, $0x10;
	v5 =	vld [tilespmem:s1+$0x50];
	v4 =	vmax.f32 v4, $0.0e+00  }
0x24e: {  	v9 =	vadd.f32 v62, v57;
	v59 =	vld [tilespmem:s10+$0x50];
	[tilespmem:s20+$0xFFFFFFC0] =	vst v4  }
0x24f: {  	v58 =	vshll.u32 v54, $0x10;
	v61 =	vld [tilespmem:s1+$0xFFFFFFD0]  }
0x250: {  	v60 =	vadd.f32 v58, v7;
	v9 =	vmax.f32 v9, $0.0e+00;
	v12 =	vld [tilespmem:s10+$0xFFFFFF50]  }
0x251: {  	[tilespmem:s13+$0xFFFFFF50] =	vst v9  }
0x252: {  	v15 =	vld [tilespmem:s15+$0xFFFFFFD0];
	v4 =	vmax.f32 v60, $0.0e+00;
	v63 =	vshll.u32 v5, $0x10  }
0x253: {  	[tilespmem:s13+$0x50] =	vst v4;
	v4 =	vadd.f32 v63, v59  }
0x254: {  	v13 =	vld [tilespmem:s15+$0xD0];
	v14 =	vshll.u32 v61, $0x10  }
0x255: {  	v4 =	vmax.f32 v4, $0.0e+00;
	v9 =	vadd.f32 v14, v12  }
0x256: {  	v8 =	vand.u32 $0xFFFF0000, v56;
	[tilespmem:s20+$0x50] =	vst v4  }
0x257: {  	v8 =	vadd.f32 v8, v15;
	v17 =	vld [tilespmem:s10+$0xD0];
	v9 =	vmax.f32 v9, $0.0e+00  }
0x258: {  	v16 =	vand.u32 $0xFFFF0000, v54;
	[tilespmem:s20+$0xFFFFFF50] =	vst v9  }
0x259: {  	v8 =	vmax.f32 v8, $0.0e+00;
	v4 =	vadd.f32 v16, v13;
	v9 =	vld [tilespmem:s10+$0xFFFFFFD0]  }
0x25a: {  	[tilespmem:s13+$0xFFFFFFD0] =	vst v8  }
0x25b: {  	v18 =	vand.u32 $0xFFFF0000, v5;
	v8 =	vld [tilespmem:s16+$0xFFFFFFE0];
	v4 =	vmax.f32 v4, $0.0e+00  }
0x25c: {  	v21 =	vld [tilespmem:s15+$0xFFFFFF60];
	[tilespmem:s13+$0xD0] =	vst v4;
	v4 =	vadd.f32 v18, v17  }
0x25d: {  	v7 =	vand.u32 $0xFFFF0000, v61;
	v19 =	vld [tilespmem:s16+$0x60]  }
0x25e: {  	v20 =	vld [tilespmem:s15+$0x60];
	v4 =	vmax.f32 v4, $0.0e+00;
	v7 =	vadd.f32 v7, v9  }
0x25f: {  	[tilespmem:s20+$0xD0] =	vst v4  }
0x260: {  	v4 =	vld [tilespmem:s1+$0x60];
	v7 =	vmax.f32 v7, $0.0e+00  }
0x261: {  	v24 =	vshll.u32 v8, $0x10;
	v23 =	vld [tilespmem:s10+$0x60];
	[tilespmem:s20+$0xFFFFFFD0] =	vst v7  }
0x262: {  	v22 =	vshll.u32 v19, $0x10;
	v9 =	vadd.f32 v24, v21;
	v7 =	vld [tilespmem:s1+$0xFFFFFFE0]  }
0x263: {  	v6 =	vadd.f32 v22, v20;
	v25 =	vld [tilespmem:s10+$0xFFFFFF60]  }
0x264: {  	v9 =	vmax.f32 v9, $0.0e+00  }
0x265: {  	v6 =	vmax.f32 v6, $0.0e+00;
	[tilespmem:s13+$0xFFFFFF60] =	vst v9;
	v26 =	vshll.u32 v4, $0x10  }
0x266: {  	[tilespmem:s13+$0x60] =	vst v6;
	v29 =	vld [tilespmem:s15+$0xFFFFFFE0];
	v6 =	vadd.f32 v26, v23  }
0x267: {  	v28 =	vshll.u32 v7, $0x10  }
0x268: {  	v27 =	vld [tilespmem:s15+$0xE0];
	v6 =	vmax.f32 v6, $0.0e+00;
	v9 =	vadd.f32 v28, v25  }
0x269: {  	[tilespmem:s20+$0x60] =	vst v6  }
0x26a: {  	v8 =	vand.u32 $0xFFFF0000, v8;
	v6 =	vld [tilespmem:s10+$0xE0];
	v9 =	vmax.f32 v9, $0.0e+00  }
0x26b: {  	v8 =	vadd.f32 v8, v29;
	[tilespmem:s20+$0xFFFFFF60] =	vst v9  }
0x26c: {  	v5 =	vand.u32 $0xFFFF0000, v19;
	v9 =	vld [tilespmem:s10+$0xFFFFFFE0]  }
0x26d: {  	v5 =	vadd.f32 v5, v27;
	v8 =	vmax.f32 v8, $0.0e+00  }
0x26e: {  	v30 =	vld [tilespmem:s12+$0xFFFFFF70];
	v4 =	vand.u32 $0xFFFF0000, v4;
	[tilespmem:s13+$0xFFFFFFE0] =	vst v8  }
0x26f: {  	v5 =	vmax.f32 v5, $0.0e+00;
	v8 =	vld [tilespmem:s16+$0xFFFFFFF0];
	v4 =	vadd.f32 v4, v6  }
0x270: {  	v7 =	vand.u32 $0xFFFF0000, v7;
	[tilespmem:s13+$0xE0] =	vst v5;
	v32 =	vld [tilespmem:s15+$0xFFFFFF70]  }
0x271: {  	v5 =	vld [tilespmem:s16+$0x70];
	v4 =	vmax.f32 v4, $0.0e+00;
	v7 =	vadd.f32 v7, v9  }
0x272: {  	v31 =	vld [tilespmem:s15+$0x70];
	[tilespmem:s20+$0xE0] =	vst v4  }
0x273: {  	v4 =	vld [tilespmem:s1+$0x70];
	v7 =	vmax.f32 v7, $0.0e+00  }
0x274: {  	v33 =	vld [tilespmem:s10+$0x70];
	[tilespmem:s20+$0xFFFFFFE0] =	vst v7  }
0x275: {  	v7 =	vld [tilespmem:s1+$0xFFFFFFF0]  }
0x276: {  	v2 =	vadd.f32 v3, v2;
	v34 =	vshll.u32 v1, $0x10;
	v35 =	vld [tilespmem:s10+$0xFFFFFF70]  }
0x277: {  	v3 =	vadd.f32 v34, v30;
	v37 =	vshll.u32 v8, $0x10  }
0x278: {  	v2 =	vmax.f32 v2, $0.0e+00;
	v36 =	vshll.u32 v5, $0x10;
	v39 =	vadd.f32 v37, v32  }
0x279: {  	[tilespmem:s9+$0x70] =	vst v2;
	v38 =	vmax.f32 v3, $0.0e+00;
	v6 =	vadd.f32 v36, v31;
	v40 =	vshll.u32 v4, $0x10  }
0x27a: {  	v41 =	vld [tilespmem:s12+$0xF0];
	[tilespmem:s9+$0xFFFFFF70] =	vst v38;
	v3 =	vmax.f32 v39, $0.0e+00;
	v9 =	vadd.f32 v40, v33;
	v42 =	vshll.u32 v7, $0x10  }
0x27b: {  	v43 =	vld [tilespmem:s12+$0xFFFFFFF0];
	v6 =	vmax.f32 v6, $0.0e+00;
	[tilespmem:s13+$0xFFFFFF70] =	vst v3;
	v10 =	vadd.f32 v42, v35  }
0x27c: {  	[tilespmem:s13+$0x70] =	vst v6;
	v46 =	vld [tilespmem:s15+$0xFFFFFFF0];
	v45 =	vmax.f32 v9, $0.0e+00  }
0x27d: {  	v44 =	vld [tilespmem:s15+$0xF0];
	[tilespmem:s20+$0x70] =	vst v45;
	v47 =	vmax.f32 v10, $0.0e+00  }
0x27e: {  	v0 =	vand.u32 $0xFFFF0000, v0;
	v48 =	vld [tilespmem:s10+$0xF0];
	[tilespmem:s20+$0xFFFFFF70] =	vst v47  }
0x27f: {  	v0 =	vadd.f32 v0, v41;
	v49 =	vand.u32 $0xFFFF0000, v1;
	v50 =	vld [tilespmem:s10+$0xFFFFFFF0]  }
0x280: {  	v1 =	vadd.f32 v49, v43;
	v52 =	vand.u32 $0xFFFF0000, v8  }
0x281: {  	v0 =	vmax.f32 v0, $0.0e+00;
	v51 =	vand.u32 $0xFFFF0000, v5;
	v54 =	vadd.f32 v52, v46  }
0x282: {  	[tilespmem:s9+$0xF0] =	vst v0;
	v53 =	vmax.f32 v1, $0.0e+00;
	v4 =	vand.u32 $0xFFFF0000, v4;
	v3 =	vadd.f32 v51, v44  }
0x283: {  	[tilespmem:s9+$0xFFFFFFF0] =	vst v53;
	v56 =	vand.u32 $0xFFFF0000, v7;
	v57 =	vmax.f32 v54, $0.0e+00;
	v4 =	vadd.f32 v4, v48  }
0x284: {  	v55 =	vmax.f32 v3, $0.0e+00;
	[tilespmem:s13+$0xFFFFFFF0] =	vst v57;
	v58 =	vadd.f32 v56, v50  }
0x285: {  	[tilespmem:s13+$0xF0] =	vst v55;
	v59 =	vmax.f32 v4, $0.0e+00  }
0x286: {  	[tilespmem:s20+$0xF0] =	vst v59;
	v60 =	vmax.f32 v58, $0.0e+00  }
0x287: {  	[tilespmem:s20+$0xFFFFFFF0] =	vst v60  }
0x288: {  	v0 =	vld [tilespmem:$0xC0]  }
0x289: {  	v61 =	vld [tilespmem:$0xD0]  }
0x28a: {  	v62 =	vld [tilespmem:$0xE0]  }
0x28b: {  	v63 =	vld [tilespmem:$0xF0]  }
0x28c: {  	s0 =	sadd.s32 $0x3, s23  }
0x28d: {  	p0 =	sge.s32 s0, s6;
	[tilespmem:$0xA180] =	vst v0  }
0x28e: {  	s0 =	sadd.s32 @!p0 s8, s0;
	[tilespmem:$0xA190] =	vst v61  }
0x28f: {  	s0 =	sshll.u32 @!p0 s0, $0x4;
	[tilespmem:$0xA1A0] =	vst v62  }
0x290: {  	s22 =	sadd.s32 $0x1, s22;
	s0 =	sand.u32 @!p0 $0x1FFFFFF0, s0;
	[tilespmem:$0xA1B0] =	vst v63  }
0x291: {  	[spmem:s3] =	stream.indirect.scatter.add.f32 [tilespmem:s31], [sflag:$0x8], $0x80, s30, s21, $0xb8;
	[tilespmem:$0x1DE00] =	vst v63  }
0x292: {  	s0 =	sadd.s32 @!p0 s7, s0;
	s4 =	simm.s32 @!p0 $0x80;
	s1 =	simm.s32 @!p0 $0x0  }
0x293: {  	[tilespmem:s4], [sflag:$0x2] =	stream.linear.gather @!p0 [hbm4b:s0+s1], $0x80, $0x38;
	[tilespmem:$0x1DE00] =	vst v63  }
0x294: {  	p0 =	sne.s32 s22, s14  }
.Ltmp2:
0x295: {  	_ = 	snop;
	(pc) =	sbr.rel @p0 .LBB2_2-.Ltmp2, $1  }
0x296: {  	_ =	sdelay $0x3  }
0x297: {  	s0 =	simm.s32 $0x7  }
0x298: {  	_ =	swait.ge [sflag:s0], $0x2000  }
0x299: {  	[sflag:s0] =	ssyncset.done $0x0  }
0x29a: {  	s20 =	simm.s32 $0x8;
	[sflag:s0] =	ssyncadd.s32 $0xFFFFE000  }
0x29b: {  	_ =	swait.ge [sflag:s20], $0x2000  }
0x29c: {  	[sflag:s20] =	ssyncset.done $0x0  }
0x29d: {  	[sflag:s20] =	ssyncadd.s32 $0xFFFFE000  }
0x29e: {  	[bflag:$0x0] =	sbarrier.arrive $0xFFFF  }
0x29f: {  	s10 =	rddreg [dreg:$0x6]  }
0x2a0: {  	s22 =	rddreg [dreg:$0x9]  }
0x2a1: {  	s1 =	rddreg [dreg:$0xb]  }
0x2a2: {  	[hbm:s22], [sflag:s10] =	dma.local [spmem:s1], $0x2780  }
0x2a3: {  	_ =	swait.ge [sflag:s18], $0x2780  }
0x2a4: {  	s19 =	sadd.s32 $0x1, s19;
	s23 =	rddreg [dreg:$0xa]  }
0x2a5: {  	p0 =	sne.s32 s19, s23  }
.Ltmp3:
0x2a6: {  	_ = 	snop;
	(pc) =	sbr.rel @p0 .LBB2_1-.Ltmp3, $3  }
0x2a7: {  	_ =	sdelay $0x1  }
0x2a8: {  	[sflag:s18] =	ssyncset.done $0x0  }
0x2a9: {  	[sflag:s18] =	ssyncadd.s32 $0xFFFFD880  }
0x2aa: {  	_ =	sfence.sel $0x180000  }
0x2ab: {  	[bflag:$0x0] =	sbarrier.arrive $0xFFFF  }
0x2ac: {  	_ =	strace $0x90000047  }
0x2ad: {  	s0 =	stileid.u32;
	[bflag:$0x2] =	sbarrier.arrive $0xFFFF  }
0x2ae: {  	p0 =	sne.s32 s0, $0x0;
	s0 =	rddreg [dreg:$0x3]  }
0x2af: {  	s0 =	sadd.s32 @!p0 $0x100000, s0  }
0x2b0: {  	[sflag:s0] =	ssyncadd.tile.s32 @!p0 $0x1;
	_ =	shalt  }
.Lfunc_end2:
_tile_overlayer_lowered:
.L_overlay_start_2:
0x2b1: {  	(tag) =	ssettag $0x2  }
0x2b2: {  	s0 =	rddreg [dreg:$0x0];
	s2 =	stileid.u32  }
0x2b3: {  	s1 =	rddreg [dreg:$0x1];
	p0 =	sne.s32 s2, $0x0  }
0x2b4: {  	s3 =	rddreg [dreg:$0x2];
	[bflag:$0x3] =	sbarrier.arrive $0xFFFF;
	s2 =	simm.s32 @!p0 $0x1C09  }
0x2b5: {  	[timem:s3], [sflag:s2] =	dma.local @!p0 [hbm:s0], s1  }
0x2b6: {  	s0 =	simm.s32 @!p0 $0x9  }
0x2b7: {  	_ =	swait.ge @!p0 [sflag:s0], s1  }
0x2b8: {  	s1 =	ssub.s32 @!p0 $0x0, s1;
	[sflag:s0] =	ssyncset.done @!p0 $0x0  }
0x2b9: {  	[sflag:s0] =	ssyncadd.s32 @!p0 s1  }
0x2ba: {  	[bflag:$0x3] =	sbarrier.arrive $0xFFFF  }
0x2bb: {  	_ =	shalt  }

</sc_bundles>
